<compile_context>
chip_gen: v7x
topology: tpu7x:2x2x1
jax: 0.10.2.dev20260603
libtpu: 0.0.44.dev20260713+nightly
codegen_flags: <defaults>
</compile_context>

<pallas_src>
import functools

import jax
import jax.numpy as jnp
from jax import lax
from jax.experimental import pallas as pl
from jax.experimental.pallas import tpu as pltpu
from jax.experimental.pallas import tpu_sc as plsc

N = 10000
D = 128
E = 320000
NG = 64
GRID = 8
NCLS = 10
GRID_MIN, GRID_MAX = -2.0, 2.0
EPS = 1e-5

NC, NS = 2, 16
NW = NC * NS
CHUNK = 128
N_PAD = 10240
ROWS_PER_TILE = N_PAD // NS
NCHUNK = 2 * (-(-E // (NW * CHUNK * 2)))
EPW = NCHUNK * CHUNK
EP = EPW * NW
RBLK = 512
NBLK = N_PAD // RBLK



def _sc_agg_body(h_hbm, src_hbm, dst_hbm, out_hbm,
                 srcv0, dstv0, srcv1, dstv1, rows0, rows1, acc, sem0, sem1):
    c = lax.axis_index("c")
    s = lax.axis_index("s")
    wid = s * NC + c
    base = pl.multiple_of(wid * EPW, 8)

    def fetch_idx(j, sv, dv):
        off = pl.multiple_of(base + j * CHUNK, 8)
        pltpu.sync_copy(src_hbm.at[pl.ds(off, CHUNK)], sv)
        pltpu.sync_copy(dst_hbm.at[pl.ds(off, CHUNK)], dv)

    fetch_idx(0, srcv0, dstv0)
    pltpu.async_copy(h_hbm.at[srcv0], rows0, sem0)
    fetch_idx(1, srcv1, dstv1)

    def zrow(i, carry):
        for j in range(D // 16):
            rows1[i, pl.ds(j * 16, 16)] = jnp.zeros((16,), jnp.float32)
        return carry
    lax.fori_loop(0, CHUNK, zrow, 0)
    for k in range(ROWS_PER_TILE // CHUNK):
        pltpu.sync_copy(rows1, acc.at[pl.ds(s * ROWS_PER_TILE + k * CHUNK, CHUNK)])
    plsc.subcore_barrier()
    pltpu.async_copy(h_hbm.at[srcv1], rows1, sem1)

    def pair(k, carry):
        j0 = 2 * k
        pltpu.make_async_copy(h_hbm.at[srcv0], rows0, sem0).wait()
        pltpu.sync_copy(rows0, acc.at[dstv0], add=True)
        fetch_idx(lax.rem(j0 + 2, NCHUNK), srcv0, dstv0)
        pltpu.async_copy(h_hbm.at[srcv0], rows0, sem0)
        pltpu.make_async_copy(h_hbm.at[srcv1], rows1, sem1).wait()
        pltpu.sync_copy(rows1, acc.at[dstv1], add=True)
        fetch_idx(lax.rem(j0 + 3, NCHUNK), srcv1, dstv1)
        pltpu.async_copy(h_hbm.at[srcv1], rows1, sem1)
        return carry
    lax.fori_loop(0, NCHUNK // 2, pair, 0)
    pltpu.make_async_copy(h_hbm.at[srcv0], rows0, sem0).wait()
    pltpu.make_async_copy(h_hbm.at[srcv1], rows1, sem1).wait()
    plsc.subcore_barrier()

    r0 = pl.multiple_of(s * ROWS_PER_TILE, 8)
    pltpu.sync_copy(acc.at[pl.ds(r0, ROWS_PER_TILE)],
                    out_hbm.at[c].at[pl.ds(r0, ROWS_PER_TILE)])


def _sc_aggregate(h, src_p, dst_p):
    mesh = plsc.VectorSubcoreMesh(core_axis_name="c", subcore_axis_name="s",
                                  num_cores=NC, num_subcores=NS)
    f = pl.kernel(
        _sc_agg_body,
        out_type=jax.ShapeDtypeStruct((NC, N_PAD, D), jnp.float32),
        mesh=mesh,
        scratch_types=[
            pltpu.VMEM((CHUNK,), jnp.int32),
            pltpu.VMEM((CHUNK,), jnp.int32),
            pltpu.VMEM((CHUNK,), jnp.int32),
            pltpu.VMEM((CHUNK,), jnp.int32),
            pltpu.VMEM((CHUNK, D), jnp.float32),
            pltpu.VMEM((CHUNK, D), jnp.float32),
            pltpu.VMEM_SHARED((N_PAD, D), jnp.float32),
            pltpu.SemaphoreType.DMA,
            pltpu.SemaphoreType.DMA,
        ],
    )
    return f(h, src_p, dst_p)



def _kan_sublayer(y, g, b, swT, sb, bwT, bb):
    mu = jnp.mean(y, axis=1, keepdims=True)
    d = y - mu
    var = jnp.mean(d * d, axis=1, keepdims=True)
    xn = d * lax.rsqrt(var + EPS) * g + b
    inv = (GRID - 1) / (GRID_MAX - GRID_MIN)
    step = (GRID_MAX - GRID_MIN) / (GRID - 1)
    parts = []
    for k in range(GRID):
        t = (xn - (GRID_MIN + k * step)) * inv
        parts.append(jnp.exp(-(t * t)))
    basis = jnp.concatenate(parts, axis=1)
    sil = xn * jax.nn.sigmoid(xn)
    return (jnp.dot(basis, swT, preferred_element_type=jnp.float32) + sb
            + jnp.dot(sil, bwT, preferred_element_type=jnp.float32) + bb)


def _conv_kan_body(h, p0, p1,
                   g1, b1, swT1, sb1, bwT1, bb1,
                   g2, b2, swT2, sb2, bwT2, bb2,
                   u_out, stats_out):
    i = pl.program_id(0)
    y = h[...] + p0[...] + p1[...]
    u = _kan_sublayer(y, g1[...], b1[...], swT1[...], sb1[...], bwT1[...], bb1[...])
    u = _kan_sublayer(u, g2[...], b2[...], swT2[...], sb2[...], bwT2[...], bb2[...])
    rid = i * RBLK + lax.broadcasted_iota(jnp.int32, (RBLK, 1), 0)
    u = jnp.where(rid < N, u, 0.0)
    u_out[...] = u
    st = jnp.concatenate([jnp.sum(u, axis=0, keepdims=True),
                          jnp.sum(u * u, axis=0, keepdims=True)], axis=0)

    @pl.when(i == 0)
    def _():
        stats_out[...] = st

    @pl.when(i > 0)
    def _():
        stats_out[...] = stats_out[...] + st


def _bn_affine(stats, g, b):
    mu = stats[0:1, :] * (1.0 / N)
    var = stats[1:2, :] * (1.0 / N) - mu * mu
    a = g * lax.rsqrt(var + EPS)
    c = b - mu * a
    return a, c


def _bn_apply_body(u, stats, g, b, h_out):
    i = pl.program_id(0)
    a, c = _bn_affine(stats[...], g[...], b[...])
    rid = i * RBLK + lax.broadcasted_iota(jnp.int32, (RBLK, 1), 0)
    h_out[...] = jnp.where(rid < N, u[...] * a + c, 0.0)


def _pool_kan_body(u, stats, g, b, batch3,
                   kg1, kb1, kswT1, ksb1, kbwT1, kbb1,
                   kg2, kb2, kswT2, ksb2, kbwT2, kbb2,
                   out, pooled_acc):
    i = pl.program_id(0)
    a, c = _bn_affine(stats[...], g[...], b[...])
    rid = i * RBLK + lax.broadcasted_iota(jnp.int32, (RBLK, 1), 0)
    hb = jnp.where(rid < N, u[...] * a + c, 0.0)
    gids = lax.broadcasted_iota(jnp.int32, (NG, RBLK), 0)
    bm = jnp.broadcast_to(batch3[0], (NG, RBLK))
    oh = (gids == bm).astype(jnp.float32)
    part = jnp.dot(oh, hb, preferred_element_type=jnp.float32)

    @pl.when(i == 0)
    def _():
        pooled_acc[...] = part

    @pl.when(i > 0)
    def _():
        pooled_acc[...] = pooled_acc[...] + part

    @pl.when(i == NBLK - 1)
    def _():
        pool = pooled_acc[...]
        z = _kan_sublayer(pool, kg1[...], kb1[...], kswT1[...], ksb1[...],
                          kbwT1[...], kbb1[...])
        z = _kan_sublayer(z, kg2[...], kb2[...], kswT2[...], ksb2[...],
                          kbwT2[...], kbb2[...])
        cid = lax.broadcasted_iota(jnp.int32, (NG, D), 1)
        zm = jnp.where(cid < NCLS, z, -1e30)
        m = jnp.max(zm, axis=1, keepdims=True)
        ex = jnp.exp(zm - m)
        out[...] = zm - m - jnp.log(jnp.sum(ex, axis=1, keepdims=True))



def _prep_sub(p, dout_pad=None):
    dout, dtot = p['sw'].shape
    din = dtot // GRID
    swT = p['sw'].reshape(dout, din, GRID).transpose(2, 1, 0).reshape(GRID * din, dout)
    bwT = p['bw'].T
    sb = p['sb'].reshape(1, dout)
    bb = p['bb'].reshape(1, dout)
    g = p['ln_g'].reshape(1, din)
    b = p['ln_b'].reshape(1, din)
    if dout_pad is not None and dout_pad != dout:
        swT = jnp.pad(swT, ((0, 0), (0, dout_pad - dout)))
        bwT = jnp.pad(bwT, ((0, 0), (0, dout_pad - dout)))
        sb = jnp.pad(sb, ((0, 0), (0, dout_pad - dout)))
        bb = jnp.pad(bb, ((0, 0), (0, dout_pad - dout)))
    return (g, b, swT, sb, bwT, bb)


def _wspecs(ws):
    return [pl.BlockSpec(w.shape, lambda i: (0,) * w.ndim) for w in ws]



def kernel(x, edge_index, batch, params):
    trash = N + jnp.arange(EP - E, dtype=jnp.int32) % (N_PAD - N)
    src_p = jnp.concatenate([edge_index[0].astype(jnp.int32), trash])
    dst_p = jnp.concatenate([edge_index[1].astype(jnp.int32), trash])
    h = jnp.zeros((N_PAD, D), jnp.float32).at[:N].set(x)
    batch3 = jnp.full((N_PAD,), NG, jnp.int32).at[:N].set(batch)
    batch3 = batch3.reshape(NBLK, 1, RBLK)

    row_spec = pl.BlockSpec((RBLK, D), lambda i: (i, 0))
    stats_spec = pl.BlockSpec((2, D), lambda i: (0, 0))
    vec_spec = pl.BlockSpec((1, D), lambda i: (0, 0))

    out = None
    for li in range(3):
        ws = (_prep_sub(params['convs'][li][0])
              + _prep_sub(params['convs'][li][1]))
        p = _sc_aggregate(h, src_p, dst_p)
        u, stats = pl.pallas_call(
            _conv_kan_body,
            grid=(NBLK,),
            in_specs=[row_spec, row_spec, row_spec] + _wspecs(ws),
            out_specs=[row_spec, stats_spec],
            out_shape=[jax.ShapeDtypeStruct((N_PAD, D), jnp.float32),
                       jax.ShapeDtypeStruct((2, D), jnp.float32)],
        )(h, p[0], p[1], *ws)
        bng = params['bn'][li]['g'].reshape(1, D)
        bnb = params['bn'][li]['b'].reshape(1, D)
        if li < 2:
            h = pl.pallas_call(
                _bn_apply_body,
                grid=(NBLK,),
                in_specs=[row_spec, stats_spec, vec_spec, vec_spec],
                out_specs=row_spec,
                out_shape=jax.ShapeDtypeStruct((N_PAD, D), jnp.float32),
            )(u, stats, bng, bnb)
        else:
            kw = (_prep_sub(params['kan'][0])
                  + _prep_sub(params['kan'][1], dout_pad=D))
            out = pl.pallas_call(
                _pool_kan_body,
                grid=(NBLK,),
                in_specs=([row_spec, stats_spec, vec_spec, vec_spec,
                           pl.BlockSpec((1, 1, RBLK), lambda i: (i, 0, 0))]
                          + _wspecs(kw)),
                out_specs=pl.BlockSpec((NG, D), lambda i: (0, 0)),
                out_shape=jax.ShapeDtypeStruct((NG, D), jnp.float32),
                scratch_shapes=[pltpu.VMEM((NG, D), jnp.float32)],
            )(u, stats, bng, bnb, batch3, *kw)
    return out[:, :NCLS]

# --- scband reference (transcript-rebuilt; emitter-appended) ---
"""Pipeline reference for scband-fastkagin-6640019439795 (READ-ONLY COPY).

The authoritative reference and input builder live on the scoring server;
editing this copy changes nothing except your own understanding.
"""

import jax, jax.numpy as jnp
import numpy as np

N_NODES = 10000
N_EDGES = 320000
D_FEAT = 128
HIDDEN = 128
N_CLASSES = 10
GRID = 8
GNN_LAYERS = 3
HIDDEN_LAYERS = 2
N_GRAPHS = 64
GRID_MIN, GRID_MAX = -2.0, 2.0


def _fastkan_params(key, sizes, grid_size):
    layers = []
    for i in range(len(sizes) - 1):
        din, dout = sizes[i], sizes[i + 1]
        key, k1, k2 = jax.random.split(key, 3)
        layers.append({
            'ln_g': jnp.ones((din,), jnp.float32),
            'ln_b': jnp.zeros((din,), jnp.float32),
            'sw': (jax.random.normal(k1, (dout, din * grid_size), jnp.float32) * 0.05),
            'sb': jnp.zeros((dout,), jnp.float32),
            'bw': (jax.random.normal(k2, (dout, din), jnp.float32) * 0.05),
            'bb': jnp.zeros((dout,), jnp.float32),
        })
    return layers, key


def setup_inputs(seed: int = 0) -> dict:
    key = jax.random.key(seed)
    kx, ke, kb, kp = jax.random.split(key, 4)
    x = jax.random.normal(kx, (N_NODES, D_FEAT), jnp.float32)
    edge_index = jax.random.randint(ke, (2, N_EDGES), 0, N_NODES, dtype=jnp.int32)
    batch = jnp.sort(jax.random.randint(kb, (N_NODES,), 0, N_GRAPHS, dtype=jnp.int32))
    convs = []
    sizes0 = [D_FEAT] + [HIDDEN] * (HIDDEN_LAYERS - 1) + [HIDDEN]
    lyr, kp = _fastkan_params(kp, sizes0, GRID)
    convs.append(lyr)
    for _ in range(GNN_LAYERS - 1):
        sizes = [HIDDEN] + [HIDDEN] * (HIDDEN_LAYERS - 1) + [HIDDEN]
        lyr, kp = _fastkan_params(kp, sizes, GRID)
        convs.append(lyr)
    bn = [{'g': jnp.ones((HIDDEN,), jnp.float32), 'b': jnp.zeros((HIDDEN,), jnp.float32)} for _ in range(GNN_LAYERS)]
    kan_sizes = [HIDDEN] + [HIDDEN] * (HIDDEN_LAYERS - 1) + [N_CLASSES]
    kan, kp = _fastkan_params(kp, kan_sizes, GRID)
    params = {'convs': convs, 'bn': bn, 'kan': kan}
    return {'x': x, 'edge_index': edge_index, 'batch': batch, 'params': params}


def _layernorm(x, g, b):
    mu = x.mean(axis=-1, keepdims=True)
    var = x.var(axis=-1, keepdims=True)
    return (x - mu) / jnp.sqrt(var + 1e-5) * g + b


def _rbf(x):
    grid = jnp.linspace(GRID_MIN, GRID_MAX, GRID)
    denom = (GRID_MAX - GRID_MIN) / (GRID - 1)
    return jnp.exp(-(((x[..., None] - grid) / denom) ** 2))


def _fastkan_layer(x, p):
    xn = _layernorm(x, p['ln_g'], p['ln_b'])
    basis = _rbf(xn).reshape(xn.shape[0], -1)
    ret = basis @ p['sw'].T + p['sb']
    ret = ret + jax.nn.silu(xn) @ p['bw'].T + p['bb']
    return ret


def _fastkan(x, layers):
    for p in layers:
        x = _fastkan_layer(x, p)
    return x


def _batchnorm(x, g, b):
    mu = x.mean(axis=0)
    var = x.var(axis=0)
    return (x - mu) / jnp.sqrt(var + 1e-5) * g + b


def _gin_conv(x, edge_index, layers):
    src, dst = edge_index[0], edge_index[1]
    agg = jax.ops.segment_sum(x[src], dst, num_segments=x.shape[0])
    # GINConv with default eps=0: nn((1+eps)*x + sum_j x_j)
    return _fastkan(x + agg, layers)


def reference(x, edge_index, batch, params):
    h = x
    for i in range(GNN_LAYERS):
        h = _gin_conv(h, edge_index, params['convs'][i])
        h = _batchnorm(h, params['bn'][i]['g'], params['bn'][i]['b'])
        # dropout: identity at inference
    pooled = jax.ops.segment_sum(h, batch, num_segments=N_GRAPHS)
    out = _fastkan(pooled, params['kan'])
    return jax.nn.log_softmax(out, axis=1)

if __name__ == "__main__":
    import jax
    _d = setup_inputs()
    print(jax.jit(kernel)(*tuple(_d.values())))

</pallas_src>

<mosaic_0001>
#map = affine_map<(d0, d1) -> (0, 0)>
#map1 = affine_map<(d0, d1) -> (0)>
#map2 = affine_map<(d0, d1) -> (0, 0, 0)>
module attributes {stable_mosaic.version = 14 : i64} {
  func.func @_sc_agg_body(%arg0: i32, %arg1: i32, %arg2: memref<10240x128xf32, #tpu.memory_space<hbm>>, %arg3: memref<327680xi32, #tpu.memory_space<hbm>>, %arg4: memref<327680xi32, #tpu.memory_space<hbm>>, %arg5: memref<2x10240x128xf32, #tpu.memory_space<hbm>>, %arg6: memref<128xi32, #tpu.memory_space<vmem>>, %arg7: memref<128xi32, #tpu.memory_space<vmem>>, %arg8: memref<128xi32, #tpu.memory_space<vmem>>, %arg9: memref<128xi32, #tpu.memory_space<vmem>>, %arg10: memref<128x128xf32, #tpu.memory_space<vmem>>, %arg11: memref<128x128xf32, #tpu.memory_space<vmem>>, %arg12: memref<10240x128xf32, #tpu.memory_space<vmem_shared>>, %arg13: memref<!tpu.dma_semaphore, #tpu.memory_space<semaphore_mem>>, %arg14: memref<!tpu.dma_semaphore, #tpu.memory_space<semaphore_mem>>) attributes {dimension_semantics = [#tpu.dimension_semantics<core_parallel>, #tpu.dimension_semantics<subcore_parallel>], iteration_bounds = array<i64: 2, 16>, scalar_prefetch = 0 : i64, scratch_operands = 9 : i64, tpu.core_type = #tpu.core_type<sc_vector_subcore>, window_params = [{transform_indices = #map}, {transform_indices = #map1}, {transform_indices = #map1}, {transform_indices = #map2}]} {
    %mul3A = arith.constant 2 : i32
    %mul3A_0 = arith.muli %arg1, %mul3A : i32
    %add3A = arith.addi %mul3A_0, %arg0 : i32
    %mul3A_1 = arith.constant 10240 : i32
    %mul3A_2 = arith.muli %add3A, %mul3A_1 : i32
    %multiple_of3A = tpu.assume_multiple %mul3A_2, 8 : i32
    %add3A_3 = arith.constant 0 : i32
    %add3A_4 = arith.addi %multiple_of3A, %add3A_3 : i32
    %multiple_of3A_5 = tpu.assume_multiple %add3A_4, 8 : i32
    "tpu.region"() ({
      %run_scoped3A = tpu.sem_alloc : memref<!tpu.dma_semaphore, #tpu.memory_space<semaphore_mem>>
      %dma_start3A_54 = tpu.memref_slice %arg3[%multiple_of3A_5] : memref<327680xi32, #tpu.memory_space<hbm>> -> memref<128xi32, #tpu.memory_space<hbm>>
      %dma_start3A_55 = tpu.memref_slice %arg3[%multiple_of3A_5] : memref<327680xi32, #tpu.memory_space<hbm>> -> memref<128xi32, #tpu.memory_space<hbm>>
      tpu.enqueue_dma source(%dma_start3A_55 : memref<128xi32, #tpu.memory_space<hbm>>) target(%arg6 : memref<128xi32, #tpu.memory_space<vmem>>) target_semaphore(%run_scoped3A : memref<!tpu.dma_semaphore, #tpu.memory_space<semaphore_mem>>)
      %dma_wait3A_56 = tpu.memref_slice %arg3[%multiple_of3A_5] : memref<327680xi32, #tpu.memory_space<hbm>> -> memref<128xi32, #tpu.memory_space<hbm>>
      %dma_wait3A_57 = tpu.memref_slice %arg3[%multiple_of3A_5] : memref<327680xi32, #tpu.memory_space<hbm>> -> memref<128xi32, #tpu.memory_space<hbm>>
      tpu.wait_dma2 semaphore(%run_scoped3A : memref<!tpu.dma_semaphore, #tpu.memory_space<semaphore_mem>>) src(%dma_wait3A_57 : memref<128xi32, #tpu.memory_space<hbm>>) dst(%arg6 : memref<128xi32, #tpu.memory_space<vmem>>)
      tpu.yield
    }) : () -> ()
    "tpu.region"() ({
      %run_scoped3A = tpu.sem_alloc : memref<!tpu.dma_semaphore, #tpu.memory_space<semaphore_mem>>
      %dma_start3A_54 = tpu.memref_slice %arg4[%multiple_of3A_5] : memref<327680xi32, #tpu.memory_space<hbm>> -> memref<128xi32, #tpu.memory_space<hbm>>
      %dma_start3A_55 = tpu.memref_slice %arg4[%multiple_of3A_5] : memref<327680xi32, #tpu.memory_space<hbm>> -> memref<128xi32, #tpu.memory_space<hbm>>
      tpu.enqueue_dma source(%dma_start3A_55 : memref<128xi32, #tpu.memory_space<hbm>>) target(%arg7 : memref<128xi32, #tpu.memory_space<vmem>>) target_semaphore(%run_scoped3A : memref<!tpu.dma_semaphore, #tpu.memory_space<semaphore_mem>>)
      %dma_wait3A_56 = tpu.memref_slice %arg4[%multiple_of3A_5] : memref<327680xi32, #tpu.memory_space<hbm>> -> memref<128xi32, #tpu.memory_space<hbm>>
      %dma_wait3A_57 = tpu.memref_slice %arg4[%multiple_of3A_5] : memref<327680xi32, #tpu.memory_space<hbm>> -> memref<128xi32, #tpu.memory_space<hbm>>
      tpu.wait_dma2 semaphore(%run_scoped3A : memref<!tpu.dma_semaphore, #tpu.memory_space<semaphore_mem>>) src(%dma_wait3A_57 : memref<128xi32, #tpu.memory_space<hbm>>) dst(%arg7 : memref<128xi32, #tpu.memory_space<vmem>>)
      tpu.yield
    }) : () -> ()
    %dma_start3A = arith.constant 0 : i32
    %dma_start3A_6 = arith.constant 0 : i32
    %dma_start3A_7 = tpu.memref_slice %arg2[%dma_start3A, %dma_start3A_6] : memref<10240x128xf32, #tpu.memory_space<hbm>> -> memref<10240x128xf32, #tpu.memory_space<hbm>>
    tpu.enqueue_indirect_dma source(%dma_start3A_7 : memref<10240x128xf32, #tpu.memory_space<hbm>>) target(%arg10 : memref<128x128xf32, #tpu.memory_space<vmem>>) offsets(%arg6 : memref<128xi32, #tpu.memory_space<vmem>>) semaphore(%arg13 : memref<!tpu.dma_semaphore, #tpu.memory_space<semaphore_mem>>)
    %add3A_8 = arith.constant 128 : i32
    %add3A_9 = arith.addi %multiple_of3A, %add3A_8 : i32
    %multiple_of3A_10 = tpu.assume_multiple %add3A_9, 8 : i32
    "tpu.region"() ({
      %run_scoped3A = tpu.sem_alloc : memref<!tpu.dma_semaphore, #tpu.memory_space<semaphore_mem>>
      %dma_start3A_54 = tpu.memref_slice %arg3[%multiple_of3A_10] : memref<327680xi32, #tpu.memory_space<hbm>> -> memref<128xi32, #tpu.memory_space<hbm>>
      %dma_start3A_55 = tpu.memref_slice %arg3[%multiple_of3A_10] : memref<327680xi32, #tpu.memory_space<hbm>> -> memref<128xi32, #tpu.memory_space<hbm>>
      tpu.enqueue_dma source(%dma_start3A_55 : memref<128xi32, #tpu.memory_space<hbm>>) target(%arg8 : memref<128xi32, #tpu.memory_space<vmem>>) target_semaphore(%run_scoped3A : memref<!tpu.dma_semaphore, #tpu.memory_space<semaphore_mem>>)
      %dma_wait3A_56 = tpu.memref_slice %arg3[%multiple_of3A_10] : memref<327680xi32, #tpu.memory_space<hbm>> -> memref<128xi32, #tpu.memory_space<hbm>>
      %dma_wait3A_57 = tpu.memref_slice %arg3[%multiple_of3A_10] : memref<327680xi32, #tpu.memory_space<hbm>> -> memref<128xi32, #tpu.memory_space<hbm>>
      tpu.wait_dma2 semaphore(%run_scoped3A : memref<!tpu.dma_semaphore, #tpu.memory_space<semaphore_mem>>) src(%dma_wait3A_57 : memref<128xi32, #tpu.memory_space<hbm>>) dst(%arg8 : memref<128xi32, #tpu.memory_space<vmem>>)
      tpu.yield
    }) : () -> ()
    "tpu.region"() ({
      %run_scoped3A = tpu.sem_alloc : memref<!tpu.dma_semaphore, #tpu.memory_space<semaphore_mem>>
      %dma_start3A_54 = tpu.memref_slice %arg4[%multiple_of3A_10] : memref<327680xi32, #tpu.memory_space<hbm>> -> memref<128xi32, #tpu.memory_space<hbm>>
      %dma_start3A_55 = tpu.memref_slice %arg4[%multiple_of3A_10] : memref<327680xi32, #tpu.memory_space<hbm>> -> memref<128xi32, #tpu.memory_space<hbm>>
      tpu.enqueue_dma source(%dma_start3A_55 : memref<128xi32, #tpu.memory_space<hbm>>) target(%arg9 : memref<128xi32, #tpu.memory_space<vmem>>) target_semaphore(%run_scoped3A : memref<!tpu.dma_semaphore, #tpu.memory_space<semaphore_mem>>)
      %dma_wait3A_56 = tpu.memref_slice %arg4[%multiple_of3A_10] : memref<327680xi32, #tpu.memory_space<hbm>> -> memref<128xi32, #tpu.memory_space<hbm>>
      %dma_wait3A_57 = tpu.memref_slice %arg4[%multiple_of3A_10] : memref<327680xi32, #tpu.memory_space<hbm>> -> memref<128xi32, #tpu.memory_space<hbm>>
      tpu.wait_dma2 semaphore(%run_scoped3A : memref<!tpu.dma_semaphore, #tpu.memory_space<semaphore_mem>>) src(%dma_wait3A_57 : memref<128xi32, #tpu.memory_space<hbm>>) dst(%arg9 : memref<128xi32, #tpu.memory_space<vmem>>)
      tpu.yield
    }) : () -> ()
    %scan3A = arith.constant 0 : i32
    %scan3A_11 = arith.constant 0 : i32
    %scan3A_12 = arith.constant 128 : i32
    %scan3A_13 = arith.addi %scan3A_11, %scan3A_12 : i32
    %scan3A_14 = arith.constant 1 : i32
    scf.for %scan3A_54 = %scan3A_11 to %scan3A_13 step %scan3A_14  : i32 {
      %broadcast_in_dim3A = arith.constant 0.000000e+00 : f32
      %broadcast_in_dim3A_55 = vector.broadcast %broadcast_in_dim3A : f32 to vector<16xf32>
      %swap3A = arith.index_cast %scan3A_54 : i32 to index
      %swap3A_56 = arith.constant 0 : index
      %swap3A_57 = tpu.vector_load %arg11[%swap3A, %swap3A_56] {strides = array<i32>} : memref<128x128xf32, #tpu.memory_space<vmem>>, vector<1x16xf32>,
      %swap3A_58 = vector.shape_cast %swap3A_57 : vector<1x16xf32> to vector<16xf32>
      %swap3A_59 = vector.shape_cast %broadcast_in_dim3A_55 : vector<16xf32> to vector<1x16xf32>
      tpu.vector_store %arg11[%swap3A, %swap3A_56], %swap3A_59 {strides = array<i32>} : memref<128x128xf32, #tpu.memory_space<vmem>>, vector<1x16xf32>,
      %broadcast_in_dim3A_60 = arith.constant 0.000000e+00 : f32
      %broadcast_in_dim3A_61 = vector.broadcast %broadcast_in_dim3A_60 : f32 to vector<16xf32>
      %swap3A_62 = arith.index_cast %scan3A_54 : i32 to index
      %swap3A_63 = arith.constant 16 : index
      %swap3A_64 = tpu.vector_load %arg11[%swap3A_62, %swap3A_63] {strides = array<i32>} : memref<128x128xf32, #tpu.memory_space<vmem>>, vector<1x16xf32>,
      %swap3A_65 = vector.shape_cast %swap3A_64 : vector<1x16xf32> to vector<16xf32>
      %swap3A_66 = vector.shape_cast %broadcast_in_dim3A_61 : vector<16xf32> to vector<1x16xf32>
      tpu.vector_store %arg11[%swap3A_62, %swap3A_63], %swap3A_66 {strides = array<i32>} : memref<128x128xf32, #tpu.memory_space<vmem>>, vector<1x16xf32>,
      %broadcast_in_dim3A_67 = arith.constant 0.000000e+00 : f32
      %broadcast_in_dim3A_68 = vector.broadcast %broadcast_in_dim3A_67 : f32 to vector<16xf32>
      %swap3A_69 = arith.index_cast %scan3A_54 : i32 to index
      %swap3A_70 = arith.constant 32 : index
      %swap3A_71 = tpu.vector_load %arg11[%swap3A_69, %swap3A_70] {strides = array<i32>} : memref<128x128xf32, #tpu.memory_space<vmem>>, vector<1x16xf32>,
      %swap3A_72 = vector.shape_cast %swap3A_71 : vector<1x16xf32> to vector<16xf32>
      %swap3A_73 = vector.shape_cast %broadcast_in_dim3A_68 : vector<16xf32> to vector<1x16xf32>
      tpu.vector_store %arg11[%swap3A_69, %swap3A_70], %swap3A_73 {strides = array<i32>} : memref<128x128xf32, #tpu.memory_space<vmem>>, vector<1x16xf32>,
      %broadcast_in_dim3A_74 = arith.constant 0.000000e+00 : f32
      %broadcast_in_dim3A_75 = vector.broadcast %broadcast_in_dim3A_74 : f32 to vector<16xf32>
      %swap3A_76 = arith.index_cast %scan3A_54 : i32 to index
      %swap3A_77 = arith.constant 48 : index
      %swap3A_78 = tpu.vector_load %arg11[%swap3A_76, %swap3A_77] {strides = array<i32>} : memref<128x128xf32, #tpu.memory_space<vmem>>, vector<1x16xf32>,
      %swap3A_79 = vector.shape_cast %swap3A_78 : vector<1x16xf32> to vector<16xf32>
      %swap3A_80 = vector.shape_cast %broadcast_in_dim3A_75 : vector<16xf32> to vector<1x16xf32>
      tpu.vector_store %arg11[%swap3A_76, %swap3A_77], %swap3A_80 {strides = array<i32>} : memref<128x128xf32, #tpu.memory_space<vmem>>, vector<1x16xf32>,
      %broadcast_in_dim3A_81 = arith.constant 0.000000e+00 : f32
      %broadcast_in_dim3A_82 = vector.broadcast %broadcast_in_dim3A_81 : f32 to vector<16xf32>
      %swap3A_83 = arith.index_cast %scan3A_54 : i32 to index
      %swap3A_84 = arith.constant 64 : index
      %swap3A_85 = tpu.vector_load %arg11[%swap3A_83, %swap3A_84] {strides = array<i32>} : memref<128x128xf32, #tpu.memory_space<vmem>>, vector<1x16xf32>,
      %swap3A_86 = vector.shape_cast %swap3A_85 : vector<1x16xf32> to vector<16xf32>
      %swap3A_87 = vector.shape_cast %broadcast_in_dim3A_82 : vector<16xf32> to vector<1x16xf32>
      tpu.vector_store %arg11[%swap3A_83, %swap3A_84], %swap3A_87 {strides = array<i32>} : memref<128x128xf32, #tpu.memory_space<vmem>>, vector<1x16xf32>,
      %broadcast_in_dim3A_88 = arith.constant 0.000000e+00 : f32
      %broadcast_in_dim3A_89 = vector.broadcast %broadcast_in_dim3A_88 : f32 to vector<16xf32>
      %swap3A_90 = arith.index_cast %scan3A_54 : i32 to index
      %swap3A_91 = arith.constant 80 : index
      %swap3A_92 = tpu.vector_load %arg11[%swap3A_90, %swap3A_91] {strides = array<i32>} : memref<128x128xf32, #tpu.memory_space<vmem>>, vector<1x16xf32>,
      %swap3A_93 = vector.shape_cast %swap3A_92 : vector<1x16xf32> to vector<16xf32>
      %swap3A_94 = vector.shape_cast %broadcast_in_dim3A_89 : vector<16xf32> to vector<1x16xf32>
      tpu.vector_store %arg11[%swap3A_90, %swap3A_91], %swap3A_94 {strides = array<i32>} : memref<128x128xf32, #tpu.memory_space<vmem>>, vector<1x16xf32>,
      %broadcast_in_dim3A_95 = arith.constant 0.000000e+00 : f32
      %broadcast_in_dim3A_96 = vector.broadcast %broadcast_in_dim3A_95 : f32 to vector<16xf32>
      %swap3A_97 = arith.index_cast %scan3A_54 : i32 to index
      %swap3A_98 = arith.constant 96 : index
      %swap3A_99 = tpu.vector_load %arg11[%swap3A_97, %swap3A_98] {strides = array<i32>} : memref<128x128xf32, #tpu.memory_space<vmem>>, vector<1x16xf32>,
      %swap3A_100 = vector.shape_cast %swap3A_99 : vector<1x16xf32> to vector<16xf32>
      %swap3A_101 = vector.shape_cast %broadcast_in_dim3A_96 : vector<16xf32> to vector<1x16xf32>
      tpu.vector_store %arg11[%swap3A_97, %swap3A_98], %swap3A_101 {strides = array<i32>} : memref<128x128xf32, #tpu.memory_space<vmem>>, vector<1x16xf32>,
      %broadcast_in_dim3A_102 = arith.constant 0.000000e+00 : f32
      %broadcast_in_dim3A_103 = vector.broadcast %broadcast_in_dim3A_102 : f32 to vector<16xf32>
      %swap3A_104 = arith.index_cast %scan3A_54 : i32 to index
      %swap3A_105 = arith.constant 112 : index
      %swap3A_106 = tpu.vector_load %arg11[%swap3A_104, %swap3A_105] {strides = array<i32>} : memref<128x128xf32, #tpu.memory_space<vmem>>, vector<1x16xf32>,
      %swap3A_107 = vector.shape_cast %swap3A_106 : vector<1x16xf32> to vector<16xf32>
      %swap3A_108 = vector.shape_cast %broadcast_in_dim3A_103 : vector<16xf32> to vector<1x16xf32>
      tpu.vector_store %arg11[%swap3A_104, %swap3A_105], %swap3A_108 {strides = array<i32>} : memref<128x128xf32, #tpu.memory_space<vmem>>, vector<1x16xf32>,
    }
    %scan3A_15 = arith.constant 128 : i32
    %mul3A_16 = arith.constant 640 : i32
    %mul3A_17 = arith.muli %arg1, %mul3A_16 : i32
    %add3A_18 = arith.constant 0 : i32
    %add3A_19 = arith.addi %mul3A_17, %add3A_18 : i32
    "tpu.region"() ({
      %run_scoped3A = tpu.sem_alloc : memref<!tpu.dma_semaphore, #tpu.memory_space<semaphore_mem>>
      %dma_start3A_54 = arith.constant 0 : i32
      %dma_start3A_55 = tpu.memref_slice %arg12[%add3A_19, %dma_start3A_54] : memref<10240x128xf32, #tpu.memory_space<vmem_shared>> -> memref<128x128xf32, #tpu.memory_space<vmem_shared>>
      %dma_start3A_56 = arith.constant 0 : i32
      %dma_start3A_57 = tpu.memref_slice %arg12[%add3A_19, %dma_start3A_56] : memref<10240x128xf32, #tpu.memory_space<vmem_shared>> -> memref<128x128xf32, #tpu.memory_space<vmem_shared>>
      tpu.enqueue_dma source(%arg11 : memref<128x128xf32, #tpu.memory_space<vmem>>) target(%dma_start3A_57 : memref<128x128xf32, #tpu.memory_space<vmem_shared>>) target_semaphore(%run_scoped3A : memref<!tpu.dma_semaphore, #tpu.memory_space<semaphore_mem>>)
      %dma_wait3A_58 = arith.constant 0 : i32
      %dma_wait3A_59 = tpu.memref_slice %arg12[%add3A_19, %dma_wait3A_58] : memref<10240x128xf32, #tpu.memory_space<vmem_shared>> -> memref<128x128xf32, #tpu.memory_space<vmem_shared>>
      %dma_wait3A_60 = arith.constant 0 : i32
      %dma_wait3A_61 = tpu.memref_slice %arg12[%add3A_19, %dma_wait3A_60] : memref<10240x128xf32, #tpu.memory_space<vmem_shared>> -> memref<128x128xf32, #tpu.memory_space<vmem_shared>>
      tpu.wait_dma2 semaphore(%run_scoped3A : memref<!tpu.dma_semaphore, #tpu.memory_space<semaphore_mem>>) src(%arg11 : memref<128x128xf32, #tpu.memory_space<vmem>>) dst(%dma_wait3A_61 : memref<128x128xf32, #tpu.memory_space<vmem_shared>>)
      tpu.yield
    }) : () -> ()
    %mul3A_20 = arith.constant 640 : i32
    %mul3A_21 = arith.muli %arg1, %mul3A_20 : i32
    %add3A_22 = arith.constant 128 : i32
    %add3A_23 = arith.addi %mul3A_21, %add3A_22 : i32
    "tpu.region"() ({
      %run_scoped3A = tpu.sem_alloc : memref<!tpu.dma_semaphore, #tpu.memory_space<semaphore_mem>>
      %dma_start3A_54 = arith.constant 0 : i32
      %dma_start3A_55 = tpu.memref_slice %arg12[%add3A_23, %dma_start3A_54] : memref<10240x128xf32, #tpu.memory_space<vmem_shared>> -> memref<128x128xf32, #tpu.memory_space<vmem_shared>>
      %dma_start3A_56 = arith.constant 0 : i32
      %dma_start3A_57 = tpu.memref_slice %arg12[%add3A_23, %dma_start3A_56] : memref<10240x128xf32, #tpu.memory_space<vmem_shared>> -> memref<128x128xf32, #tpu.memory_space<vmem_shared>>
      tpu.enqueue_dma source(%arg11 : memref<128x128xf32, #tpu.memory_space<vmem>>) target(%dma_start3A_57 : memref<128x128xf32, #tpu.memory_space<vmem_shared>>) target_semaphore(%run_scoped3A : memref<!tpu.dma_semaphore, #tpu.memory_space<semaphore_mem>>)
      %dma_wait3A_58 = arith.constant 0 : i32
      %dma_wait3A_59 = tpu.memref_slice %arg12[%add3A_23, %dma_wait3A_58] : memref<10240x128xf32, #tpu.memory_space<vmem_shared>> -> memref<128x128xf32, #tpu.memory_space<vmem_shared>>
      %dma_wait3A_60 = arith.constant 0 : i32
      %dma_wait3A_61 = tpu.memref_slice %arg12[%add3A_23, %dma_wait3A_60] : memref<10240x128xf32, #tpu.memory_space<vmem_shared>> -> memref<128x128xf32, #tpu.memory_space<vmem_shared>>
      tpu.wait_dma2 semaphore(%run_scoped3A : memref<!tpu.dma_semaphore, #tpu.memory_space<semaphore_mem>>) src(%arg11 : memref<128x128xf32, #tpu.memory_space<vmem>>) dst(%dma_wait3A_61 : memref<128x128xf32, #tpu.memory_space<vmem_shared>>)
      tpu.yield
    }) : () -> ()
    %mul3A_24 = arith.constant 640 : i32
    %mul3A_25 = arith.muli %arg1, %mul3A_24 : i32
    %add3A_26 = arith.constant 256 : i32
    %add3A_27 = arith.addi %mul3A_25, %add3A_26 : i32
    "tpu.region"() ({
      %run_scoped3A = tpu.sem_alloc : memref<!tpu.dma_semaphore, #tpu.memory_space<semaphore_mem>>
      %dma_start3A_54 = arith.constant 0 : i32
      %dma_start3A_55 = tpu.memref_slice %arg12[%add3A_27, %dma_start3A_54] : memref<10240x128xf32, #tpu.memory_space<vmem_shared>> -> memref<128x128xf32, #tpu.memory_space<vmem_shared>>
      %dma_start3A_56 = arith.constant 0 : i32
      %dma_start3A_57 = tpu.memref_slice %arg12[%add3A_27, %dma_start3A_56] : memref<10240x128xf32, #tpu.memory_space<vmem_shared>> -> memref<128x128xf32, #tpu.memory_space<vmem_shared>>
      tpu.enqueue_dma source(%arg11 : memref<128x128xf32, #tpu.memory_space<vmem>>) target(%dma_start3A_57 : memref<128x128xf32, #tpu.memory_space<vmem_shared>>) target_semaphore(%run_scoped3A : memref<!tpu.dma_semaphore, #tpu.memory_space<semaphore_mem>>)
      %dma_wait3A_58 = arith.constant 0 : i32
      %dma_wait3A_59 = tpu.memref_slice %arg12[%add3A_27, %dma_wait3A_58] : memref<10240x128xf32, #tpu.memory_space<vmem_shared>> -> memref<128x128xf32, #tpu.memory_space<vmem_shared>>
      %dma_wait3A_60 = arith.constant 0 : i32
      %dma_wait3A_61 = tpu.memref_slice %arg12[%add3A_27, %dma_wait3A_60] : memref<10240x128xf32, #tpu.memory_space<vmem_shared>> -> memref<128x128xf32, #tpu.memory_space<vmem_shared>>
      tpu.wait_dma2 semaphore(%run_scoped3A : memref<!tpu.dma_semaphore, #tpu.memory_space<semaphore_mem>>) src(%arg11 : memref<128x128xf32, #tpu.memory_space<vmem>>) dst(%dma_wait3A_61 : memref<128x128xf32, #tpu.memory_space<vmem_shared>>)
      tpu.yield
    }) : () -> ()
    %mul3A_28 = arith.constant 640 : i32
    %mul3A_29 = arith.muli %arg1, %mul3A_28 : i32
    %add3A_30 = arith.constant 384 : i32
    %add3A_31 = arith.addi %mul3A_29, %add3A_30 : i32
    "tpu.region"() ({
      %run_scoped3A = tpu.sem_alloc : memref<!tpu.dma_semaphore, #tpu.memory_space<semaphore_mem>>
      %dma_start3A_54 = arith.constant 0 : i32
      %dma_start3A_55 = tpu.memref_slice %arg12[%add3A_31, %dma_start3A_54] : memref<10240x128xf32, #tpu.memory_space<vmem_shared>> -> memref<128x128xf32, #tpu.memory_space<vmem_shared>>
      %dma_start3A_56 = arith.constant 0 : i32
      %dma_start3A_57 = tpu.memref_slice %arg12[%add3A_31, %dma_start3A_56] : memref<10240x128xf32, #tpu.memory_space<vmem_shared>> -> memref<128x128xf32, #tpu.memory_space<vmem_shared>>
      tpu.enqueue_dma source(%arg11 : memref<128x128xf32, #tpu.memory_space<vmem>>) target(%dma_start3A_57 : memref<128x128xf32, #tpu.memory_space<vmem_shared>>) target_semaphore(%run_scoped3A : memref<!tpu.dma_semaphore, #tpu.memory_space<semaphore_mem>>)
      %dma_wait3A_58 = arith.constant 0 : i32
      %dma_wait3A_59 = tpu.memref_slice %arg12[%add3A_31, %dma_wait3A_58] : memref<10240x128xf32, #tpu.memory_space<vmem_shared>> -> memref<128x128xf32, #tpu.memory_space<vmem_shared>>
      %dma_wait3A_60 = arith.constant 0 : i32
      %dma_wait3A_61 = tpu.memref_slice %arg12[%add3A_31, %dma_wait3A_60] : memref<10240x128xf32, #tpu.memory_space<vmem_shared>> -> memref<128x128xf32, #tpu.memory_space<vmem_shared>>
      tpu.wait_dma2 semaphore(%run_scoped3A : memref<!tpu.dma_semaphore, #tpu.memory_space<semaphore_mem>>) src(%arg11 : memref<128x128xf32, #tpu.memory_space<vmem>>) dst(%dma_wait3A_61 : memref<128x128xf32, #tpu.memory_space<vmem_shared>>)
      tpu.yield
    }) : () -> ()
    %mul3A_32 = arith.constant 640 : i32
    %mul3A_33 = arith.muli %arg1, %mul3A_32 : i32
    %add3A_34 = arith.constant 512 : i32
    %add3A_35 = arith.addi %mul3A_33, %add3A_34 : i32
    "tpu.region"() ({
      %run_scoped3A = tpu.sem_alloc : memref<!tpu.dma_semaphore, #tpu.memory_space<semaphore_mem>>
      %dma_start3A_54 = arith.constant 0 : i32
      %dma_start3A_55 = tpu.memref_slice %arg12[%add3A_35, %dma_start3A_54] : memref<10240x128xf32, #tpu.memory_space<vmem_shared>> -> memref<128x128xf32, #tpu.memory_space<vmem_shared>>
      %dma_start3A_56 = arith.constant 0 : i32
      %dma_start3A_57 = tpu.memref_slice %arg12[%add3A_35, %dma_start3A_56] : memref<10240x128xf32, #tpu.memory_space<vmem_shared>> -> memref<128x128xf32, #tpu.memory_space<vmem_shared>>
      tpu.enqueue_dma source(%arg11 : memref<128x128xf32, #tpu.memory_space<vmem>>) target(%dma_start3A_57 : memref<128x128xf32, #tpu.memory_space<vmem_shared>>) target_semaphore(%run_scoped3A : memref<!tpu.dma_semaphore, #tpu.memory_space<semaphore_mem>>)
      %dma_wait3A_58 = arith.constant 0 : i32
      %dma_wait3A_59 = tpu.memref_slice %arg12[%add3A_35, %dma_wait3A_58] : memref<10240x128xf32, #tpu.memory_space<vmem_shared>> -> memref<128x128xf32, #tpu.memory_space<vmem_shared>>
      %dma_wait3A_60 = arith.constant 0 : i32
      %dma_wait3A_61 = tpu.memref_slice %arg12[%add3A_35, %dma_wait3A_60] : memref<10240x128xf32, #tpu.memory_space<vmem_shared>> -> memref<128x128xf32, #tpu.memory_space<vmem_shared>>
      tpu.wait_dma2 semaphore(%run_scoped3A : memref<!tpu.dma_semaphore, #tpu.memory_space<semaphore_mem>>) src(%arg11 : memref<128x128xf32, #tpu.memory_space<vmem>>) dst(%dma_wait3A_61 : memref<128x128xf32, #tpu.memory_space<vmem_shared>>)
      tpu.yield
    }) : () -> ()
    %barrier3A = arith.constant 0 : index
    tpu.barrier barrier_id(%barrier3A)
    %dma_start3A_36 = arith.constant 0 : i32
    %dma_start3A_37 = arith.constant 0 : i32
    %dma_start3A_38 = tpu.memref_slice %arg2[%dma_start3A_36, %dma_start3A_37] : memref<10240x128xf32, #tpu.memory_space<hbm>> -> memref<10240x128xf32, #tpu.memory_space<hbm>>
    tpu.enqueue_indirect_dma source(%dma_start3A_38 : memref<10240x128xf32, #tpu.memory_space<hbm>>) target(%arg11 : memref<128x128xf32, #tpu.memory_space<vmem>>) offsets(%arg8 : memref<128xi32, #tpu.memory_space<vmem>>) semaphore(%arg14 : memref<!tpu.dma_semaphore, #tpu.memory_space<semaphore_mem>>)
    %scan3A_39 = arith.constant 0 : i32
    %scan3A_40 = arith.constant 0 : i32
    %scan3A_41 = arith.constant 40 : i32
    %scan3A_42 = arith.addi %scan3A_40, %scan3A_41 : i32
    %scan3A_43 = arith.constant 1 : i32
    scf.for %scan3A_54 = %scan3A_40 to %scan3A_42 step %scan3A_43  : i32 {
      %mul3A_55 = arith.constant 2 : i32
      %mul3A_56 = arith.muli %mul3A_55, %scan3A_54 : i32
      %dma_wait3A_57 = arith.constant 0 : i32
      %dma_wait3A_58 = arith.constant 0 : i32
      %dma_wait3A_59 = tpu.memref_slice %arg2[%dma_wait3A_57, %dma_wait3A_58] : memref<10240x128xf32, #tpu.memory_space<hbm>> -> memref<10240x128xf32, #tpu.memory_space<hbm>>
      tpu.wait_indirect_dma semaphore(%arg13 : memref<!tpu.dma_semaphore, #tpu.memory_space<semaphore_mem>>) src(%dma_wait3A_59 : memref<10240x128xf32, #tpu.memory_space<hbm>>) dst(%arg10 : memref<128x128xf32, #tpu.memory_space<vmem>>)
      "tpu.region"() ({
        %run_scoped3A = tpu.sem_alloc : memref<!tpu.dma_semaphore, #tpu.memory_space<semaphore_mem>>
        %dma_start3A_84 = arith.constant 0 : i32
        %dma_start3A_85 = arith.constant 0 : i32
        %dma_start3A_86 = tpu.memref_slice %arg12[%dma_start3A_84, %dma_start3A_85] : memref<10240x128xf32, #tpu.memory_space<vmem_shared>> -> memref<10240x128xf32, #tpu.memory_space<vmem_shared>>
        tpu.enqueue_indirect_dma source(%arg10 : memref<128x128xf32, #tpu.memory_space<vmem>>) target(%dma_start3A_86 : memref<10240x128xf32, #tpu.memory_space<vmem_shared>>) offsets(%arg7 : memref<128xi32, #tpu.memory_space<vmem>>) semaphore(%run_scoped3A : memref<!tpu.dma_semaphore, #tpu.memory_space<semaphore_mem>>) {add = true}
        %dma_wait3A_87 = arith.constant 0 : i32
        %dma_wait3A_88 = arith.constant 0 : i32
        %dma_wait3A_89 = tpu.memref_slice %arg12[%dma_wait3A_87, %dma_wait3A_88] : memref<10240x128xf32, #tpu.memory_space<vmem_shared>> -> memref<10240x128xf32, #tpu.memory_space<vmem_shared>>
        tpu.wait_indirect_dma semaphore(%run_scoped3A : memref<!tpu.dma_semaphore, #tpu.memory_space<semaphore_mem>>) src(%arg10 : memref<128x128xf32, #tpu.memory_space<vmem>>) dst(%dma_wait3A_89 : memref<10240x128xf32, #tpu.memory_space<vmem_shared>>)
        tpu.yield
      }) : () -> ()
      %add3A_60 = arith.constant 2 : i32
      %add3A_61 = arith.addi %mul3A_56, %add3A_60 : i32
      %rem3A = arith.constant 80 : i32
      %rem3A_62 = arith.remsi %add3A_61, %rem3A : i32
      %mul3A_63 = arith.constant 128 : i32
      %mul3A_64 = arith.muli %rem3A_62, %mul3A_63 : i32
      %add3A_65 = arith.addi %multiple_of3A, %mul3A_64 : i32
      %multiple_of3A_66 = tpu.assume_multiple %add3A_65, 8 : i32
      "tpu.region"() ({
        %run_scoped3A = tpu.sem_alloc : memref<!tpu.dma_semaphore, #tpu.memory_space<semaphore_mem>>
        %dma_start3A_84 = tpu.memref_slice %arg3[%multiple_of3A_66] : memref<327680xi32, #tpu.memory_space<hbm>> -> memref<128xi32, #tpu.memory_space<hbm>>
        %dma_start3A_85 = tpu.memref_slice %arg3[%multiple_of3A_66] : memref<327680xi32, #tpu.memory_space<hbm>> -> memref<128xi32, #tpu.memory_space<hbm>>
        tpu.enqueue_dma source(%dma_start3A_85 : memref<128xi32, #tpu.memory_space<hbm>>) target(%arg6 : memref<128xi32, #tpu.memory_space<vmem>>) target_semaphore(%run_scoped3A : memref<!tpu.dma_semaphore, #tpu.memory_space<semaphore_mem>>)
        %dma_wait3A_86 = tpu.memref_slice %arg3[%multiple_of3A_66] : memref<327680xi32, #tpu.memory_space<hbm>> -> memref<128xi32, #tpu.memory_space<hbm>>
        %dma_wait3A_87 = tpu.memref_slice %arg3[%multiple_of3A_66] : memref<327680xi32, #tpu.memory_space<hbm>> -> memref<128xi32, #tpu.memory_space<hbm>>
        tpu.wait_dma2 semaphore(%run_scoped3A : memref<!tpu.dma_semaphore, #tpu.memory_space<semaphore_mem>>) src(%dma_wait3A_87 : memref<128xi32, #tpu.memory_space<hbm>>) dst(%arg6 : memref<128xi32, #tpu.memory_space<vmem>>)
        tpu.yield
      }) : () -> ()
      "tpu.region"() ({
        %run_scoped3A = tpu.sem_alloc : memref<!tpu.dma_semaphore, #tpu.memory_space<semaphore_mem>>
        %dma_start3A_84 = tpu.memref_slice %arg4[%multiple_of3A_66] : memref<327680xi32, #tpu.memory_space<hbm>> -> memref<128xi32, #tpu.memory_space<hbm>>
        %dma_start3A_85 = tpu.memref_slice %arg4[%multiple_of3A_66] : memref<327680xi32, #tpu.memory_space<hbm>> -> memref<128xi32, #tpu.memory_space<hbm>>
        tpu.enqueue_dma source(%dma_start3A_85 : memref<128xi32, #tpu.memory_space<hbm>>) target(%arg7 : memref<128xi32, #tpu.memory_space<vmem>>) target_semaphore(%run_scoped3A : memref<!tpu.dma_semaphore, #tpu.memory_space<semaphore_mem>>)
        %dma_wait3A_86 = tpu.memref_slice %arg4[%multiple_of3A_66] : memref<327680xi32, #tpu.memory_space<hbm>> -> memref<128xi32, #tpu.memory_space<hbm>>
        %dma_wait3A_87 = tpu.memref_slice %arg4[%multiple_of3A_66] : memref<327680xi32, #tpu.memory_space<hbm>> -> memref<128xi32, #tpu.memory_space<hbm>>
        tpu.wait_dma2 semaphore(%run_scoped3A : memref<!tpu.dma_semaphore, #tpu.memory_space<semaphore_mem>>) src(%dma_wait3A_87 : memref<128xi32, #tpu.memory_space<hbm>>) dst(%arg7 : memref<128xi32, #tpu.memory_space<vmem>>)
        tpu.yield
      }) : () -> ()
      %dma_start3A_67 = arith.constant 0 : i32
      %dma_start3A_68 = arith.constant 0 : i32
      %dma_start3A_69 = tpu.memref_slice %arg2[%dma_start3A_67, %dma_start3A_68] : memref<10240x128xf32, #tpu.memory_space<hbm>> -> memref<10240x128xf32, #tpu.memory_space<hbm>>
      tpu.enqueue_indirect_dma source(%dma_start3A_69 : memref<10240x128xf32, #tpu.memory_space<hbm>>) target(%arg10 : memref<128x128xf32, #tpu.memory_space<vmem>>) offsets(%arg6 : memref<128xi32, #tpu.memory_space<vmem>>) semaphore(%arg13 : memref<!tpu.dma_semaphore, #tpu.memory_space<semaphore_mem>>)
      %dma_wait3A_70 = arith.constant 0 : i32
      %dma_wait3A_71 = arith.constant 0 : i32
      %dma_wait3A_72 = tpu.memref_slice %arg2[%dma_wait3A_70, %dma_wait3A_71] : memref<10240x128xf32, #tpu.memory_space<hbm>> -> memref<10240x128xf32, #tpu.memory_space<hbm>>
      tpu.wait_indirect_dma semaphore(%arg14 : memref<!tpu.dma_semaphore, #tpu.memory_space<semaphore_mem>>) src(%dma_wait3A_72 : memref<10240x128xf32, #tpu.memory_space<hbm>>) dst(%arg11 : memref<128x128xf32, #tpu.memory_space<vmem>>)
      "tpu.region"() ({
        %run_scoped3A = tpu.sem_alloc : memref<!tpu.dma_semaphore, #tpu.memory_space<semaphore_mem>>
        %dma_start3A_84 = arith.constant 0 : i32
        %dma_start3A_85 = arith.constant 0 : i32
        %dma_start3A_86 = tpu.memref_slice %arg12[%dma_start3A_84, %dma_start3A_85] : memref<10240x128xf32, #tpu.memory_space<vmem_shared>> -> memref<10240x128xf32, #tpu.memory_space<vmem_shared>>
        tpu.enqueue_indirect_dma source(%arg11 : memref<128x128xf32, #tpu.memory_space<vmem>>) target(%dma_start3A_86 : memref<10240x128xf32, #tpu.memory_space<vmem_shared>>) offsets(%arg9 : memref<128xi32, #tpu.memory_space<vmem>>) semaphore(%run_scoped3A : memref<!tpu.dma_semaphore, #tpu.memory_space<semaphore_mem>>) {add = true}
        %dma_wait3A_87 = arith.constant 0 : i32
        %dma_wait3A_88 = arith.constant 0 : i32
        %dma_wait3A_89 = tpu.memref_slice %arg12[%dma_wait3A_87, %dma_wait3A_88] : memref<10240x128xf32, #tpu.memory_space<vmem_shared>> -> memref<10240x128xf32, #tpu.memory_space<vmem_shared>>
        tpu.wait_indirect_dma semaphore(%run_scoped3A : memref<!tpu.dma_semaphore, #tpu.memory_space<semaphore_mem>>) src(%arg11 : memref<128x128xf32, #tpu.memory_space<vmem>>) dst(%dma_wait3A_89 : memref<10240x128xf32, #tpu.memory_space<vmem_shared>>)
        tpu.yield
      }) : () -> ()
      %add3A_73 = arith.constant 3 : i32
      %add3A_74 = arith.addi %mul3A_56, %add3A_73 : i32
      %rem3A_75 = arith.constant 80 : i32
      %rem3A_76 = arith.remsi %add3A_74, %rem3A_75 : i32
      %mul3A_77 = arith.constant 128 : i32
      %mul3A_78 = arith.muli %rem3A_76, %mul3A_77 : i32
      %add3A_79 = arith.addi %multiple_of3A, %mul3A_78 : i32
      %multiple_of3A_80 = tpu.assume_multiple %add3A_79, 8 : i32
      "tpu.region"() ({
        %run_scoped3A = tpu.sem_alloc : memref<!tpu.dma_semaphore, #tpu.memory_space<semaphore_mem>>
        %dma_start3A_84 = tpu.memref_slice %arg3[%multiple_of3A_80] : memref<327680xi32, #tpu.memory_space<hbm>> -> memref<128xi32, #tpu.memory_space<hbm>>
        %dma_start3A_85 = tpu.memref_slice %arg3[%multiple_of3A_80] : memref<327680xi32, #tpu.memory_space<hbm>> -> memref<128xi32, #tpu.memory_space<hbm>>
        tpu.enqueue_dma source(%dma_start3A_85 : memref<128xi32, #tpu.memory_space<hbm>>) target(%arg8 : memref<128xi32, #tpu.memory_space<vmem>>) target_semaphore(%run_scoped3A : memref<!tpu.dma_semaphore, #tpu.memory_space<semaphore_mem>>)
        %dma_wait3A_86 = tpu.memref_slice %arg3[%multiple_of3A_80] : memref<327680xi32, #tpu.memory_space<hbm>> -> memref<128xi32, #tpu.memory_space<hbm>>
        %dma_wait3A_87 = tpu.memref_slice %arg3[%multiple_of3A_80] : memref<327680xi32, #tpu.memory_space<hbm>> -> memref<128xi32, #tpu.memory_space<hbm>>
        tpu.wait_dma2 semaphore(%run_scoped3A : memref<!tpu.dma_semaphore, #tpu.memory_space<semaphore_mem>>) src(%dma_wait3A_87 : memref<128xi32, #tpu.memory_space<hbm>>) dst(%arg8 : memref<128xi32, #tpu.memory_space<vmem>>)
        tpu.yield
      }) : () -> ()
      "tpu.region"() ({
        %run_scoped3A = tpu.sem_alloc : memref<!tpu.dma_semaphore, #tpu.memory_space<semaphore_mem>>
        %dma_start3A_84 = tpu.memref_slice %arg4[%multiple_of3A_80] : memref<327680xi32, #tpu.memory_space<hbm>> -> memref<128xi32, #tpu.memory_space<hbm>>
        %dma_start3A_85 = tpu.memref_slice %arg4[%multiple_of3A_80] : memref<327680xi32, #tpu.memory_space<hbm>> -> memref<128xi32, #tpu.memory_space<hbm>>
        tpu.enqueue_dma source(%dma_start3A_85 : memref<128xi32, #tpu.memory_space<hbm>>) target(%arg9 : memref<128xi32, #tpu.memory_space<vmem>>) target_semaphore(%run_scoped3A : memref<!tpu.dma_semaphore, #tpu.memory_space<semaphore_mem>>)
        %dma_wait3A_86 = tpu.memref_slice %arg4[%multiple_of3A_80] : memref<327680xi32, #tpu.memory_space<hbm>> -> memref<128xi32, #tpu.memory_space<hbm>>
        %dma_wait3A_87 = tpu.memref_slice %arg4[%multiple_of3A_80] : memref<327680xi32, #tpu.memory_space<hbm>> -> memref<128xi32, #tpu.memory_space<hbm>>
        tpu.wait_dma2 semaphore(%run_scoped3A : memref<!tpu.dma_semaphore, #tpu.memory_space<semaphore_mem>>) src(%dma_wait3A_87 : memref<128xi32, #tpu.memory_space<hbm>>) dst(%arg9 : memref<128xi32, #tpu.memory_space<vmem>>)
        tpu.yield
      }) : () -> ()
      %dma_start3A_81 = arith.constant 0 : i32
      %dma_start3A_82 = arith.constant 0 : i32
      %dma_start3A_83 = tpu.memref_slice %arg2[%dma_start3A_81, %dma_start3A_82] : memref<10240x128xf32, #tpu.memory_space<hbm>> -> memref<10240x128xf32, #tpu.memory_space<hbm>>
      tpu.enqueue_indirect_dma source(%dma_start3A_83 : memref<10240x128xf32, #tpu.memory_space<hbm>>) target(%arg11 : memref<128x128xf32, #tpu.memory_space<vmem>>) offsets(%arg8 : memref<128xi32, #tpu.memory_space<vmem>>) semaphore(%arg14 : memref<!tpu.dma_semaphore, #tpu.memory_space<semaphore_mem>>)
    }
    %scan3A_44 = arith.constant 40 : i32
    %dma_wait3A = arith.constant 0 : i32
    %dma_wait3A_45 = arith.constant 0 : i32
    %dma_wait3A_46 = tpu.memref_slice %arg2[%dma_wait3A, %dma_wait3A_45] : memref<10240x128xf32, #tpu.memory_space<hbm>> -> memref<10240x128xf32, #tpu.memory_space<hbm>>
    tpu.wait_indirect_dma semaphore(%arg13 : memref<!tpu.dma_semaphore, #tpu.memory_space<semaphore_mem>>) src(%dma_wait3A_46 : memref<10240x128xf32, #tpu.memory_space<hbm>>) dst(%arg10 : memref<128x128xf32, #tpu.memory_space<vmem>>)
    %dma_wait3A_47 = arith.constant 0 : i32
    %dma_wait3A_48 = arith.constant 0 : i32
    %dma_wait3A_49 = tpu.memref_slice %arg2[%dma_wait3A_47, %dma_wait3A_48] : memref<10240x128xf32, #tpu.memory_space<hbm>> -> memref<10240x128xf32, #tpu.memory_space<hbm>>
    tpu.wait_indirect_dma semaphore(%arg14 : memref<!tpu.dma_semaphore, #tpu.memory_space<semaphore_mem>>) src(%dma_wait3A_49 : memref<10240x128xf32, #tpu.memory_space<hbm>>) dst(%arg11 : memref<128x128xf32, #tpu.memory_space<vmem>>)
    %barrier3A_50 = arith.constant 0 : index
    tpu.barrier barrier_id(%barrier3A_50)
    %mul3A_51 = arith.constant 640 : i32
    %mul3A_52 = arith.muli %arg1, %mul3A_51 : i32
    %multiple_of3A_53 = tpu.assume_multiple %mul3A_52, 8 : i32
    "tpu.region"() ({
      %run_scoped3A = tpu.sem_alloc : memref<!tpu.dma_semaphore, #tpu.memory_space<semaphore_mem>>
      %dma_start3A_54 = arith.constant 0 : i32
      %dma_start3A_55 = arith.constant 0 : i32
      %dma_start3A_56 = tpu.memref_slice %arg5[%arg0, %dma_start3A_54, %dma_start3A_55] : memref<2x10240x128xf32, #tpu.memory_space<hbm>> -> memref<1x10240x128xf32, #tpu.memory_space<hbm>>
      %dma_start3A_57 = tpu.memref_squeeze %dma_start3A_56 : memref<1x10240x128xf32, #tpu.memory_space<hbm>> -> memref<10240x128xf32, #tpu.memory_space<hbm>>
      %dma_start3A_58 = arith.constant 0 : i32
      %dma_start3A_59 = tpu.memref_slice %dma_start3A_57[%multiple_of3A_53, %dma_start3A_58] : memref<10240x128xf32, #tpu.memory_space<hbm>> -> memref<640x128xf32, #tpu.memory_space<hbm>>
      %dma_start3A_60 = arith.constant 0 : i32
      %dma_start3A_61 = tpu.memref_slice %arg12[%multiple_of3A_53, %dma_start3A_60] : memref<10240x128xf32, #tpu.memory_space<vmem_shared>> -> memref<640x128xf32, #tpu.memory_space<vmem_shared>>
      tpu.enqueue_dma source(%dma_start3A_61 : memref<640x128xf32, #tpu.memory_space<vmem_shared>>) target(%dma_start3A_59 : memref<640x128xf32, #tpu.memory_space<hbm>>) target_semaphore(%run_scoped3A : memref<!tpu.dma_semaphore, #tpu.memory_space<semaphore_mem>>)
      %dma_wait3A_62 = arith.constant 0 : i32
      %dma_wait3A_63 = arith.constant 0 : i32
      %dma_wait3A_64 = tpu.memref_slice %arg5[%arg0, %dma_wait3A_62, %dma_wait3A_63] : memref<2x10240x128xf32, #tpu.memory_space<hbm>> -> memref<1x10240x128xf32, #tpu.memory_space<hbm>>
      %dma_wait3A_65 = tpu.memref_squeeze %dma_wait3A_64 : memref<1x10240x128xf32, #tpu.memory_space<hbm>> -> memref<10240x128xf32, #tpu.memory_space<hbm>>
      %dma_wait3A_66 = arith.constant 0 : i32
      %dma_wait3A_67 = tpu.memref_slice %dma_wait3A_65[%multiple_of3A_53, %dma_wait3A_66] : memref<10240x128xf32, #tpu.memory_space<hbm>> -> memref<640x128xf32, #tpu.memory_space<hbm>>
      %dma_wait3A_68 = arith.constant 0 : i32
      %dma_wait3A_69 = tpu.memref_slice %arg12[%multiple_of3A_53, %dma_wait3A_68] : memref<10240x128xf32, #tpu.memory_space<vmem_shared>> -> memref<640x128xf32, #tpu.memory_space<vmem_shared>>
      tpu.wait_dma2 semaphore(%run_scoped3A : memref<!tpu.dma_semaphore, #tpu.memory_space<semaphore_mem>>) src(%dma_wait3A_69 : memref<640x128xf32, #tpu.memory_space<vmem_shared>>) dst(%dma_wait3A_67 : memref<640x128xf32, #tpu.memory_space<hbm>>)
      tpu.yield
    }) : () -> ()
    return
  }
}

#map = affine_map<(d0, d1) -> (0, 0)>
#map1 = affine_map<(d0, d1) -> (0)>
#map2 = affine_map<(d0, d1) -> (0, 0, 0)>
module attributes {stable_mosaic.version = 14 : i64} {
  func.func @_sc_agg_body(%arg0: i32, %arg1: i32, %arg2: memref<10240x128xf32, #tpu.memory_space<hbm>>, %arg3: memref<327680xi32, #tpu.memory_space<hbm>>, %arg4: memref<327680xi32, #tpu.memory_space<hbm>>, %arg5: memref<2x10240x128xf32, #tpu.memory_space<hbm>>, %arg6: memref<128xi32, #tpu.memory_space<vmem>>, %arg7: memref<128xi32, #tpu.memory_space<vmem>>, %arg8: memref<128xi32, #tpu.memory_space<vmem>>, %arg9: memref<128xi32, #tpu.memory_space<vmem>>, %arg10: memref<128x128xf32, #tpu.memory_space<vmem>>, %arg11: memref<128x128xf32, #tpu.memory_space<vmem>>, %arg12: memref<10240x128xf32, #tpu.memory_space<vmem_shared>>, %arg13: memref<!tpu.dma_semaphore, #tpu.memory_space<semaphore_mem>>, %arg14: memref<!tpu.dma_semaphore, #tpu.memory_space<semaphore_mem>>) attributes {dimension_semantics = [#tpu.dimension_semantics<core_parallel>, #tpu.dimension_semantics<subcore_parallel>], iteration_bounds = array<i64: 2, 16>, scalar_prefetch = 0 : i64, scratch_operands = 9 : i64, tpu.core_type = #tpu.core_type<sc_vector_subcore>, window_params = [{transform_indices = #map}, {transform_indices = #map1}, {transform_indices = #map1}, {transform_indices = #map2}]} {
    %mul3A = arith.constant 2 : i32
    %mul3A_0 = arith.muli %arg1, %mul3A : i32
    %add3A = arith.addi %mul3A_0, %arg0 : i32
    %mul3A_1 = arith.constant 10240 : i32
    %mul3A_2 = arith.muli %add3A, %mul3A_1 : i32
    %multiple_of3A = tpu.assume_multiple %mul3A_2, 8 : i32
    %add3A_3 = arith.constant 0 : i32
    %add3A_4 = arith.addi %multiple_of3A, %add3A_3 : i32
    %multiple_of3A_5 = tpu.assume_multiple %add3A_4, 8 : i32
    "tpu.region"() ({
      %run_scoped3A = tpu.sem_alloc : memref<!tpu.dma_semaphore, #tpu.memory_space<semaphore_mem>>
      %dma_start3A_54 = tpu.memref_slice %arg3[%multiple_of3A_5] : memref<327680xi32, #tpu.memory_space<hbm>> -> memref<128xi32, #tpu.memory_space<hbm>>
      %dma_start3A_55 = tpu.memref_slice %arg3[%multiple_of3A_5] : memref<327680xi32, #tpu.memory_space<hbm>> -> memref<128xi32, #tpu.memory_space<hbm>>
      tpu.enqueue_dma source(%dma_start3A_55 : memref<128xi32, #tpu.memory_space<hbm>>) target(%arg6 : memref<128xi32, #tpu.memory_space<vmem>>) target_semaphore(%run_scoped3A : memref<!tpu.dma_semaphore, #tpu.memory_space<semaphore_mem>>)
      %dma_wait3A_56 = tpu.memref_slice %arg3[%multiple_of3A_5] : memref<327680xi32, #tpu.memory_space<hbm>> -> memref<128xi32, #tpu.memory_space<hbm>>
      %dma_wait3A_57 = tpu.memref_slice %arg3[%multiple_of3A_5] : memref<327680xi32, #tpu.memory_space<hbm>> -> memref<128xi32, #tpu.memory_space<hbm>>
      tpu.wait_dma2 semaphore(%run_scoped3A : memref<!tpu.dma_semaphore, #tpu.memory_space<semaphore_mem>>) src(%dma_wait3A_57 : memref<128xi32, #tpu.memory_space<hbm>>) dst(%arg6 : memref<128xi32, #tpu.memory_space<vmem>>)
      tpu.yield
    }) : () -> ()
    "tpu.region"() ({
      %run_scoped3A = tpu.sem_alloc : memref<!tpu.dma_semaphore, #tpu.memory_space<semaphore_mem>>
      %dma_start3A_54 = tpu.memref_slice %arg4[%multiple_of3A_5] : memref<327680xi32, #tpu.memory_space<hbm>> -> memref<128xi32, #tpu.memory_space<hbm>>
      %dma_start3A_55 = tpu.memref_slice %arg4[%multiple_of3A_5] : memref<327680xi32, #tpu.memory_space<hbm>> -> memref<128xi32, #tpu.memory_space<hbm>>
      tpu.enqueue_dma source(%dma_start3A_55 : memref<128xi32, #tpu.memory_space<hbm>>) target(%arg7 : memref<128xi32, #tpu.memory_space<vmem>>) target_semaphore(%run_scoped3A : memref<!tpu.dma_semaphore, #tpu.memory_space<semaphore_mem>>)
      %dma_wait3A_56 = tpu.memref_slice %arg4[%multiple_of3A_5] : memref<327680xi32, #tpu.memory_space<hbm>> -> memref<128xi32, #tpu.memory_space<hbm>>
      %dma_wait3A_57 = tpu.memref_slice %arg4[%multiple_of3A_5] : memref<327680xi32, #tpu.memory_space<hbm>> -> memref<128xi32, #tpu.memory_space<hbm>>
      tpu.wait_dma2 semaphore(%run_scoped3A : memref<!tpu.dma_semaphore, #tpu.memory_space<semaphore_mem>>) src(%dma_wait3A_57 : memref<128xi32, #tpu.memory_space<hbm>>) dst(%arg7 : memref<128xi32, #tpu.memory_space<vmem>>)
      tpu.yield
    }) : () -> ()
    %dma_start3A = arith.constant 0 : i32
    %dma_start3A_6 = arith.constant 0 : i32
    %dma_start3A_7 = tpu.memref_slice %arg2[%dma_start3A, %dma_start3A_6] : memref<10240x128xf32, #tpu.memory_space<hbm>> -> memref<10240x128xf32, #tpu.memory_space<hbm>>
    tpu.enqueue_indirect_dma source(%dma_start3A_7 : memref<10240x128xf32, #tpu.memory_space<hbm>>) target(%arg10 : memref<128x128xf32, #tpu.memory_space<vmem>>) offsets(%arg6 : memref<128xi32, #tpu.memory_space<vmem>>) semaphore(%arg13 : memref<!tpu.dma_semaphore, #tpu.memory_space<semaphore_mem>>)
    %add3A_8 = arith.constant 128 : i32
    %add3A_9 = arith.addi %multiple_of3A, %add3A_8 : i32
    %multiple_of3A_10 = tpu.assume_multiple %add3A_9, 8 : i32
    "tpu.region"() ({
      %run_scoped3A = tpu.sem_alloc : memref<!tpu.dma_semaphore, #tpu.memory_space<semaphore_mem>>
      %dma_start3A_54 = tpu.memref_slice %arg3[%multiple_of3A_10] : memref<327680xi32, #tpu.memory_space<hbm>> -> memref<128xi32, #tpu.memory_space<hbm>>
      %dma_start3A_55 = tpu.memref_slice %arg3[%multiple_of3A_10] : memref<327680xi32, #tpu.memory_space<hbm>> -> memref<128xi32, #tpu.memory_space<hbm>>
      tpu.enqueue_dma source(%dma_start3A_55 : memref<128xi32, #tpu.memory_space<hbm>>) target(%arg8 : memref<128xi32, #tpu.memory_space<vmem>>) target_semaphore(%run_scoped3A : memref<!tpu.dma_semaphore, #tpu.memory_space<semaphore_mem>>)
      %dma_wait3A_56 = tpu.memref_slice %arg3[%multiple_of3A_10] : memref<327680xi32, #tpu.memory_space<hbm>> -> memref<128xi32, #tpu.memory_space<hbm>>
      %dma_wait3A_57 = tpu.memref_slice %arg3[%multiple_of3A_10] : memref<327680xi32, #tpu.memory_space<hbm>> -> memref<128xi32, #tpu.memory_space<hbm>>
      tpu.wait_dma2 semaphore(%run_scoped3A : memref<!tpu.dma_semaphore, #tpu.memory_space<semaphore_mem>>) src(%dma_wait3A_57 : memref<128xi32, #tpu.memory_space<hbm>>) dst(%arg8 : memref<128xi32, #tpu.memory_space<vmem>>)
      tpu.yield
    }) : () -> ()
    "tpu.region"() ({
      %run_scoped3A = tpu.sem_alloc : memref<!tpu.dma_semaphore, #tpu.memory_space<semaphore_mem>>
      %dma_start3A_54 = tpu.memref_slice %arg4[%multiple_of3A_10] : memref<327680xi32, #tpu.memory_space<hbm>> -> memref<128xi32, #tpu.memory_space<hbm>>
      %dma_start3A_55 = tpu.memref_slice %arg4[%multiple_of3A_10] : memref<327680xi32, #tpu.memory_space<hbm>> -> memref<128xi32, #tpu.memory_space<hbm>>
      tpu.enqueue_dma source(%dma_start3A_55 : memref<128xi32, #tpu.memory_space<hbm>>) target(%arg9 : memref<128xi32, #tpu.memory_space<vmem>>) target_semaphore(%run_scoped3A : memref<!tpu.dma_semaphore, #tpu.memory_space<semaphore_mem>>)
      %dma_wait3A_56 = tpu.memref_slice %arg4[%multiple_of3A_10] : memref<327680xi32, #tpu.memory_space<hbm>> -> memref<128xi32, #tpu.memory_space<hbm>>
      %dma_wait3A_57 = tpu.memref_slice %arg4[%multiple_of3A_10] : memref<327680xi32, #tpu.memory_space<hbm>> -> memref<128xi32, #tpu.memory_space<hbm>>
      tpu.wait_dma2 semaphore(%run_scoped3A : memref<!tpu.dma_semaphore, #tpu.memory_space<semaphore_mem>>) src(%dma_wait3A_57 : memref<128xi32, #tpu.memory_space<hbm>>) dst(%arg9 : memref<128xi32, #tpu.memory_space<vmem>>)
      tpu.yield
    }) : () -> ()
    %scan3A = arith.constant 0 : i32
    %scan3A_11 = arith.constant 0 : i32
    %scan3A_12 = arith.constant 128 : i32
    %scan3A_13 = arith.addi %scan3A_11, %scan3A_12 : i32
    %scan3A_14 = arith.constant 1 : i32
    scf.for %scan3A_54 = %scan3A_11 to %scan3A_13 step %scan3A_14  : i32 {
      %broadcast_in_dim3A = arith.constant 0.000000e+00 : f32
      %broadcast_in_dim3A_55 = vector.broadcast %broadcast_in_dim3A : f32 to vector<16xf32>
      %swap3A = arith.index_cast %scan3A_54 : i32 to index
      %swap3A_56 = arith.constant 0 : index
      %swap3A_57 = tpu.vector_load %arg11[%swap3A, %swap3A_56] {strides = array<i32>} : memref<128x128xf32, #tpu.memory_space<vmem>>, vector<1x16xf32>,
      %swap3A_58 = vector.shape_cast %swap3A_57 : vector<1x16xf32> to vector<16xf32>
      %swap3A_59 = vector.shape_cast %broadcast_in_dim3A_55 : vector<16xf32> to vector<1x16xf32>
      tpu.vector_store %arg11[%swap3A, %swap3A_56], %swap3A_59 {strides = array<i32>} : memref<128x128xf32, #tpu.memory_space<vmem>>, vector<1x16xf32>,
      %broadcast_in_dim3A_60 = arith.constant 0.000000e+00 : f32
      %broadcast_in_dim3A_61 = vector.broadcast %broadcast_in_dim3A_60 : f32 to vector<16xf32>
      %swap3A_62 = arith.index_cast %scan3A_54 : i32 to index
      %swap3A_63 = arith.constant 16 : index
      %swap3A_64 = tpu.vector_load %arg11[%swap3A_62, %swap3A_63] {strides = array<i32>} : memref<128x128xf32, #tpu.memory_space<vmem>>, vector<1x16xf32>,
      %swap3A_65 = vector.shape_cast %swap3A_64 : vector<1x16xf32> to vector<16xf32>
      %swap3A_66 = vector.shape_cast %broadcast_in_dim3A_61 : vector<16xf32> to vector<1x16xf32>
      tpu.vector_store %arg11[%swap3A_62, %swap3A_63], %swap3A_66 {strides = array<i32>} : memref<128x128xf32, #tpu.memory_space<vmem>>, vector<1x16xf32>,
      %broadcast_in_dim3A_67 = arith.constant 0.000000e+00 : f32
      %broadcast_in_dim3A_68 = vector.broadcast %broadcast_in_dim3A_67 : f32 to vector<16xf32>
      %swap3A_69 = arith.index_cast %scan3A_54 : i32 to index
      %swap3A_70 = arith.constant 32 : index
      %swap3A_71 = tpu.vector_load %arg11[%swap3A_69, %swap3A_70] {strides = array<i32>} : memref<128x128xf32, #tpu.memory_space<vmem>>, vector<1x16xf32>,
      %swap3A_72 = vector.shape_cast %swap3A_71 : vector<1x16xf32> to vector<16xf32>
      %swap3A_73 = vector.shape_cast %broadcast_in_dim3A_68 : vector<16xf32> to vector<1x16xf32>
      tpu.vector_store %arg11[%swap3A_69, %swap3A_70], %swap3A_73 {strides = array<i32>} : memref<128x128xf32, #tpu.memory_space<vmem>>, vector<1x16xf32>,
      %broadcast_in_dim3A_74 = arith.constant 0.000000e+00 : f32
      %broadcast_in_dim3A_75 = vector.broadcast %broadcast_in_dim3A_74 : f32 to vector<16xf32>
      %swap3A_76 = arith.index_cast %scan3A_54 : i32 to index
      %swap3A_77 = arith.constant 48 : index
      %swap3A_78 = tpu.vector_load %arg11[%swap3A_76, %swap3A_77] {strides = array<i32>} : memref<128x128xf32, #tpu.memory_space<vmem>>, vector<1x16xf32>,
      %swap3A_79 = vector.shape_cast %swap3A_78 : vector<1x16xf32> to vector<16xf32>
      %swap3A_80 = vector.shape_cast %broadcast_in_dim3A_75 : vector<16xf32> to vector<1x16xf32>
      tpu.vector_store %arg11[%swap3A_76, %swap3A_77], %swap3A_80 {strides = array<i32>} : memref<128x128xf32, #tpu.memory_space<vmem>>, vector<1x16xf32>,
      %broadcast_in_dim3A_81 = arith.constant 0.000000e+00 : f32
      %broadcast_in_dim3A_82 = vector.broadcast %broadcast_in_dim3A_81 : f32 to vector<16xf32>
      %swap3A_83 = arith.index_cast %scan3A_54 : i32 to index
      %swap3A_84 = arith.constant 64 : index
      %swap3A_85 = tpu.vector_load %arg11[%swap3A_83, %swap3A_84] {strides = array<i32>} : memref<128x128xf32, #tpu.memory_space<vmem>>, vector<1x16xf32>,
      %swap3A_86 = vector.shape_cast %swap3A_85 : vector<1x16xf32> to vector<16xf32>
      %swap3A_87 = vector.shape_cast %broadcast_in_dim3A_82 : vector<16xf32> to vector<1x16xf32>
      tpu.vector_store %arg11[%swap3A_83, %swap3A_84], %swap3A_87 {strides = array<i32>} : memref<128x128xf32, #tpu.memory_space<vmem>>, vector<1x16xf32>,
      %broadcast_in_dim3A_88 = arith.constant 0.000000e+00 : f32
      %broadcast_in_dim3A_89 = vector.broadcast %broadcast_in_dim3A_88 : f32 to vector<16xf32>
      %swap3A_90 = arith.index_cast %scan3A_54 : i32 to index
      %swap3A_91 = arith.constant 80 : index
      %swap3A_92 = tpu.vector_load %arg11[%swap3A_90, %swap3A_91] {strides = array<i32>} : memref<128x128xf32, #tpu.memory_space<vmem>>, vector<1x16xf32>,
      %swap3A_93 = vector.shape_cast %swap3A_92 : vector<1x16xf32> to vector<16xf32>
      %swap3A_94 = vector.shape_cast %broadcast_in_dim3A_89 : vector<16xf32> to vector<1x16xf32>
      tpu.vector_store %arg11[%swap3A_90, %swap3A_91], %swap3A_94 {strides = array<i32>} : memref<128x128xf32, #tpu.memory_space<vmem>>, vector<1x16xf32>,
      %broadcast_in_dim3A_95 = arith.constant 0.000000e+00 : f32
      %broadcast_in_dim3A_96 = vector.broadcast %broadcast_in_dim3A_95 : f32 to vector<16xf32>
      %swap3A_97 = arith.index_cast %scan3A_54 : i32 to index
      %swap3A_98 = arith.constant 96 : index
      %swap3A_99 = tpu.vector_load %arg11[%swap3A_97, %swap3A_98] {strides = array<i32>} : memref<128x128xf32, #tpu.memory_space<vmem>>, vector<1x16xf32>,
      %swap3A_100 = vector.shape_cast %swap3A_99 : vector<1x16xf32> to vector<16xf32>
      %swap3A_101 = vector.shape_cast %broadcast_in_dim3A_96 : vector<16xf32> to vector<1x16xf32>
      tpu.vector_store %arg11[%swap3A_97, %swap3A_98], %swap3A_101 {strides = array<i32>} : memref<128x128xf32, #tpu.memory_space<vmem>>, vector<1x16xf32>,
      %broadcast_in_dim3A_102 = arith.constant 0.000000e+00 : f32
      %broadcast_in_dim3A_103 = vector.broadcast %broadcast_in_dim3A_102 : f32 to vector<16xf32>
      %swap3A_104 = arith.index_cast %scan3A_54 : i32 to index
      %swap3A_105 = arith.constant 112 : index
      %swap3A_106 = tpu.vector_load %arg11[%swap3A_104, %swap3A_105] {strides = array<i32>} : memref<128x128xf32, #tpu.memory_space<vmem>>, vector<1x16xf32>,
      %swap3A_107 = vector.shape_cast %swap3A_106 : vector<1x16xf32> to vector<16xf32>
      %swap3A_108 = vector.shape_cast %broadcast_in_dim3A_103 : vector<16xf32> to vector<1x16xf32>
      tpu.vector_store %arg11[%swap3A_104, %swap3A_105], %swap3A_108 {strides = array<i32>} : memref<128x128xf32, #tpu.memory_space<vmem>>, vector<1x16xf32>,
    }
    %scan3A_15 = arith.constant 128 : i32
    %mul3A_16 = arith.constant 640 : i32
    %mul3A_17 = arith.muli %arg1, %mul3A_16 : i32
    %add3A_18 = arith.constant 0 : i32
    %add3A_19 = arith.addi %mul3A_17, %add3A_18 : i32
    "tpu.region"() ({
      %run_scoped3A = tpu.sem_alloc : memref<!tpu.dma_semaphore, #tpu.memory_space<semaphore_mem>>
      %dma_start3A_54 = arith.constant 0 : i32
      %dma_start3A_55 = tpu.memref_slice %arg12[%add3A_19, %dma_start3A_54] : memref<10240x128xf32, #tpu.memory_space<vmem_shared>> -> memref<128x128xf32, #tpu.memory_space<vmem_shared>>
      %dma_start3A_56 = arith.constant 0 : i32
      %dma_start3A_57 = tpu.memref_slice %arg12[%add3A_19, %dma_start3A_56] : memref<10240x128xf32, #tpu.memory_space<vmem_shared>> -> memref<128x128xf32, #tpu.memory_space<vmem_shared>>
      tpu.enqueue_dma source(%arg11 : memref<128x128xf32, #tpu.memory_space<vmem>>) target(%dma_start3A_57 : memref<128x128xf32, #tpu.memory_space<vmem_shared>>) target_semaphore(%run_scoped3A : memref<!tpu.dma_semaphore, #tpu.memory_space<semaphore_mem>>)
      %dma_wait3A_58 = arith.constant 0 : i32
      %dma_wait3A_59 = tpu.memref_slice %arg12[%add3A_19, %dma_wait3A_58] : memref<10240x128xf32, #tpu.memory_space<vmem_shared>> -> memref<128x128xf32, #tpu.memory_space<vmem_shared>>
      %dma_wait3A_60 = arith.constant 0 : i32
      %dma_wait3A_61 = tpu.memref_slice %arg12[%add3A_19, %dma_wait3A_60] : memref<10240x128xf32, #tpu.memory_space<vmem_shared>> -> memref<128x128xf32, #tpu.memory_space<vmem_shared>>
      tpu.wait_dma2 semaphore(%run_scoped3A : memref<!tpu.dma_semaphore, #tpu.memory_space<semaphore_mem>>) src(%arg11 : memref<128x128xf32, #tpu.memory_space<vmem>>) dst(%dma_wait3A_61 : memref<128x128xf32, #tpu.memory_space<vmem_shared>>)
      tpu.yield
    }) : () -> ()
    %mul3A_20 = arith.constant 640 : i32
    %mul3A_21 = arith.muli %arg1, %mul3A_20 : i32
    %add3A_22 = arith.constant 128 : i32
    %add3A_23 = arith.addi %mul3A_21, %add3A_22 : i32
    "tpu.region"() ({
      %run_scoped3A = tpu.sem_alloc : memref<!tpu.dma_semaphore, #tpu.memory_space<semaphore_mem>>
      %dma_start3A_54 = arith.constant 0 : i32
      %dma_start3A_55 = tpu.memref_slice %arg12[%add3A_23, %dma_start3A_54] : memref<10240x128xf32, #tpu.memory_space<vmem_shared>> -> memref<128x128xf32, #tpu.memory_space<vmem_shared>>
      %dma_start3A_56 = arith.constant 0 : i32
      %dma_start3A_57 = tpu.memref_slice %arg12[%add3A_23, %dma_start3A_56] : memref<10240x128xf32, #tpu.memory_space<vmem_shared>> -> memref<128x128xf32, #tpu.memory_space<vmem_shared>>
      tpu.enqueue_dma source(%arg11 : memref<128x128xf32, #tpu.memory_space<vmem>>) target(%dma_start3A_57 : memref<128x128xf32, #tpu.memory_space<vmem_shared>>) target_semaphore(%run_scoped3A : memref<!tpu.dma_semaphore, #tpu.memory_space<semaphore_mem>>)
      %dma_wait3A_58 = arith.constant 0 : i32
      %dma_wait3A_59 = tpu.memref_slice %arg12[%add3A_23, %dma_wait3A_58] : memref<10240x128xf32, #tpu.memory_space<vmem_shared>> -> memref<128x128xf32, #tpu.memory_space<vmem_shared>>
      %dma_wait3A_60 = arith.constant 0 : i32
      %dma_wait3A_61 = tpu.memref_slice %arg12[%add3A_23, %dma_wait3A_60] : memref<10240x128xf32, #tpu.memory_space<vmem_shared>> -> memref<128x128xf32, #tpu.memory_space<vmem_shared>>
      tpu.wait_dma2 semaphore(%run_scoped3A : memref<!tpu.dma_semaphore, #tpu.memory_space<semaphore_mem>>) src(%arg11 : memref<128x128xf32, #tpu.memory_space<vmem>>) dst(%dma_wait3A_61 : memref<128x128xf32, #tpu.memory_space<vmem_shared>>)
      tpu.yield
    }) : () -> ()
    %mul3A_24 = arith.constant 640 : i32
    %mul3A_25 = arith.muli %arg1, %mul3A_24 : i32
    %add3A_26 = arith.constant 256 : i32
    %add3A_27 = arith.addi %mul3A_25, %add3A_26 : i32
    "tpu.region"() ({
      %run_scoped3A = tpu.sem_alloc : memref<!tpu.dma_semaphore, #tpu.memory_space<semaphore_mem>>
      %dma_start3A_54 = arith.constant 0 : i32
      %dma_start3A_55 = tpu.memref_slice %arg12[%add3A_27, %dma_start3A_54] : memref<10240x128xf32, #tpu.memory_space<vmem_shared>> -> memref<128x128xf32, #tpu.memory_space<vmem_shared>>
      %dma_start3A_56 = arith.constant 0 : i32
      %dma_start3A_57 = tpu.memref_slice %arg12[%add3A_27, %dma_start3A_56] : memref<10240x128xf32, #tpu.memory_space<vmem_shared>> -> memref<128x128xf32, #tpu.memory_space<vmem_shared>>
      tpu.enqueue_dma source(%arg11 : memref<128x128xf32, #tpu.memory_space<vmem>>) target(%dma_start3A_57 : memref<128x128xf32, #tpu.memory_space<vmem_shared>>) target_semaphore(%run_scoped3A : memref<!tpu.dma_semaphore, #tpu.memory_space<semaphore_mem>>)
      %dma_wait3A_58 = arith.constant 0 : i32
      %dma_wait3A_59 = tpu.memref_slice %arg12[%add3A_27, %dma_wait3A_58] : memref<10240x128xf32, #tpu.memory_space<vmem_shared>> -> memref<128x128xf32, #tpu.memory_space<vmem_shared>>
      %dma_wait3A_60 = arith.constant 0 : i32
      %dma_wait3A_61 = tpu.memref_slice %arg12[%add3A_27, %dma_wait3A_60] : memref<10240x128xf32, #tpu.memory_space<vmem_shared>> -> memref<128x128xf32, #tpu.memory_space<vmem_shared>>
      tpu.wait_dma2 semaphore(%run_scoped3A : memref<!tpu.dma_semaphore, #tpu.memory_space<semaphore_mem>>) src(%arg11 : memref<128x128xf32, #tpu.memory_space<vmem>>) dst(%dma_wait3A_61 : memref<128x128xf32, #tpu.memory_space<vmem_shared>>)
      tpu.yield
    }) : () -> ()
    %mul3A_28 = arith.constant 640 : i32
    %mul3A_29 = arith.muli %arg1, %mul3A_28 : i32
    %add3A_30 = arith.constant 384 : i32
    %add3A_31 = arith.addi %mul3A_29, %add3A_30 : i32
    "tpu.region"() ({
      %run_scoped3A = tpu.sem_alloc : memref<!tpu.dma_semaphore, #tpu.memory_space<semaphore_mem>>
      %dma_start3A_54 = arith.constant 0 : i32
      %dma_start3A_55 = tpu.memref_slice %arg12[%add3A_31, %dma_start3A_54] : memref<10240x128xf32, #tpu.memory_space<vmem_shared>> -> memref<128x128xf32, #tpu.memory_space<vmem_shared>>
      %dma_start3A_56 = arith.constant 0 : i32
      %dma_start3A_57 = tpu.memref_slice %arg12[%add3A_31, %dma_start3A_56] : memref<10240x128xf32, #tpu.memory_space<vmem_shared>> -> memref<128x128xf32, #tpu.memory_space<vmem_shared>>
      tpu.enqueue_dma source(%arg11 : memref<128x128xf32, #tpu.memory_space<vmem>>) target(%dma_start3A_57 : memref<128x128xf32, #tpu.memory_space<vmem_shared>>) target_semaphore(%run_scoped3A : memref<!tpu.dma_semaphore, #tpu.memory_space<semaphore_mem>>)
      %dma_wait3A_58 = arith.constant 0 : i32
      %dma_wait3A_59 = tpu.memref_slice %arg12[%add3A_31, %dma_wait3A_58] : memref<10240x128xf32, #tpu.memory_space<vmem_shared>> -> memref<128x128xf32, #tpu.memory_space<vmem_shared>>
      %dma_wait3A_60 = arith.constant 0 : i32
      %dma_wait3A_61 = tpu.memref_slice %arg12[%add3A_31, %dma_wait3A_60] : memref<10240x128xf32, #tpu.memory_space<vmem_shared>> -> memref<128x128xf32, #tpu.memory_space<vmem_shared>>
      tpu.wait_dma2 semaphore(%run_scoped3A : memref<!tpu.dma_semaphore, #tpu.memory_space<semaphore_mem>>) src(%arg11 : memref<128x128xf32, #tpu.memory_space<vmem>>) dst(%dma_wait3A_61 : memref<128x128xf32, #tpu.memory_space<vmem_shared>>)
      tpu.yield
    }) : () -> ()
    %mul3A_32 = arith.constant 640 : i32
    %mul3A_33 = arith.muli %arg1, %mul3A_32 : i32
    %add3A_34 = arith.constant 512 : i32
    %add3A_35 = arith.addi %mul3A_33, %add3A_34 : i32
    "tpu.region"() ({
      %run_scoped3A = tpu.sem_alloc : memref<!tpu.dma_semaphore, #tpu.memory_space<semaphore_mem>>
      %dma_start3A_54 = arith.constant 0 : i32
      %dma_start3A_55 = tpu.memref_slice %arg12[%add3A_35, %dma_start3A_54] : memref<10240x128xf32, #tpu.memory_space<vmem_shared>> -> memref<128x128xf32, #tpu.memory_space<vmem_shared>>
      %dma_start3A_56 = arith.constant 0 : i32
      %dma_start3A_57 = tpu.memref_slice %arg12[%add3A_35, %dma_start3A_56] : memref<10240x128xf32, #tpu.memory_space<vmem_shared>> -> memref<128x128xf32, #tpu.memory_space<vmem_shared>>
      tpu.enqueue_dma source(%arg11 : memref<128x128xf32, #tpu.memory_space<vmem>>) target(%dma_start3A_57 : memref<128x128xf32, #tpu.memory_space<vmem_shared>>) target_semaphore(%run_scoped3A : memref<!tpu.dma_semaphore, #tpu.memory_space<semaphore_mem>>)
      %dma_wait3A_58 = arith.constant 0 : i32
      %dma_wait3A_59 = tpu.memref_slice %arg12[%add3A_35, %dma_wait3A_58] : memref<10240x128xf32, #tpu.memory_space<vmem_shared>> -> memref<128x128xf32, #tpu.memory_space<vmem_shared>>
      %dma_wait3A_60 = arith.constant 0 : i32
      %dma_wait3A_61 = tpu.memref_slice %arg12[%add3A_35, %dma_wait3A_60] : memref<10240x128xf32, #tpu.memory_space<vmem_shared>> -> memref<128x128xf32, #tpu.memory_space<vmem_shared>>
      tpu.wait_dma2 semaphore(%run_scoped3A : memref<!tpu.dma_semaphore, #tpu.memory_space<semaphore_mem>>) src(%arg11 : memref<128x128xf32, #tpu.memory_space<vmem>>) dst(%dma_wait3A_61 : memref<128x128xf32, #tpu.memory_space<vmem_shared>>)
      tpu.yield
    }) : () -> ()
    %barrier3A = arith.constant 0 : index
    tpu.barrier barrier_id(%barrier3A)
    %dma_start3A_36 = arith.constant 0 : i32
    %dma_start3A_37 = arith.constant 0 : i32
    %dma_start3A_38 = tpu.memref_slice %arg2[%dma_start3A_36, %dma_start3A_37] : memref<10240x128xf32, #tpu.memory_space<hbm>> -> memref<10240x128xf32, #tpu.memory_space<hbm>>
    tpu.enqueue_indirect_dma source(%dma_start3A_38 : memref<10240x128xf32, #tpu.memory_space<hbm>>) target(%arg11 : memref<128x128xf32, #tpu.memory_space<vmem>>) offsets(%arg8 : memref<128xi32, #tpu.memory_space<vmem>>) semaphore(%arg14 : memref<!tpu.dma_semaphore, #tpu.memory_space<semaphore_mem>>)
    %scan3A_39 = arith.constant 0 : i32
    %scan3A_40 = arith.constant 0 : i32
    %scan3A_41 = arith.constant 40 : i32
    %scan3A_42 = arith.addi %scan3A_40, %scan3A_41 : i32
    %scan3A_43 = arith.constant 1 : i32
    scf.for %scan3A_54 = %scan3A_40 to %scan3A_42 step %scan3A_43  : i32 {
      %mul3A_55 = arith.constant 2 : i32
      %mul3A_56 = arith.muli %mul3A_55, %scan3A_54 : i32
      %dma_wait3A_57 = arith.constant 0 : i32
      %dma_wait3A_58 = arith.constant 0 : i32
      %dma_wait3A_59 = tpu.memref_slice %arg2[%dma_wait3A_57, %dma_wait3A_58] : memref<10240x128xf32, #tpu.memory_space<hbm>> -> memref<10240x128xf32, #tpu.memory_space<hbm>>
      tpu.wait_indirect_dma semaphore(%arg13 : memref<!tpu.dma_semaphore, #tpu.memory_space<semaphore_mem>>) src(%dma_wait3A_59 : memref<10240x128xf32, #tpu.memory_space<hbm>>) dst(%arg10 : memref<128x128xf32, #tpu.memory_space<vmem>>)
      "tpu.region"() ({
        %run_scoped3A = tpu.sem_alloc : memref<!tpu.dma_semaphore, #tpu.memory_space<semaphore_mem>>
        %dma_start3A_84 = arith.constant 0 : i32
        %dma_start3A_85 = arith.constant 0 : i32
        %dma_start3A_86 = tpu.memref_slice %arg12[%dma_start3A_84, %dma_start3A_85] : memref<10240x128xf32, #tpu.memory_space<vmem_shared>> -> memref<10240x128xf32, #tpu.memory_space<vmem_shared>>
        tpu.enqueue_indirect_dma source(%arg10 : memref<128x128xf32, #tpu.memory_space<vmem>>) target(%dma_start3A_86 : memref<10240x128xf32, #tpu.memory_space<vmem_shared>>) offsets(%arg7 : memref<128xi32, #tpu.memory_space<vmem>>) semaphore(%run_scoped3A : memref<!tpu.dma_semaphore, #tpu.memory_space<semaphore_mem>>) {add = true}
        %dma_wait3A_87 = arith.constant 0 : i32
        %dma_wait3A_88 = arith.constant 0 : i32
        %dma_wait3A_89 = tpu.memref_slice %arg12[%dma_wait3A_87, %dma_wait3A_88] : memref<10240x128xf32, #tpu.memory_space<vmem_shared>> -> memref<10240x128xf32, #tpu.memory_space<vmem_shared>>
        tpu.wait_indirect_dma semaphore(%run_scoped3A : memref<!tpu.dma_semaphore, #tpu.memory_space<semaphore_mem>>) src(%arg10 : memref<128x128xf32, #tpu.memory_space<vmem>>) dst(%dma_wait3A_89 : memref<10240x128xf32, #tpu.memory_space<vmem_shared>>)
        tpu.yield
      }) : () -> ()
      %add3A_60 = arith.constant 2 : i32
      %add3A_61 = arith.addi %mul3A_56, %add3A_60 : i32
      %rem3A = arith.constant 80 : i32
      %rem3A_62 = arith.remsi %add3A_61, %rem3A : i32
      %mul3A_63 = arith.constant 128 : i32
      %mul3A_64 = arith.muli %rem3A_62, %mul3A_63 : i32
      %add3A_65 = arith.addi %multiple_of3A, %mul3A_64 : i32
      %multiple_of3A_66 = tpu.assume_multiple %add3A_65, 8 : i32
      "tpu.region"() ({
        %run_scoped3A = tpu.sem_alloc : memref<!tpu.dma_semaphore, #tpu.memory_space<semaphore_mem>>
        %dma_start3A_84 = tpu.memref_slice %arg3[%multiple_of3A_66] : memref<327680xi32, #tpu.memory_space<hbm>> -> memref<128xi32, #tpu.memory_space<hbm>>
        %dma_start3A_85 = tpu.memref_slice %arg3[%multiple_of3A_66] : memref<327680xi32, #tpu.memory_space<hbm>> -> memref<128xi32, #tpu.memory_space<hbm>>
        tpu.enqueue_dma source(%dma_start3A_85 : memref<128xi32, #tpu.memory_space<hbm>>) target(%arg6 : memref<128xi32, #tpu.memory_space<vmem>>) target_semaphore(%run_scoped3A : memref<!tpu.dma_semaphore, #tpu.memory_space<semaphore_mem>>)
        %dma_wait3A_86 = tpu.memref_slice %arg3[%multiple_of3A_66] : memref<327680xi32, #tpu.memory_space<hbm>> -> memref<128xi32, #tpu.memory_space<hbm>>
        %dma_wait3A_87 = tpu.memref_slice %arg3[%multiple_of3A_66] : memref<327680xi32, #tpu.memory_space<hbm>> -> memref<128xi32, #tpu.memory_space<hbm>>
        tpu.wait_dma2 semaphore(%run_scoped3A : memref<!tpu.dma_semaphore, #tpu.memory_space<semaphore_mem>>) src(%dma_wait3A_87 : memref<128xi32, #tpu.memory_space<hbm>>) dst(%arg6 : memref<128xi32, #tpu.memory_space<vmem>>)
        tpu.yield
      }) : () -> ()
      "tpu.region"() ({
        %run_scoped3A = tpu.sem_alloc : memref<!tpu.dma_semaphore, #tpu.memory_space<semaphore_mem>>
        %dma_start3A_84 = tpu.memref_slice %arg4[%multiple_of3A_66] : memref<327680xi32, #tpu.memory_space<hbm>> -> memref<128xi32, #tpu.memory_space<hbm>>
        %dma_start3A_85 = tpu.memref_slice %arg4[%multiple_of3A_66] : memref<327680xi32, #tpu.memory_space<hbm>> -> memref<128xi32, #tpu.memory_space<hbm>>
        tpu.enqueue_dma source(%dma_start3A_85 : memref<128xi32, #tpu.memory_space<hbm>>) target(%arg7 : memref<128xi32, #tpu.memory_space<vmem>>) target_semaphore(%run_scoped3A : memref<!tpu.dma_semaphore, #tpu.memory_space<semaphore_mem>>)
        %dma_wait3A_86 = tpu.memref_slice %arg4[%multiple_of3A_66] : memref<327680xi32, #tpu.memory_space<hbm>> -> memref<128xi32, #tpu.memory_space<hbm>>
        %dma_wait3A_87 = tpu.memref_slice %arg4[%multiple_of3A_66] : memref<327680xi32, #tpu.memory_space<hbm>> -> memref<128xi32, #tpu.memory_space<hbm>>
        tpu.wait_dma2 semaphore(%run_scoped3A : memref<!tpu.dma_semaphore, #tpu.memory_space<semaphore_mem>>) src(%dma_wait3A_87 : memref<128xi32, #tpu.memory_space<hbm>>) dst(%arg7 : memref<128xi32, #tpu.memory_space<vmem>>)
        tpu.yield
      }) : () -> ()
      %dma_start3A_67 = arith.constant 0 : i32
      %dma_start3A_68 = arith.constant 0 : i32
      %dma_start3A_69 = tpu.memref_slice %arg2[%dma_start3A_67, %dma_start3A_68] : memref<10240x128xf32, #tpu.memory_space<hbm>> -> memref<10240x128xf32, #tpu.memory_space<hbm>>
      tpu.enqueue_indirect_dma source(%dma_start3A_69 : memref<10240x128xf32, #tpu.memory_space<hbm>>) target(%arg10 : memref<128x128xf32, #tpu.memory_space<vmem>>) offsets(%arg6 : memref<128xi32, #tpu.memory_space<vmem>>) semaphore(%arg13 : memref<!tpu.dma_semaphore, #tpu.memory_space<semaphore_mem>>)
      %dma_wait3A_70 = arith.constant 0 : i32
      %dma_wait3A_71 = arith.constant 0 : i32
      %dma_wait3A_72 = tpu.memref_slice %arg2[%dma_wait3A_70, %dma_wait3A_71] : memref<10240x128xf32, #tpu.memory_space<hbm>> -> memref<10240x128xf32, #tpu.memory_space<hbm>>
      tpu.wait_indirect_dma semaphore(%arg14 : memref<!tpu.dma_semaphore, #tpu.memory_space<semaphore_mem>>) src(%dma_wait3A_72 : memref<10240x128xf32, #tpu.memory_space<hbm>>) dst(%arg11 : memref<128x128xf32, #tpu.memory_space<vmem>>)
      "tpu.region"() ({
        %run_scoped3A = tpu.sem_alloc : memref<!tpu.dma_semaphore, #tpu.memory_space<semaphore_mem>>
        %dma_start3A_84 = arith.constant 0 : i32
        %dma_start3A_85 = arith.constant 0 : i32
        %dma_start3A_86 = tpu.memref_slice %arg12[%dma_start3A_84, %dma_start3A_85] : memref<10240x128xf32, #tpu.memory_space<vmem_shared>> -> memref<10240x128xf32, #tpu.memory_space<vmem_shared>>
        tpu.enqueue_indirect_dma source(%arg11 : memref<128x128xf32, #tpu.memory_space<vmem>>) target(%dma_start3A_86 : memref<10240x128xf32, #tpu.memory_space<vmem_shared>>) offsets(%arg9 : memref<128xi32, #tpu.memory_space<vmem>>) semaphore(%run_scoped3A : memref<!tpu.dma_semaphore, #tpu.memory_space<semaphore_mem>>) {add = true}
        %dma_wait3A_87 = arith.constant 0 : i32
        %dma_wait3A_88 = arith.constant 0 : i32
        %dma_wait3A_89 = tpu.memref_slice %arg12[%dma_wait3A_87, %dma_wait3A_88] : memref<10240x128xf32, #tpu.memory_space<vmem_shared>> -> memref<10240x128xf32, #tpu.memory_space<vmem_shared>>
        tpu.wait_indirect_dma semaphore(%run_scoped3A : memref<!tpu.dma_semaphore, #tpu.memory_space<semaphore_mem>>) src(%arg11 : memref<128x128xf32, #tpu.memory_space<vmem>>) dst(%dma_wait3A_89 : memref<10240x128xf32, #tpu.memory_space<vmem_shared>>)
        tpu.yield
      }) : () -> ()
      %add3A_73 = arith.constant 3 : i32
      %add3A_74 = arith.addi %mul3A_56, %add3A_73 : i32
      %rem3A_75 = arith.constant 80 : i32
      %rem3A_76 = arith.remsi %add3A_74, %rem3A_75 : i32
      %mul3A_77 = arith.constant 128 : i32
      %mul3A_78 = arith.muli %rem3A_76, %mul3A_77 : i32
      %add3A_79 = arith.addi %multiple_of3A, %mul3A_78 : i32
      %multiple_of3A_80 = tpu.assume_multiple %add3A_79, 8 : i32
      "tpu.region"() ({
        %run_scoped3A = tpu.sem_alloc : memref<!tpu.dma_semaphore, #tpu.memory_space<semaphore_mem>>
        %dma_start3A_84 = tpu.memref_slice %arg3[%multiple_of3A_80] : memref<327680xi32, #tpu.memory_space<hbm>> -> memref<128xi32, #tpu.memory_space<hbm>>
        %dma_start3A_85 = tpu.memref_slice %arg3[%multiple_of3A_80] : memref<327680xi32, #tpu.memory_space<hbm>> -> memref<128xi32, #tpu.memory_space<hbm>>
        tpu.enqueue_dma source(%dma_start3A_85 : memref<128xi32, #tpu.memory_space<hbm>>) target(%arg8 : memref<128xi32, #tpu.memory_space<vmem>>) target_semaphore(%run_scoped3A : memref<!tpu.dma_semaphore, #tpu.memory_space<semaphore_mem>>)
        %dma_wait3A_86 = tpu.memref_slice %arg3[%multiple_of3A_80] : memref<327680xi32, #tpu.memory_space<hbm>> -> memref<128xi32, #tpu.memory_space<hbm>>
        %dma_wait3A_87 = tpu.memref_slice %arg3[%multiple_of3A_80] : memref<327680xi32, #tpu.memory_space<hbm>> -> memref<128xi32, #tpu.memory_space<hbm>>
        tpu.wait_dma2 semaphore(%run_scoped3A : memref<!tpu.dma_semaphore, #tpu.memory_space<semaphore_mem>>) src(%dma_wait3A_87 : memref<128xi32, #tpu.memory_space<hbm>>) dst(%arg8 : memref<128xi32, #tpu.memory_space<vmem>>)
        tpu.yield
      }) : () -> ()
      "tpu.region"() ({
        %run_scoped3A = tpu.sem_alloc : memref<!tpu.dma_semaphore, #tpu.memory_space<semaphore_mem>>
        %dma_start3A_84 = tpu.memref_slice %arg4[%multiple_of3A_80] : memref<327680xi32, #tpu.memory_space<hbm>> -> memref<128xi32, #tpu.memory_space<hbm>>
        %dma_start3A_85 = tpu.memref_slice %arg4[%multiple_of3A_80] : memref<327680xi32, #tpu.memory_space<hbm>> -> memref<128xi32, #tpu.memory_space<hbm>>
        tpu.enqueue_dma source(%dma_start3A_85 : memref<128xi32, #tpu.memory_space<hbm>>) target(%arg9 : memref<128xi32, #tpu.memory_space<vmem>>) target_semaphore(%run_scoped3A : memref<!tpu.dma_semaphore, #tpu.memory_space<semaphore_mem>>)
        %dma_wait3A_86 = tpu.memref_slice %arg4[%multiple_of3A_80] : memref<327680xi32, #tpu.memory_space<hbm>> -> memref<128xi32, #tpu.memory_space<hbm>>
        %dma_wait3A_87 = tpu.memref_slice %arg4[%multiple_of3A_80] : memref<327680xi32, #tpu.memory_space<hbm>> -> memref<128xi32, #tpu.memory_space<hbm>>
        tpu.wait_dma2 semaphore(%run_scoped3A : memref<!tpu.dma_semaphore, #tpu.memory_space<semaphore_mem>>) src(%dma_wait3A_87 : memref<128xi32, #tpu.memory_space<hbm>>) dst(%arg9 : memref<128xi32, #tpu.memory_space<vmem>>)
        tpu.yield
      }) : () -> ()
      %dma_start3A_81 = arith.constant 0 : i32
      %dma_start3A_82 = arith.constant 0 : i32
      %dma_start3A_83 = tpu.memref_slice %arg2[%dma_start3A_81, %dma_start3A_82] : memref<10240x128xf32, #tpu.memory_space<hbm>> -> memref<10240x128xf32, #tpu.memory_space<hbm>>
      tpu.enqueue_indirect_dma source(%dma_start3A_83 : memref<10240x128xf32, #tpu.memory_space<hbm>>) target(%arg11 : memref<128x128xf32, #tpu.memory_space<vmem>>) offsets(%arg8 : memref<128xi32, #tpu.memory_space<vmem>>) semaphore(%arg14 : memref<!tpu.dma_semaphore, #tpu.memory_space<semaphore_mem>>)
    }
    %scan3A_44 = arith.constant 40 : i32
    %dma_wait3A = arith.constant 0 : i32
    %dma_wait3A_45 = arith.constant 0 : i32
    %dma_wait3A_46 = tpu.memref_slice %arg2[%dma_wait3A, %dma_wait3A_45] : memref<10240x128xf32, #tpu.memory_space<hbm>> -> memref<10240x128xf32, #tpu.memory_space<hbm>>
    tpu.wait_indirect_dma semaphore(%arg13 : memref<!tpu.dma_semaphore, #tpu.memory_space<semaphore_mem>>) src(%dma_wait3A_46 : memref<10240x128xf32, #tpu.memory_space<hbm>>) dst(%arg10 : memref<128x128xf32, #tpu.memory_space<vmem>>)
    %dma_wait3A_47 = arith.constant 0 : i32
    %dma_wait3A_48 = arith.constant 0 : i32
    %dma_wait3A_49 = tpu.memref_slice %arg2[%dma_wait3A_47, %dma_wait3A_48] : memref<10240x128xf32, #tpu.memory_space<hbm>> -> memref<10240x128xf32, #tpu.memory_space<hbm>>
    tpu.wait_indirect_dma semaphore(%arg14 : memref<!tpu.dma_semaphore, #tpu.memory_space<semaphore_mem>>) src(%dma_wait3A_49 : memref<10240x128xf32, #tpu.memory_space<hbm>>) dst(%arg11 : memref<128x128xf32, #tpu.memory_space<vmem>>)
    %barrier3A_50 = arith.constant 0 : index
    tpu.barrier barrier_id(%barrier3A_50)
    %mul3A_51 = arith.constant 640 : i32
    %mul3A_52 = arith.muli %arg1, %mul3A_51 : i32
    %multiple_of3A_53 = tpu.assume_multiple %mul3A_52, 8 : i32
    "tpu.region"() ({
      %run_scoped3A = tpu.sem_alloc : memref<!tpu.dma_semaphore, #tpu.memory_space<semaphore_mem>>
      %dma_start3A_54 = arith.constant 0 : i32
      %dma_start3A_55 = arith.constant 0 : i32
      %dma_start3A_56 = tpu.memref_slice %arg5[%arg0, %dma_start3A_54, %dma_start3A_55] : memref<2x10240x128xf32, #tpu.memory_space<hbm>> -> memref<1x10240x128xf32, #tpu.memory_space<hbm>>
      %dma_start3A_57 = tpu.memref_squeeze %dma_start3A_56 : memref<1x10240x128xf32, #tpu.memory_space<hbm>> -> memref<10240x128xf32, #tpu.memory_space<hbm>>
      %dma_start3A_58 = arith.constant 0 : i32
      %dma_start3A_59 = tpu.memref_slice %dma_start3A_57[%multiple_of3A_53, %dma_start3A_58] : memref<10240x128xf32, #tpu.memory_space<hbm>> -> memref<640x128xf32, #tpu.memory_space<hbm>>
      %dma_start3A_60 = arith.constant 0 : i32
      %dma_start3A_61 = tpu.memref_slice %arg12[%multiple_of3A_53, %dma_start3A_60] : memref<10240x128xf32, #tpu.memory_space<vmem_shared>> -> memref<640x128xf32, #tpu.memory_space<vmem_shared>>
      tpu.enqueue_dma source(%dma_start3A_61 : memref<640x128xf32, #tpu.memory_space<vmem_shared>>) target(%dma_start3A_59 : memref<640x128xf32, #tpu.memory_space<hbm>>) target_semaphore(%run_scoped3A : memref<!tpu.dma_semaphore, #tpu.memory_space<semaphore_mem>>)
      %dma_wait3A_62 = arith.constant 0 : i32
      %dma_wait3A_63 = arith.constant 0 : i32
      %dma_wait3A_64 = tpu.memref_slice %arg5[%arg0, %dma_wait3A_62, %dma_wait3A_63] : memref<2x10240x128xf32, #tpu.memory_space<hbm>> -> memref<1x10240x128xf32, #tpu.memory_space<hbm>>
      %dma_wait3A_65 = tpu.memref_squeeze %dma_wait3A_64 : memref<1x10240x128xf32, #tpu.memory_space<hbm>> -> memref<10240x128xf32, #tpu.memory_space<hbm>>
      %dma_wait3A_66 = arith.constant 0 : i32
      %dma_wait3A_67 = tpu.memref_slice %dma_wait3A_65[%multiple_of3A_53, %dma_wait3A_66] : memref<10240x128xf32, #tpu.memory_space<hbm>> -> memref<640x128xf32, #tpu.memory_space<hbm>>
      %dma_wait3A_68 = arith.constant 0 : i32
      %dma_wait3A_69 = tpu.memref_slice %arg12[%multiple_of3A_53, %dma_wait3A_68] : memref<10240x128xf32, #tpu.memory_space<vmem_shared>> -> memref<640x128xf32, #tpu.memory_space<vmem_shared>>
      tpu.wait_dma2 semaphore(%run_scoped3A : memref<!tpu.dma_semaphore, #tpu.memory_space<semaphore_mem>>) src(%dma_wait3A_69 : memref<640x128xf32, #tpu.memory_space<vmem_shared>>) dst(%dma_wait3A_67 : memref<640x128xf32, #tpu.memory_space<hbm>>)
      tpu.yield
    }) : () -> ()
    return
  }
}

#map = affine_map<(d0, d1) -> (0, 0)>
#map1 = affine_map<(d0, d1) -> (0)>
#map2 = affine_map<(d0, d1) -> (0, 0, 0)>
module attributes {stable_mosaic.version = 14 : i64} {
  func.func @_sc_agg_body(%arg0: i32, %arg1: i32, %arg2: memref<10240x128xf32, #tpu.memory_space<hbm>>, %arg3: memref<327680xi32, #tpu.memory_space<hbm>>, %arg4: memref<327680xi32, #tpu.memory_space<hbm>>, %arg5: memref<2x10240x128xf32, #tpu.memory_space<hbm>>, %arg6: memref<128xi32, #tpu.memory_space<vmem>>, %arg7: memref<128xi32, #tpu.memory_space<vmem>>, %arg8: memref<128xi32, #tpu.memory_space<vmem>>, %arg9: memref<128xi32, #tpu.memory_space<vmem>>, %arg10: memref<128x128xf32, #tpu.memory_space<vmem>>, %arg11: memref<128x128xf32, #tpu.memory_space<vmem>>, %arg12: memref<10240x128xf32, #tpu.memory_space<vmem_shared>>, %arg13: memref<!tpu.dma_semaphore, #tpu.memory_space<semaphore_mem>>, %arg14: memref<!tpu.dma_semaphore, #tpu.memory_space<semaphore_mem>>) attributes {dimension_semantics = [#tpu.dimension_semantics<core_parallel>, #tpu.dimension_semantics<subcore_parallel>], iteration_bounds = array<i64: 2, 16>, scalar_prefetch = 0 : i64, scratch_operands = 9 : i64, tpu.core_type = #tpu.core_type<sc_vector_subcore>, window_params = [{transform_indices = #map}, {transform_indices = #map1}, {transform_indices = #map1}, {transform_indices = #map2}]} {
    %mul3A = arith.constant 2 : i32
    %mul3A_0 = arith.muli %arg1, %mul3A : i32
    %add3A = arith.addi %mul3A_0, %arg0 : i32
    %mul3A_1 = arith.constant 10240 : i32
    %mul3A_2 = arith.muli %add3A, %mul3A_1 : i32
    %multiple_of3A = tpu.assume_multiple %mul3A_2, 8 : i32
    %add3A_3 = arith.constant 0 : i32
    %add3A_4 = arith.addi %multiple_of3A, %add3A_3 : i32
    %multiple_of3A_5 = tpu.assume_multiple %add3A_4, 8 : i32
    "tpu.region"() ({
      %run_scoped3A = tpu.sem_alloc : memref<!tpu.dma_semaphore, #tpu.memory_space<semaphore_mem>>
      %dma_start3A_54 = tpu.memref_slice %arg3[%multiple_of3A_5] : memref<327680xi32, #tpu.memory_space<hbm>> -> memref<128xi32, #tpu.memory_space<hbm>>
      %dma_start3A_55 = tpu.memref_slice %arg3[%multiple_of3A_5] : memref<327680xi32, #tpu.memory_space<hbm>> -> memref<128xi32, #tpu.memory_space<hbm>>
      tpu.enqueue_dma source(%dma_start3A_55 : memref<128xi32, #tpu.memory_space<hbm>>) target(%arg6 : memref<128xi32, #tpu.memory_space<vmem>>) target_semaphore(%run_scoped3A : memref<!tpu.dma_semaphore, #tpu.memory_space<semaphore_mem>>)
      %dma_wait3A_56 = tpu.memref_slice %arg3[%multiple_of3A_5] : memref<327680xi32, #tpu.memory_space<hbm>> -> memref<128xi32, #tpu.memory_space<hbm>>
      %dma_wait3A_57 = tpu.memref_slice %arg3[%multiple_of3A_5] : memref<327680xi32, #tpu.memory_space<hbm>> -> memref<128xi32, #tpu.memory_space<hbm>>
      tpu.wait_dma2 semaphore(%run_scoped3A : memref<!tpu.dma_semaphore, #tpu.memory_space<semaphore_mem>>) src(%dma_wait3A_57 : memref<128xi32, #tpu.memory_space<hbm>>) dst(%arg6 : memref<128xi32, #tpu.memory_space<vmem>>)
      tpu.yield
    }) : () -> ()
    "tpu.region"() ({
      %run_scoped3A = tpu.sem_alloc : memref<!tpu.dma_semaphore, #tpu.memory_space<semaphore_mem>>
      %dma_start3A_54 = tpu.memref_slice %arg4[%multiple_of3A_5] : memref<327680xi32, #tpu.memory_space<hbm>> -> memref<128xi32, #tpu.memory_space<hbm>>
      %dma_start3A_55 = tpu.memref_slice %arg4[%multiple_of3A_5] : memref<327680xi32, #tpu.memory_space<hbm>> -> memref<128xi32, #tpu.memory_space<hbm>>
      tpu.enqueue_dma source(%dma_start3A_55 : memref<128xi32, #tpu.memory_space<hbm>>) target(%arg7 : memref<128xi32, #tpu.memory_space<vmem>>) target_semaphore(%run_scoped3A : memref<!tpu.dma_semaphore, #tpu.memory_space<semaphore_mem>>)
      %dma_wait3A_56 = tpu.memref_slice %arg4[%multiple_of3A_5] : memref<327680xi32, #tpu.memory_space<hbm>> -> memref<128xi32, #tpu.memory_space<hbm>>
      %dma_wait3A_57 = tpu.memref_slice %arg4[%multiple_of3A_5] : memref<327680xi32, #tpu.memory_space<hbm>> -> memref<128xi32, #tpu.memory_space<hbm>>
      tpu.wait_dma2 semaphore(%run_scoped3A : memref<!tpu.dma_semaphore, #tpu.memory_space<semaphore_mem>>) src(%dma_wait3A_57 : memref<128xi32, #tpu.memory_space<hbm>>) dst(%arg7 : memref<128xi32, #tpu.memory_space<vmem>>)
      tpu.yield
    }) : () -> ()
    %dma_start3A = arith.constant 0 : i32
    %dma_start3A_6 = arith.constant 0 : i32
    %dma_start3A_7 = tpu.memref_slice %arg2[%dma_start3A, %dma_start3A_6] : memref<10240x128xf32, #tpu.memory_space<hbm>> -> memref<10240x128xf32, #tpu.memory_space<hbm>>
    tpu.enqueue_indirect_dma source(%dma_start3A_7 : memref<10240x128xf32, #tpu.memory_space<hbm>>) target(%arg10 : memref<128x128xf32, #tpu.memory_space<vmem>>) offsets(%arg6 : memref<128xi32, #tpu.memory_space<vmem>>) semaphore(%arg13 : memref<!tpu.dma_semaphore, #tpu.memory_space<semaphore_mem>>)
    %add3A_8 = arith.constant 128 : i32
    %add3A_9 = arith.addi %multiple_of3A, %add3A_8 : i32
    %multiple_of3A_10 = tpu.assume_multiple %add3A_9, 8 : i32
    "tpu.region"() ({
      %run_scoped3A = tpu.sem_alloc : memref<!tpu.dma_semaphore, #tpu.memory_space<semaphore_mem>>
      %dma_start3A_54 = tpu.memref_slice %arg3[%multiple_of3A_10] : memref<327680xi32, #tpu.memory_space<hbm>> -> memref<128xi32, #tpu.memory_space<hbm>>
      %dma_start3A_55 = tpu.memref_slice %arg3[%multiple_of3A_10] : memref<327680xi32, #tpu.memory_space<hbm>> -> memref<128xi32, #tpu.memory_space<hbm>>
      tpu.enqueue_dma source(%dma_start3A_55 : memref<128xi32, #tpu.memory_space<hbm>>) target(%arg8 : memref<128xi32, #tpu.memory_space<vmem>>) target_semaphore(%run_scoped3A : memref<!tpu.dma_semaphore, #tpu.memory_space<semaphore_mem>>)
      %dma_wait3A_56 = tpu.memref_slice %arg3[%multiple_of3A_10] : memref<327680xi32, #tpu.memory_space<hbm>> -> memref<128xi32, #tpu.memory_space<hbm>>
      %dma_wait3A_57 = tpu.memref_slice %arg3[%multiple_of3A_10] : memref<327680xi32, #tpu.memory_space<hbm>> -> memref<128xi32, #tpu.memory_space<hbm>>
      tpu.wait_dma2 semaphore(%run_scoped3A : memref<!tpu.dma_semaphore, #tpu.memory_space<semaphore_mem>>) src(%dma_wait3A_57 : memref<128xi32, #tpu.memory_space<hbm>>) dst(%arg8 : memref<128xi32, #tpu.memory_space<vmem>>)
      tpu.yield
    }) : () -> ()
    "tpu.region"() ({
      %run_scoped3A = tpu.sem_alloc : memref<!tpu.dma_semaphore, #tpu.memory_space<semaphore_mem>>
      %dma_start3A_54 = tpu.memref_slice %arg4[%multiple_of3A_10] : memref<327680xi32, #tpu.memory_space<hbm>> -> memref<128xi32, #tpu.memory_space<hbm>>
      %dma_start3A_55 = tpu.memref_slice %arg4[%multiple_of3A_10] : memref<327680xi32, #tpu.memory_space<hbm>> -> memref<128xi32, #tpu.memory_space<hbm>>
      tpu.enqueue_dma source(%dma_start3A_55 : memref<128xi32, #tpu.memory_space<hbm>>) target(%arg9 : memref<128xi32, #tpu.memory_space<vmem>>) target_semaphore(%run_scoped3A : memref<!tpu.dma_semaphore, #tpu.memory_space<semaphore_mem>>)
      %dma_wait3A_56 = tpu.memref_slice %arg4[%multiple_of3A_10] : memref<327680xi32, #tpu.memory_space<hbm>> -> memref<128xi32, #tpu.memory_space<hbm>>
      %dma_wait3A_57 = tpu.memref_slice %arg4[%multiple_of3A_10] : memref<327680xi32, #tpu.memory_space<hbm>> -> memref<128xi32, #tpu.memory_space<hbm>>
      tpu.wait_dma2 semaphore(%run_scoped3A : memref<!tpu.dma_semaphore, #tpu.memory_space<semaphore_mem>>) src(%dma_wait3A_57 : memref<128xi32, #tpu.memory_space<hbm>>) dst(%arg9 : memref<128xi32, #tpu.memory_space<vmem>>)
      tpu.yield
    }) : () -> ()
    %scan3A = arith.constant 0 : i32
    %scan3A_11 = arith.constant 0 : i32
    %scan3A_12 = arith.constant 128 : i32
    %scan3A_13 = arith.addi %scan3A_11, %scan3A_12 : i32
    %scan3A_14 = arith.constant 1 : i32
    scf.for %scan3A_54 = %scan3A_11 to %scan3A_13 step %scan3A_14  : i32 {
      %broadcast_in_dim3A = arith.constant 0.000000e+00 : f32
      %broadcast_in_dim3A_55 = vector.broadcast %broadcast_in_dim3A : f32 to vector<16xf32>
      %swap3A = arith.index_cast %scan3A_54 : i32 to index
      %swap3A_56 = arith.constant 0 : index
      %swap3A_57 = tpu.vector_load %arg11[%swap3A, %swap3A_56] {strides = array<i32>} : memref<128x128xf32, #tpu.memory_space<vmem>>, vector<1x16xf32>,
      %swap3A_58 = vector.shape_cast %swap3A_57 : vector<1x16xf32> to vector<16xf32>
      %swap3A_59 = vector.shape_cast %broadcast_in_dim3A_55 : vector<16xf32> to vector<1x16xf32>
      tpu.vector_store %arg11[%swap3A, %swap3A_56], %swap3A_59 {strides = array<i32>} : memref<128x128xf32, #tpu.memory_space<vmem>>, vector<1x16xf32>,
      %broadcast_in_dim3A_60 = arith.constant 0.000000e+00 : f32
      %broadcast_in_dim3A_61 = vector.broadcast %broadcast_in_dim3A_60 : f32 to vector<16xf32>
      %swap3A_62 = arith.index_cast %scan3A_54 : i32 to index
      %swap3A_63 = arith.constant 16 : index
      %swap3A_64 = tpu.vector_load %arg11[%swap3A_62, %swap3A_63] {strides = array<i32>} : memref<128x128xf32, #tpu.memory_space<vmem>>, vector<1x16xf32>,
      %swap3A_65 = vector.shape_cast %swap3A_64 : vector<1x16xf32> to vector<16xf32>
      %swap3A_66 = vector.shape_cast %broadcast_in_dim3A_61 : vector<16xf32> to vector<1x16xf32>
      tpu.vector_store %arg11[%swap3A_62, %swap3A_63], %swap3A_66 {strides = array<i32>} : memref<128x128xf32, #tpu.memory_space<vmem>>, vector<1x16xf32>,
      %broadcast_in_dim3A_67 = arith.constant 0.000000e+00 : f32
      %broadcast_in_dim3A_68 = vector.broadcast %broadcast_in_dim3A_67 : f32 to vector<16xf32>
      %swap3A_69 = arith.index_cast %scan3A_54 : i32 to index
      %swap3A_70 = arith.constant 32 : index
      %swap3A_71 = tpu.vector_load %arg11[%swap3A_69, %swap3A_70] {strides = array<i32>} : memref<128x128xf32, #tpu.memory_space<vmem>>, vector<1x16xf32>,
      %swap3A_72 = vector.shape_cast %swap3A_71 : vector<1x16xf32> to vector<16xf32>
      %swap3A_73 = vector.shape_cast %broadcast_in_dim3A_68 : vector<16xf32> to vector<1x16xf32>
      tpu.vector_store %arg11[%swap3A_69, %swap3A_70], %swap3A_73 {strides = array<i32>} : memref<128x128xf32, #tpu.memory_space<vmem>>, vector<1x16xf32>,
      %broadcast_in_dim3A_74 = arith.constant 0.000000e+00 : f32
      %broadcast_in_dim3A_75 = vector.broadcast %broadcast_in_dim3A_74 : f32 to vector<16xf32>
      %swap3A_76 = arith.index_cast %scan3A_54 : i32 to index
      %swap3A_77 = arith.constant 48 : index
      %swap3A_78 = tpu.vector_load %arg11[%swap3A_76, %swap3A_77] {strides = array<i32>} : memref<128x128xf32, #tpu.memory_space<vmem>>, vector<1x16xf32>,
      %swap3A_79 = vector.shape_cast %swap3A_78 : vector<1x16xf32> to vector<16xf32>
      %swap3A_80 = vector.shape_cast %broadcast_in_dim3A_75 : vector<16xf32> to vector<1x16xf32>
      tpu.vector_store %arg11[%swap3A_76, %swap3A_77], %swap3A_80 {strides = array<i32>} : memref<128x128xf32, #tpu.memory_space<vmem>>, vector<1x16xf32>,
      %broadcast_in_dim3A_81 = arith.constant 0.000000e+00 : f32
      %broadcast_in_dim3A_82 = vector.broadcast %broadcast_in_dim3A_81 : f32 to vector<16xf32>
      %swap3A_83 = arith.index_cast %scan3A_54 : i32 to index
      %swap3A_84 = arith.constant 64 : index
      %swap3A_85 = tpu.vector_load %arg11[%swap3A_83, %swap3A_84] {strides = array<i32>} : memref<128x128xf32, #tpu.memory_space<vmem>>, vector<1x16xf32>,
      %swap3A_86 = vector.shape_cast %swap3A_85 : vector<1x16xf32> to vector<16xf32>
      %swap3A_87 = vector.shape_cast %broadcast_in_dim3A_82 : vector<16xf32> to vector<1x16xf32>
      tpu.vector_store %arg11[%swap3A_83, %swap3A_84], %swap3A_87 {strides = array<i32>} : memref<128x128xf32, #tpu.memory_space<vmem>>, vector<1x16xf32>,
      %broadcast_in_dim3A_88 = arith.constant 0.000000e+00 : f32
      %broadcast_in_dim3A_89 = vector.broadcast %broadcast_in_dim3A_88 : f32 to vector<16xf32>
      %swap3A_90 = arith.index_cast %scan3A_54 : i32 to index
      %swap3A_91 = arith.constant 80 : index
      %swap3A_92 = tpu.vector_load %arg11[%swap3A_90, %swap3A_91] {strides = array<i32>} : memref<128x128xf32, #tpu.memory_space<vmem>>, vector<1x16xf32>,
      %swap3A_93 = vector.shape_cast %swap3A_92 : vector<1x16xf32> to vector<16xf32>
      %swap3A_94 = vector.shape_cast %broadcast_in_dim3A_89 : vector<16xf32> to vector<1x16xf32>
      tpu.vector_store %arg11[%swap3A_90, %swap3A_91], %swap3A_94 {strides = array<i32>} : memref<128x128xf32, #tpu.memory_space<vmem>>, vector<1x16xf32>,
      %broadcast_in_dim3A_95 = arith.constant 0.000000e+00 : f32
      %broadcast_in_dim3A_96 = vector.broadcast %broadcast_in_dim3A_95 : f32 to vector<16xf32>
      %swap3A_97 = arith.index_cast %scan3A_54 : i32 to index
      %swap3A_98 = arith.constant 96 : index
      %swap3A_99 = tpu.vector_load %arg11[%swap3A_97, %swap3A_98] {strides = array<i32>} : memref<128x128xf32, #tpu.memory_space<vmem>>, vector<1x16xf32>,
      %swap3A_100 = vector.shape_cast %swap3A_99 : vector<1x16xf32> to vector<16xf32>
      %swap3A_101 = vector.shape_cast %broadcast_in_dim3A_96 : vector<16xf32> to vector<1x16xf32>
      tpu.vector_store %arg11[%swap3A_97, %swap3A_98], %swap3A_101 {strides = array<i32>} : memref<128x128xf32, #tpu.memory_space<vmem>>, vector<1x16xf32>,
      %broadcast_in_dim3A_102 = arith.constant 0.000000e+00 : f32
      %broadcast_in_dim3A_103 = vector.broadcast %broadcast_in_dim3A_102 : f32 to vector<16xf32>
      %swap3A_104 = arith.index_cast %scan3A_54 : i32 to index
      %swap3A_105 = arith.constant 112 : index
      %swap3A_106 = tpu.vector_load %arg11[%swap3A_104, %swap3A_105] {strides = array<i32>} : memref<128x128xf32, #tpu.memory_space<vmem>>, vector<1x16xf32>,
      %swap3A_107 = vector.shape_cast %swap3A_106 : vector<1x16xf32> to vector<16xf32>
      %swap3A_108 = vector.shape_cast %broadcast_in_dim3A_103 : vector<16xf32> to vector<1x16xf32>
      tpu.vector_store %arg11[%swap3A_104, %swap3A_105], %swap3A_108 {strides = array<i32>} : memref<128x128xf32, #tpu.memory_space<vmem>>, vector<1x16xf32>,
    }
    %scan3A_15 = arith.constant 128 : i32
    %mul3A_16 = arith.constant 640 : i32
    %mul3A_17 = arith.muli %arg1, %mul3A_16 : i32
    %add3A_18 = arith.constant 0 : i32
    %add3A_19 = arith.addi %mul3A_17, %add3A_18 : i32
    "tpu.region"() ({
      %run_scoped3A = tpu.sem_alloc : memref<!tpu.dma_semaphore, #tpu.memory_space<semaphore_mem>>
      %dma_start3A_54 = arith.constant 0 : i32
      %dma_start3A_55 = tpu.memref_slice %arg12[%add3A_19, %dma_start3A_54] : memref<10240x128xf32, #tpu.memory_space<vmem_shared>> -> memref<128x128xf32, #tpu.memory_space<vmem_shared>>
      %dma_start3A_56 = arith.constant 0 : i32
      %dma_start3A_57 = tpu.memref_slice %arg12[%add3A_19, %dma_start3A_56] : memref<10240x128xf32, #tpu.memory_space<vmem_shared>> -> memref<128x128xf32, #tpu.memory_space<vmem_shared>>
      tpu.enqueue_dma source(%arg11 : memref<128x128xf32, #tpu.memory_space<vmem>>) target(%dma_start3A_57 : memref<128x128xf32, #tpu.memory_space<vmem_shared>>) target_semaphore(%run_scoped3A : memref<!tpu.dma_semaphore, #tpu.memory_space<semaphore_mem>>)
      %dma_wait3A_58 = arith.constant 0 : i32
      %dma_wait3A_59 = tpu.memref_slice %arg12[%add3A_19, %dma_wait3A_58] : memref<10240x128xf32, #tpu.memory_space<vmem_shared>> -> memref<128x128xf32, #tpu.memory_space<vmem_shared>>
      %dma_wait3A_60 = arith.constant 0 : i32
      %dma_wait3A_61 = tpu.memref_slice %arg12[%add3A_19, %dma_wait3A_60] : memref<10240x128xf32, #tpu.memory_space<vmem_shared>> -> memref<128x128xf32, #tpu.memory_space<vmem_shared>>
      tpu.wait_dma2 semaphore(%run_scoped3A : memref<!tpu.dma_semaphore, #tpu.memory_space<semaphore_mem>>) src(%arg11 : memref<128x128xf32, #tpu.memory_space<vmem>>) dst(%dma_wait3A_61 : memref<128x128xf32, #tpu.memory_space<vmem_shared>>)
      tpu.yield
    }) : () -> ()
    %mul3A_20 = arith.constant 640 : i32
    %mul3A_21 = arith.muli %arg1, %mul3A_20 : i32
    %add3A_22 = arith.constant 128 : i32
    %add3A_23 = arith.addi %mul3A_21, %add3A_22 : i32
    "tpu.region"() ({
      %run_scoped3A = tpu.sem_alloc : memref<!tpu.dma_semaphore, #tpu.memory_space<semaphore_mem>>
      %dma_start3A_54 = arith.constant 0 : i32
      %dma_start3A_55 = tpu.memref_slice %arg12[%add3A_23, %dma_start3A_54] : memref<10240x128xf32, #tpu.memory_space<vmem_shared>> -> memref<128x128xf32, #tpu.memory_space<vmem_shared>>
      %dma_start3A_56 = arith.constant 0 : i32
      %dma_start3A_57 = tpu.memref_slice %arg12[%add3A_23, %dma_start3A_56] : memref<10240x128xf32, #tpu.memory_space<vmem_shared>> -> memref<128x128xf32, #tpu.memory_space<vmem_shared>>
      tpu.enqueue_dma source(%arg11 : memref<128x128xf32, #tpu.memory_space<vmem>>) target(%dma_start3A_57 : memref<128x128xf32, #tpu.memory_space<vmem_shared>>) target_semaphore(%run_scoped3A : memref<!tpu.dma_semaphore, #tpu.memory_space<semaphore_mem>>)
      %dma_wait3A_58 = arith.constant 0 : i32
      %dma_wait3A_59 = tpu.memref_slice %arg12[%add3A_23, %dma_wait3A_58] : memref<10240x128xf32, #tpu.memory_space<vmem_shared>> -> memref<128x128xf32, #tpu.memory_space<vmem_shared>>
      %dma_wait3A_60 = arith.constant 0 : i32
      %dma_wait3A_61 = tpu.memref_slice %arg12[%add3A_23, %dma_wait3A_60] : memref<10240x128xf32, #tpu.memory_space<vmem_shared>> -> memref<128x128xf32, #tpu.memory_space<vmem_shared>>
      tpu.wait_dma2 semaphore(%run_scoped3A : memref<!tpu.dma_semaphore, #tpu.memory_space<semaphore_mem>>) src(%arg11 : memref<128x128xf32, #tpu.memory_space<vmem>>) dst(%dma_wait3A_61 : memref<128x128xf32, #tpu.memory_space<vmem_shared>>)
      tpu.yield
    }) : () -> ()
    %mul3A_24 = arith.constant 640 : i32
    %mul3A_25 = arith.muli %arg1, %mul3A_24 : i32
    %add3A_26 = arith.constant 256 : i32
    %add3A_27 = arith.addi %mul3A_25, %add3A_26 : i32
    "tpu.region"() ({
      %run_scoped3A = tpu.sem_alloc : memref<!tpu.dma_semaphore, #tpu.memory_space<semaphore_mem>>
      %dma_start3A_54 = arith.constant 0 : i32
      %dma_start3A_55 = tpu.memref_slice %arg12[%add3A_27, %dma_start3A_54] : memref<10240x128xf32, #tpu.memory_space<vmem_shared>> -> memref<128x128xf32, #tpu.memory_space<vmem_shared>>
      %dma_start3A_56 = arith.constant 0 : i32
      %dma_start3A_57 = tpu.memref_slice %arg12[%add3A_27, %dma_start3A_56] : memref<10240x128xf32, #tpu.memory_space<vmem_shared>> -> memref<128x128xf32, #tpu.memory_space<vmem_shared>>
      tpu.enqueue_dma source(%arg11 : memref<128x128xf32, #tpu.memory_space<vmem>>) target(%dma_start3A_57 : memref<128x128xf32, #tpu.memory_space<vmem_shared>>) target_semaphore(%run_scoped3A : memref<!tpu.dma_semaphore, #tpu.memory_space<semaphore_mem>>)
      %dma_wait3A_58 = arith.constant 0 : i32
      %dma_wait3A_59 = tpu.memref_slice %arg12[%add3A_27, %dma_wait3A_58] : memref<10240x128xf32, #tpu.memory_space<vmem_shared>> -> memref<128x128xf32, #tpu.memory_space<vmem_shared>>
      %dma_wait3A_60 = arith.constant 0 : i32
      %dma_wait3A_61 = tpu.memref_slice %arg12[%add3A_27, %dma_wait3A_60] : memref<10240x128xf32, #tpu.memory_space<vmem_shared>> -> memref<128x128xf32, #tpu.memory_space<vmem_shared>>
      tpu.wait_dma2 semaphore(%run_scoped3A : memref<!tpu.dma_semaphore, #tpu.memory_space<semaphore_mem>>) src(%arg11 : memref<128x128xf32, #tpu.memory_space<vmem>>) dst(%dma_wait3A_61 : memref<128x128xf32, #tpu.memory_space<vmem_shared>>)
      tpu.yield
    }) : () -> ()
    %mul3A_28 = arith.constant 640 : i32
    %mul3A_29 = arith.muli %arg1, %mul3A_28 : i32
    %add3A_30 = arith.constant 384 : i32
    %add3A_31 = arith.addi %mul3A_29, %add3A_30 : i32
    "tpu.region"() ({
      %run_scoped3A = tpu.sem_alloc : memref<!tpu.dma_semaphore, #tpu.memory_space<semaphore_mem>>
      %dma_start3A_54 = arith.constant 0 : i32
      %dma_start3A_55 = tpu.memref_slice %arg12[%add3A_31, %dma_start3A_54] : memref<10240x128xf32, #tpu.memory_space<vmem_shared>> -> memref<128x128xf32, #tpu.memory_space<vmem_shared>>
      %dma_start3A_56 = arith.constant 0 : i32
      %dma_start3A_57 = tpu.memref_slice %arg12[%add3A_31, %dma_start3A_56] : memref<10240x128xf32, #tpu.memory_space<vmem_shared>> -> memref<128x128xf32, #tpu.memory_space<vmem_shared>>
      tpu.enqueue_dma source(%arg11 : memref<128x128xf32, #tpu.memory_space<vmem>>) target(%dma_start3A_57 : memref<128x128xf32, #tpu.memory_space<vmem_shared>>) target_semaphore(%run_scoped3A : memref<!tpu.dma_semaphore, #tpu.memory_space<semaphore_mem>>)
      %dma_wait3A_58 = arith.constant 0 : i32
      %dma_wait3A_59 = tpu.memref_slice %arg12[%add3A_31, %dma_wait3A_58] : memref<10240x128xf32, #tpu.memory_space<vmem_shared>> -> memref<128x128xf32, #tpu.memory_space<vmem_shared>>
      %dma_wait3A_60 = arith.constant 0 : i32
      %dma_wait3A_61 = tpu.memref_slice %arg12[%add3A_31, %dma_wait3A_60] : memref<10240x128xf32, #tpu.memory_space<vmem_shared>> -> memref<128x128xf32, #tpu.memory_space<vmem_shared>>
      tpu.wait_dma2 semaphore(%run_scoped3A : memref<!tpu.dma_semaphore, #tpu.memory_space<semaphore_mem>>) src(%arg11 : memref<128x128xf32, #tpu.memory_space<vmem>>) dst(%dma_wait3A_61 : memref<128x128xf32, #tpu.memory_space<vmem_shared>>)
      tpu.yield
    }) : () -> ()
    %mul3A_32 = arith.constant 640 : i32
    %mul3A_33 = arith.muli %arg1, %mul3A_32 : i32
    %add3A_34 = arith.constant 512 : i32
    %add3A_35 = arith.addi %mul3A_33, %add3A_34 : i32
    "tpu.region"() ({
      %run_scoped3A = tpu.sem_alloc : memref<!tpu.dma_semaphore, #tpu.memory_space<semaphore_mem>>
      %dma_start3A_54 = arith.constant 0 : i32
      %dma_start3A_55 = tpu.memref_slice %arg12[%add3A_35, %dma_start3A_54] : memref<10240x128xf32, #tpu.memory_space<vmem_shared>> -> memref<128x128xf32, #tpu.memory_space<vmem_shared>>
      %dma_start3A_56 = arith.constant 0 : i32
      %dma_start3A_57 = tpu.memref_slice %arg12[%add3A_35, %dma_start3A_56] : memref<10240x128xf32, #tpu.memory_space<vmem_shared>> -> memref<128x128xf32, #tpu.memory_space<vmem_shared>>
      tpu.enqueue_dma source(%arg11 : memref<128x128xf32, #tpu.memory_space<vmem>>) target(%dma_start3A_57 : memref<128x128xf32, #tpu.memory_space<vmem_shared>>) target_semaphore(%run_scoped3A : memref<!tpu.dma_semaphore, #tpu.memory_space<semaphore_mem>>)
      %dma_wait3A_58 = arith.constant 0 : i32
      %dma_wait3A_59 = tpu.memref_slice %arg12[%add3A_35, %dma_wait3A_58] : memref<10240x128xf32, #tpu.memory_space<vmem_shared>> -> memref<128x128xf32, #tpu.memory_space<vmem_shared>>
      %dma_wait3A_60 = arith.constant 0 : i32
      %dma_wait3A_61 = tpu.memref_slice %arg12[%add3A_35, %dma_wait3A_60] : memref<10240x128xf32, #tpu.memory_space<vmem_shared>> -> memref<128x128xf32, #tpu.memory_space<vmem_shared>>
      tpu.wait_dma2 semaphore(%run_scoped3A : memref<!tpu.dma_semaphore, #tpu.memory_space<semaphore_mem>>) src(%arg11 : memref<128x128xf32, #tpu.memory_space<vmem>>) dst(%dma_wait3A_61 : memref<128x128xf32, #tpu.memory_space<vmem_shared>>)
      tpu.yield
    }) : () -> ()
    %barrier3A = arith.constant 0 : index
    tpu.barrier barrier_id(%barrier3A)
    %dma_start3A_36 = arith.constant 0 : i32
    %dma_start3A_37 = arith.constant 0 : i32
    %dma_start3A_38 = tpu.memref_slice %arg2[%dma_start3A_36, %dma_start3A_37] : memref<10240x128xf32, #tpu.memory_space<hbm>> -> memref<10240x128xf32, #tpu.memory_space<hbm>>
    tpu.enqueue_indirect_dma source(%dma_start3A_38 : memref<10240x128xf32, #tpu.memory_space<hbm>>) target(%arg11 : memref<128x128xf32, #tpu.memory_space<vmem>>) offsets(%arg8 : memref<128xi32, #tpu.memory_space<vmem>>) semaphore(%arg14 : memref<!tpu.dma_semaphore, #tpu.memory_space<semaphore_mem>>)
    %scan3A_39 = arith.constant 0 : i32
    %scan3A_40 = arith.constant 0 : i32
    %scan3A_41 = arith.constant 40 : i32
    %scan3A_42 = arith.addi %scan3A_40, %scan3A_41 : i32
    %scan3A_43 = arith.constant 1 : i32
    scf.for %scan3A_54 = %scan3A_40 to %scan3A_42 step %scan3A_43  : i32 {
      %mul3A_55 = arith.constant 2 : i32
      %mul3A_56 = arith.muli %mul3A_55, %scan3A_54 : i32
      %dma_wait3A_57 = arith.constant 0 : i32
      %dma_wait3A_58 = arith.constant 0 : i32
      %dma_wait3A_59 = tpu.memref_slice %arg2[%dma_wait3A_57, %dma_wait3A_58] : memref<10240x128xf32, #tpu.memory_space<hbm>> -> memref<10240x128xf32, #tpu.memory_space<hbm>>
      tpu.wait_indirect_dma semaphore(%arg13 : memref<!tpu.dma_semaphore, #tpu.memory_space<semaphore_mem>>) src(%dma_wait3A_59 : memref<10240x128xf32, #tpu.memory_space<hbm>>) dst(%arg10 : memref<128x128xf32, #tpu.memory_space<vmem>>)
      "tpu.region"() ({
        %run_scoped3A = tpu.sem_alloc : memref<!tpu.dma_semaphore, #tpu.memory_space<semaphore_mem>>
        %dma_start3A_84 = arith.constant 0 : i32
        %dma_start3A_85 = arith.constant 0 : i32
        %dma_start3A_86 = tpu.memref_slice %arg12[%dma_start3A_84, %dma_start3A_85] : memref<10240x128xf32, #tpu.memory_space<vmem_shared>> -> memref<10240x128xf32, #tpu.memory_space<vmem_shared>>
        tpu.enqueue_indirect_dma source(%arg10 : memref<128x128xf32, #tpu.memory_space<vmem>>) target(%dma_start3A_86 : memref<10240x128xf32, #tpu.memory_space<vmem_shared>>) offsets(%arg7 : memref<128xi32, #tpu.memory_space<vmem>>) semaphore(%run_scoped3A : memref<!tpu.dma_semaphore, #tpu.memory_space<semaphore_mem>>) {add = true}
        %dma_wait3A_87 = arith.constant 0 : i32
        %dma_wait3A_88 = arith.constant 0 : i32
        %dma_wait3A_89 = tpu.memref_slice %arg12[%dma_wait3A_87, %dma_wait3A_88] : memref<10240x128xf32, #tpu.memory_space<vmem_shared>> -> memref<10240x128xf32, #tpu.memory_space<vmem_shared>>
        tpu.wait_indirect_dma semaphore(%run_scoped3A : memref<!tpu.dma_semaphore, #tpu.memory_space<semaphore_mem>>) src(%arg10 : memref<128x128xf32, #tpu.memory_space<vmem>>) dst(%dma_wait3A_89 : memref<10240x128xf32, #tpu.memory_space<vmem_shared>>)
        tpu.yield
      }) : () -> ()
      %add3A_60 = arith.constant 2 : i32
      %add3A_61 = arith.addi %mul3A_56, %add3A_60 : i32
      %rem3A = arith.constant 80 : i32
      %rem3A_62 = arith.remsi %add3A_61, %rem3A : i32
      %mul3A_63 = arith.constant 128 : i32
      %mul3A_64 = arith.muli %rem3A_62, %mul3A_63 : i32
      %add3A_65 = arith.addi %multiple_of3A, %mul3A_64 : i32
      %multiple_of3A_66 = tpu.assume_multiple %add3A_65, 8 : i32
      "tpu.region"() ({
        %run_scoped3A = tpu.sem_alloc : memref<!tpu.dma_semaphore, #tpu.memory_space<semaphore_mem>>
        %dma_start3A_84 = tpu.memref_slice %arg3[%multiple_of3A_66] : memref<327680xi32, #tpu.memory_space<hbm>> -> memref<128xi32, #tpu.memory_space<hbm>>
        %dma_start3A_85 = tpu.memref_slice %arg3[%multiple_of3A_66] : memref<327680xi32, #tpu.memory_space<hbm>> -> memref<128xi32, #tpu.memory_space<hbm>>
        tpu.enqueue_dma source(%dma_start3A_85 : memref<128xi32, #tpu.memory_space<hbm>>) target(%arg6 : memref<128xi32, #tpu.memory_space<vmem>>) target_semaphore(%run_scoped3A : memref<!tpu.dma_semaphore, #tpu.memory_space<semaphore_mem>>)
        %dma_wait3A_86 = tpu.memref_slice %arg3[%multiple_of3A_66] : memref<327680xi32, #tpu.memory_space<hbm>> -> memref<128xi32, #tpu.memory_space<hbm>>
        %dma_wait3A_87 = tpu.memref_slice %arg3[%multiple_of3A_66] : memref<327680xi32, #tpu.memory_space<hbm>> -> memref<128xi32, #tpu.memory_space<hbm>>
        tpu.wait_dma2 semaphore(%run_scoped3A : memref<!tpu.dma_semaphore, #tpu.memory_space<semaphore_mem>>) src(%dma_wait3A_87 : memref<128xi32, #tpu.memory_space<hbm>>) dst(%arg6 : memref<128xi32, #tpu.memory_space<vmem>>)
        tpu.yield
      }) : () -> ()
      "tpu.region"() ({
        %run_scoped3A = tpu.sem_alloc : memref<!tpu.dma_semaphore, #tpu.memory_space<semaphore_mem>>
        %dma_start3A_84 = tpu.memref_slice %arg4[%multiple_of3A_66] : memref<327680xi32, #tpu.memory_space<hbm>> -> memref<128xi32, #tpu.memory_space<hbm>>
        %dma_start3A_85 = tpu.memref_slice %arg4[%multiple_of3A_66] : memref<327680xi32, #tpu.memory_space<hbm>> -> memref<128xi32, #tpu.memory_space<hbm>>
        tpu.enqueue_dma source(%dma_start3A_85 : memref<128xi32, #tpu.memory_space<hbm>>) target(%arg7 : memref<128xi32, #tpu.memory_space<vmem>>) target_semaphore(%run_scoped3A : memref<!tpu.dma_semaphore, #tpu.memory_space<semaphore_mem>>)
        %dma_wait3A_86 = tpu.memref_slice %arg4[%multiple_of3A_66] : memref<327680xi32, #tpu.memory_space<hbm>> -> memref<128xi32, #tpu.memory_space<hbm>>
        %dma_wait3A_87 = tpu.memref_slice %arg4[%multiple_of3A_66] : memref<327680xi32, #tpu.memory_space<hbm>> -> memref<128xi32, #tpu.memory_space<hbm>>
        tpu.wait_dma2 semaphore(%run_scoped3A : memref<!tpu.dma_semaphore, #tpu.memory_space<semaphore_mem>>) src(%dma_wait3A_87 : memref<128xi32, #tpu.memory_space<hbm>>) dst(%arg7 : memref<128xi32, #tpu.memory_space<vmem>>)
        tpu.yield
      }) : () -> ()
      %dma_start3A_67 = arith.constant 0 : i32
      %dma_start3A_68 = arith.constant 0 : i32
      %dma_start3A_69 = tpu.memref_slice %arg2[%dma_start3A_67, %dma_start3A_68] : memref<10240x128xf32, #tpu.memory_space<hbm>> -> memref<10240x128xf32, #tpu.memory_space<hbm>>
      tpu.enqueue_indirect_dma source(%dma_start3A_69 : memref<10240x128xf32, #tpu.memory_space<hbm>>) target(%arg10 : memref<128x128xf32, #tpu.memory_space<vmem>>) offsets(%arg6 : memref<128xi32, #tpu.memory_space<vmem>>) semaphore(%arg13 : memref<!tpu.dma_semaphore, #tpu.memory_space<semaphore_mem>>)
      %dma_wait3A_70 = arith.constant 0 : i32
      %dma_wait3A_71 = arith.constant 0 : i32
      %dma_wait3A_72 = tpu.memref_slice %arg2[%dma_wait3A_70, %dma_wait3A_71] : memref<10240x128xf32, #tpu.memory_space<hbm>> -> memref<10240x128xf32, #tpu.memory_space<hbm>>
      tpu.wait_indirect_dma semaphore(%arg14 : memref<!tpu.dma_semaphore, #tpu.memory_space<semaphore_mem>>) src(%dma_wait3A_72 : memref<10240x128xf32, #tpu.memory_space<hbm>>) dst(%arg11 : memref<128x128xf32, #tpu.memory_space<vmem>>)
      "tpu.region"() ({
        %run_scoped3A = tpu.sem_alloc : memref<!tpu.dma_semaphore, #tpu.memory_space<semaphore_mem>>
        %dma_start3A_84 = arith.constant 0 : i32
        %dma_start3A_85 = arith.constant 0 : i32
        %dma_start3A_86 = tpu.memref_slice %arg12[%dma_start3A_84, %dma_start3A_85] : memref<10240x128xf32, #tpu.memory_space<vmem_shared>> -> memref<10240x128xf32, #tpu.memory_space<vmem_shared>>
        tpu.enqueue_indirect_dma source(%arg11 : memref<128x128xf32, #tpu.memory_space<vmem>>) target(%dma_start3A_86 : memref<10240x128xf32, #tpu.memory_space<vmem_shared>>) offsets(%arg9 : memref<128xi32, #tpu.memory_space<vmem>>) semaphore(%run_scoped3A : memref<!tpu.dma_semaphore, #tpu.memory_space<semaphore_mem>>) {add = true}
        %dma_wait3A_87 = arith.constant 0 : i32
        %dma_wait3A_88 = arith.constant 0 : i32
        %dma_wait3A_89 = tpu.memref_slice %arg12[%dma_wait3A_87, %dma_wait3A_88] : memref<10240x128xf32, #tpu.memory_space<vmem_shared>> -> memref<10240x128xf32, #tpu.memory_space<vmem_shared>>
        tpu.wait_indirect_dma semaphore(%run_scoped3A : memref<!tpu.dma_semaphore, #tpu.memory_space<semaphore_mem>>) src(%arg11 : memref<128x128xf32, #tpu.memory_space<vmem>>) dst(%dma_wait3A_89 : memref<10240x128xf32, #tpu.memory_space<vmem_shared>>)
        tpu.yield
      }) : () -> ()
      %add3A_73 = arith.constant 3 : i32
      %add3A_74 = arith.addi %mul3A_56, %add3A_73 : i32
      %rem3A_75 = arith.constant 80 : i32
      %rem3A_76 = arith.remsi %add3A_74, %rem3A_75 : i32
      %mul3A_77 = arith.constant 128 : i32
      %mul3A_78 = arith.muli %rem3A_76, %mul3A_77 : i32
      %add3A_79 = arith.addi %multiple_of3A, %mul3A_78 : i32
      %multiple_of3A_80 = tpu.assume_multiple %add3A_79, 8 : i32
      "tpu.region"() ({
        %run_scoped3A = tpu.sem_alloc : memref<!tpu.dma_semaphore, #tpu.memory_space<semaphore_mem>>
        %dma_start3A_84 = tpu.memref_slice %arg3[%multiple_of3A_80] : memref<327680xi32, #tpu.memory_space<hbm>> -> memref<128xi32, #tpu.memory_space<hbm>>
        %dma_start3A_85 = tpu.memref_slice %arg3[%multiple_of3A_80] : memref<327680xi32, #tpu.memory_space<hbm>> -> memref<128xi32, #tpu.memory_space<hbm>>
        tpu.enqueue_dma source(%dma_start3A_85 : memref<128xi32, #tpu.memory_space<hbm>>) target(%arg8 : memref<128xi32, #tpu.memory_space<vmem>>) target_semaphore(%run_scoped3A : memref<!tpu.dma_semaphore, #tpu.memory_space<semaphore_mem>>)
        %dma_wait3A_86 = tpu.memref_slice %arg3[%multiple_of3A_80] : memref<327680xi32, #tpu.memory_space<hbm>> -> memref<128xi32, #tpu.memory_space<hbm>>
        %dma_wait3A_87 = tpu.memref_slice %arg3[%multiple_of3A_80] : memref<327680xi32, #tpu.memory_space<hbm>> -> memref<128xi32, #tpu.memory_space<hbm>>
        tpu.wait_dma2 semaphore(%run_scoped3A : memref<!tpu.dma_semaphore, #tpu.memory_space<semaphore_mem>>) src(%dma_wait3A_87 : memref<128xi32, #tpu.memory_space<hbm>>) dst(%arg8 : memref<128xi32, #tpu.memory_space<vmem>>)
        tpu.yield
      }) : () -> ()
      "tpu.region"() ({
        %run_scoped3A = tpu.sem_alloc : memref<!tpu.dma_semaphore, #tpu.memory_space<semaphore_mem>>
        %dma_start3A_84 = tpu.memref_slice %arg4[%multiple_of3A_80] : memref<327680xi32, #tpu.memory_space<hbm>> -> memref<128xi32, #tpu.memory_space<hbm>>
        %dma_start3A_85 = tpu.memref_slice %arg4[%multiple_of3A_80] : memref<327680xi32, #tpu.memory_space<hbm>> -> memref<128xi32, #tpu.memory_space<hbm>>
        tpu.enqueue_dma source(%dma_start3A_85 : memref<128xi32, #tpu.memory_space<hbm>>) target(%arg9 : memref<128xi32, #tpu.memory_space<vmem>>) target_semaphore(%run_scoped3A : memref<!tpu.dma_semaphore, #tpu.memory_space<semaphore_mem>>)
        %dma_wait3A_86 = tpu.memref_slice %arg4[%multiple_of3A_80] : memref<327680xi32, #tpu.memory_space<hbm>> -> memref<128xi32, #tpu.memory_space<hbm>>
        %dma_wait3A_87 = tpu.memref_slice %arg4[%multiple_of3A_80] : memref<327680xi32, #tpu.memory_space<hbm>> -> memref<128xi32, #tpu.memory_space<hbm>>
        tpu.wait_dma2 semaphore(%run_scoped3A : memref<!tpu.dma_semaphore, #tpu.memory_space<semaphore_mem>>) src(%dma_wait3A_87 : memref<128xi32, #tpu.memory_space<hbm>>) dst(%arg9 : memref<128xi32, #tpu.memory_space<vmem>>)
        tpu.yield
      }) : () -> ()
      %dma_start3A_81 = arith.constant 0 : i32
      %dma_start3A_82 = arith.constant 0 : i32
      %dma_start3A_83 = tpu.memref_slice %arg2[%dma_start3A_81, %dma_start3A_82] : memref<10240x128xf32, #tpu.memory_space<hbm>> -> memref<10240x128xf32, #tpu.memory_space<hbm>>
      tpu.enqueue_indirect_dma source(%dma_start3A_83 : memref<10240x128xf32, #tpu.memory_space<hbm>>) target(%arg11 : memref<128x128xf32, #tpu.memory_space<vmem>>) offsets(%arg8 : memref<128xi32, #tpu.memory_space<vmem>>) semaphore(%arg14 : memref<!tpu.dma_semaphore, #tpu.memory_space<semaphore_mem>>)
    }
    %scan3A_44 = arith.constant 40 : i32
    %dma_wait3A = arith.constant 0 : i32
    %dma_wait3A_45 = arith.constant 0 : i32
    %dma_wait3A_46 = tpu.memref_slice %arg2[%dma_wait3A, %dma_wait3A_45] : memref<10240x128xf32, #tpu.memory_space<hbm>> -> memref<10240x128xf32, #tpu.memory_space<hbm>>
    tpu.wait_indirect_dma semaphore(%arg13 : memref<!tpu.dma_semaphore, #tpu.memory_space<semaphore_mem>>) src(%dma_wait3A_46 : memref<10240x128xf32, #tpu.memory_space<hbm>>) dst(%arg10 : memref<128x128xf32, #tpu.memory_space<vmem>>)
    %dma_wait3A_47 = arith.constant 0 : i32
    %dma_wait3A_48 = arith.constant 0 : i32
    %dma_wait3A_49 = tpu.memref_slice %arg2[%dma_wait3A_47, %dma_wait3A_48] : memref<10240x128xf32, #tpu.memory_space<hbm>> -> memref<10240x128xf32, #tpu.memory_space<hbm>>
    tpu.wait_indirect_dma semaphore(%arg14 : memref<!tpu.dma_semaphore, #tpu.memory_space<semaphore_mem>>) src(%dma_wait3A_49 : memref<10240x128xf32, #tpu.memory_space<hbm>>) dst(%arg11 : memref<128x128xf32, #tpu.memory_space<vmem>>)
    %barrier3A_50 = arith.constant 0 : index
    tpu.barrier barrier_id(%barrier3A_50)
    %mul3A_51 = arith.constant 640 : i32
    %mul3A_52 = arith.muli %arg1, %mul3A_51 : i32
    %multiple_of3A_53 = tpu.assume_multiple %mul3A_52, 8 : i32
    "tpu.region"() ({
      %run_scoped3A = tpu.sem_alloc : memref<!tpu.dma_semaphore, #tpu.memory_space<semaphore_mem>>
      %dma_start3A_54 = arith.constant 0 : i32
      %dma_start3A_55 = arith.constant 0 : i32
      %dma_start3A_56 = tpu.memref_slice %arg5[%arg0, %dma_start3A_54, %dma_start3A_55] : memref<2x10240x128xf32, #tpu.memory_space<hbm>> -> memref<1x10240x128xf32, #tpu.memory_space<hbm>>
      %dma_start3A_57 = tpu.memref_squeeze %dma_start3A_56 : memref<1x10240x128xf32, #tpu.memory_space<hbm>> -> memref<10240x128xf32, #tpu.memory_space<hbm>>
      %dma_start3A_58 = arith.constant 0 : i32
      %dma_start3A_59 = tpu.memref_slice %dma_start3A_57[%multiple_of3A_53, %dma_start3A_58] : memref<10240x128xf32, #tpu.memory_space<hbm>> -> memref<640x128xf32, #tpu.memory_space<hbm>>
      %dma_start3A_60 = arith.constant 0 : i32
      %dma_start3A_61 = tpu.memref_slice %arg12[%multiple_of3A_53, %dma_start3A_60] : memref<10240x128xf32, #tpu.memory_space<vmem_shared>> -> memref<640x128xf32, #tpu.memory_space<vmem_shared>>
      tpu.enqueue_dma source(%dma_start3A_61 : memref<640x128xf32, #tpu.memory_space<vmem_shared>>) target(%dma_start3A_59 : memref<640x128xf32, #tpu.memory_space<hbm>>) target_semaphore(%run_scoped3A : memref<!tpu.dma_semaphore, #tpu.memory_space<semaphore_mem>>)
      %dma_wait3A_62 = arith.constant 0 : i32
      %dma_wait3A_63 = arith.constant 0 : i32
      %dma_wait3A_64 = tpu.memref_slice %arg5[%arg0, %dma_wait3A_62, %dma_wait3A_63] : memref<2x10240x128xf32, #tpu.memory_space<hbm>> -> memref<1x10240x128xf32, #tpu.memory_space<hbm>>
      %dma_wait3A_65 = tpu.memref_squeeze %dma_wait3A_64 : memref<1x10240x128xf32, #tpu.memory_space<hbm>> -> memref<10240x128xf32, #tpu.memory_space<hbm>>
      %dma_wait3A_66 = arith.constant 0 : i32
      %dma_wait3A_67 = tpu.memref_slice %dma_wait3A_65[%multiple_of3A_53, %dma_wait3A_66] : memref<10240x128xf32, #tpu.memory_space<hbm>> -> memref<640x128xf32, #tpu.memory_space<hbm>>
      %dma_wait3A_68 = arith.constant 0 : i32
      %dma_wait3A_69 = tpu.memref_slice %arg12[%multiple_of3A_53, %dma_wait3A_68] : memref<10240x128xf32, #tpu.memory_space<vmem_shared>> -> memref<640x128xf32, #tpu.memory_space<vmem_shared>>
      tpu.wait_dma2 semaphore(%run_scoped3A : memref<!tpu.dma_semaphore, #tpu.memory_space<semaphore_mem>>) src(%dma_wait3A_69 : memref<640x128xf32, #tpu.memory_space<vmem_shared>>) dst(%dma_wait3A_67 : memref<640x128xf32, #tpu.memory_space<hbm>>)
      tpu.yield
    }) : () -> ()
    return
  }
}

module attributes {stable_mosaic.version = 14 : i64} {
  func.func @_conv_kan_body(%arg0: i32, %arg1: memref<512x128xf32, #tpu.memory_space<vmem>>, %arg2: memref<512x128xf32, #tpu.memory_space<vmem>>, %arg3: memref<512x128xf32, #tpu.memory_space<vmem>>, %arg4: memref<1x128xf32, #tpu.memory_space<vmem>>, %arg5: memref<1x128xf32, #tpu.memory_space<vmem>>, %arg6: memref<1024x128xf32, #tpu.memory_space<vmem>>, %arg7: memref<1x128xf32, #tpu.memory_space<vmem>>, %arg8: memref<128x128xf32, #tpu.memory_space<vmem>>, %arg9: memref<1x128xf32, #tpu.memory_space<vmem>>, %arg10: memref<1x128xf32, #tpu.memory_space<vmem>>, %arg11: memref<1x128xf32, #tpu.memory_space<vmem>>, %arg12: memref<1024x128xf32, #tpu.memory_space<vmem>>, %arg13: memref<1x128xf32, #tpu.memory_space<vmem>>, %arg14: memref<128x128xf32, #tpu.memory_space<vmem>>, %arg15: memref<1x128xf32, #tpu.memory_space<vmem>>, %arg16: memref<512x128xf32, #tpu.memory_space<vmem>>, %arg17: memref<2x128xf32, #tpu.memory_space<vmem>>) attributes {dimension_semantics = [#tpu.dimension_semantics<arbitrary>], iteration_bounds = array<i64: 20>, scalar_prefetch = 0 : i64, scratch_operands = 0 : i64, tpu.core_type = #tpu.core_type<tc>, window_params = [{transform_indices = @transform_0, window_bounds = array<i64: 512, 128>}, {transform_indices = @transform_1, window_bounds = array<i64: 512, 128>}, {transform_indices = @transform_2, window_bounds = array<i64: 512, 128>}, {pipeline_mode = #tpu.pipeline_mode<synchronous>, transform_indices = @transform_3, window_bounds = array<i64: 1, 128>}, {pipeline_mode = #tpu.pipeline_mode<synchronous>, transform_indices = @transform_4, window_bounds = array<i64: 1, 128>}, {pipeline_mode = #tpu.pipeline_mode<synchronous>, transform_indices = @transform_5, window_bounds = array<i64: 1024, 128>}, {pipeline_mode = #tpu.pipeline_mode<synchronous>, transform_indices = @transform_6, window_bounds = array<i64: 1, 128>}, {pipeline_mode = #tpu.pipeline_mode<synchronous>, transform_indices = @transform_7, window_bounds = array<i64: 128, 128>}, {pipeline_mode = #tpu.pipeline_mode<synchronous>, transform_indices = @transform_8, window_bounds = array<i64: 1, 128>}, {pipeline_mode = #tpu.pipeline_mode<synchronous>, transform_indices = @transform_9, window_bounds = array<i64: 1, 128>}, {pipeline_mode = #tpu.pipeline_mode<synchronous>, transform_indices = @transform_10, window_bounds = array<i64: 1, 128>}, {pipeline_mode = #tpu.pipeline_mode<synchronous>, transform_indices = @transform_11, window_bounds = array<i64: 1024, 128>}, {pipeline_mode = #tpu.pipeline_mode<synchronous>, transform_indices = @transform_12, window_bounds = array<i64: 1, 128>}, {pipeline_mode = #tpu.pipeline_mode<synchronous>, transform_indices = @transform_13, window_bounds = array<i64: 128, 128>}, {pipeline_mode = #tpu.pipeline_mode<synchronous>, transform_indices = @transform_14, window_bounds = array<i64: 1, 128>}, {transform_indices = @transform_15, window_bounds = array<i64: 512, 128>}, {pipeline_mode = #tpu.pipeline_mode<synchronous>, transform_indices = @transform_16, window_bounds = array<i64: 2, 128>}]} {
    %get3A = arith.constant 0 : index
    %get3A_0 = arith.constant 0 : index
    %get3A_1 = vector.load %arg1[%get3A, %get3A_0] : memref<512x128xf32, #tpu.memory_space<vmem>>, vector<512x128xf32>
    %get3A_2 = arith.constant 0 : index
    %get3A_3 = arith.constant 0 : index
    %get3A_4 = vector.load %arg2[%get3A_2, %get3A_3] : memref<512x128xf32, #tpu.memory_space<vmem>>, vector<512x128xf32>
    %add3A = arith.addf %get3A_1, %get3A_4 : vector<512x128xf32>
    %get3A_5 = arith.constant 0 : index
    %get3A_6 = arith.constant 0 : index
    %get3A_7 = vector.load %arg3[%get3A_5, %get3A_6] : memref<512x128xf32, #tpu.memory_space<vmem>>, vector<512x128xf32>
    %add3A_8 = arith.addf %add3A, %get3A_7 : vector<512x128xf32>
    %get3A_9 = arith.constant 0 : index
    %get3A_10 = arith.constant 0 : index
    %get3A_11 = vector.load %arg4[%get3A_9, %get3A_10] : memref<1x128xf32, #tpu.memory_space<vmem>>, vector<1x128xf32>
    %get3A_12 = arith.constant 0 : index
    %get3A_13 = arith.constant 0 : index
    %get3A_14 = vector.load %arg5[%get3A_12, %get3A_13] : memref<1x128xf32, #tpu.memory_space<vmem>>, vector<1x128xf32>
    %get3A_15 = arith.constant 0 : index
    %get3A_16 = arith.constant 0 : index
    %get3A_17 = vector.load %arg6[%get3A_15, %get3A_16] : memref<1024x128xf32, #tpu.memory_space<vmem>>, vector<1024x128xf32>
    %get3A_18 = arith.constant 0 : index
    %get3A_19 = arith.constant 0 : index
    %get3A_20 = vector.load %arg7[%get3A_18, %get3A_19] : memref<1x128xf32, #tpu.memory_space<vmem>>, vector<1x128xf32>
    %get3A_21 = arith.constant 0 : index
    %get3A_22 = arith.constant 0 : index
    %get3A_23 = vector.load %arg8[%get3A_21, %get3A_22] : memref<128x128xf32, #tpu.memory_space<vmem>>, vector<128x128xf32>
    %get3A_24 = arith.constant 0 : index
    %get3A_25 = arith.constant 0 : index
    %get3A_26 = vector.load %arg9[%get3A_24, %get3A_25] : memref<1x128xf32, #tpu.memory_space<vmem>>, vector<1x128xf32>
    %reduce_sum3A = arith.constant dense<0.000000e+00> : vector<512xf32>
    %reduce_sum3A_27 = vector.multi_reduction <add>, %add3A_8, %reduce_sum3A [1] : vector<512x128xf32> to vector<512xf32>
    %broadcast_in_dim3A = vector.shape_cast %reduce_sum3A_27 : vector<512xf32> to vector<512x1xf32>
    %div3A = arith.constant 1.280000e+02 : f32
    %div3A_28 = vector.broadcast %div3A : f32 to vector<512x1xf32>
    %div3A_29 = arith.divf %broadcast_in_dim3A, %div3A_28 : vector<512x1xf32>
    %sub3A = vector.broadcast %div3A_29 : vector<512x1xf32> to vector<512x128xf32>
    %sub3A_30 = arith.subf %add3A_8, %sub3A : vector<512x128xf32>
    %mul3A = arith.mulf %sub3A_30, %sub3A_30 : vector<512x128xf32>
    %reduce_sum3A_31 = arith.constant dense<0.000000e+00> : vector<512xf32>
    %reduce_sum3A_32 = vector.multi_reduction <add>, %mul3A, %reduce_sum3A_31 [1] : vector<512x128xf32> to vector<512xf32>
    %broadcast_in_dim3A_33 = vector.shape_cast %reduce_sum3A_32 : vector<512xf32> to vector<512x1xf32>
    %div3A_34 = arith.constant 1.280000e+02 : f32
    %div3A_35 = vector.broadcast %div3A_34 : f32 to vector<512x1xf32>
    %div3A_36 = arith.divf %broadcast_in_dim3A_33, %div3A_35 : vector<512x1xf32>
    %add3A_37 = arith.constant 9.99999974E-6 : f32
    %add3A_38 = vector.broadcast %add3A_37 : f32 to vector<512x1xf32>
    %add3A_39 = arith.addf %div3A_36, %add3A_38 : vector<512x1xf32>
    %rsqrt3A = math.rsqrt %add3A_39 : vector<512x1xf32>
    %mul3A_40 = vector.broadcast %rsqrt3A : vector<512x1xf32> to vector<512x128xf32>
    %mul3A_41 = arith.mulf %sub3A_30, %mul3A_40 : vector<512x128xf32>
    %mul3A_42 = vector.broadcast %get3A_11 : vector<1x128xf32> to vector<512x128xf32>
    %mul3A_43 = arith.mulf %mul3A_41, %mul3A_42 : vector<512x128xf32>
    %add3A_44 = vector.broadcast %get3A_14 : vector<1x128xf32> to vector<512x128xf32>
    %add3A_45 = arith.addf %mul3A_43, %add3A_44 : vector<512x128xf32>
    %sub3A_46 = arith.constant -2.000000e+00 : f32
    %sub3A_47 = vector.broadcast %sub3A_46 : f32 to vector<512x128xf32>
    %sub3A_48 = arith.subf %add3A_45, %sub3A_47 : vector<512x128xf32>
    %mul3A_49 = arith.constant 1.750000e+00 : f32
    %mul3A_50 = vector.broadcast %mul3A_49 : f32 to vector<512x128xf32>
    %mul3A_51 = arith.mulf %sub3A_48, %mul3A_50 : vector<512x128xf32>
    %mul3A_52 = arith.mulf %mul3A_51, %mul3A_51 : vector<512x128xf32>
    %neg3A = arith.constant 0.000000e+00 : f32
    %neg3A_53 = vector.broadcast %neg3A : f32 to vector<512x128xf32>
    %neg3A_54 = arith.subf %neg3A_53, %mul3A_52 : vector<512x128xf32>
    %exp3A = math.exp %neg3A_54 : vector<512x128xf32>
    %sub3A_55 = arith.constant -1.42857146 : f32
    %sub3A_56 = vector.broadcast %sub3A_55 : f32 to vector<512x128xf32>
    %sub3A_57 = arith.subf %add3A_45, %sub3A_56 : vector<512x128xf32>
    %mul3A_58 = arith.constant 1.750000e+00 : f32
    %mul3A_59 = vector.broadcast %mul3A_58 : f32 to vector<512x128xf32>
    %mul3A_60 = arith.mulf %sub3A_57, %mul3A_59 : vector<512x128xf32>
    %mul3A_61 = arith.mulf %mul3A_60, %mul3A_60 : vector<512x128xf32>
    %neg3A_62 = arith.constant 0.000000e+00 : f32
    %neg3A_63 = vector.broadcast %neg3A_62 : f32 to vector<512x128xf32>
    %neg3A_64 = arith.subf %neg3A_63, %mul3A_61 : vector<512x128xf32>
    %exp3A_65 = math.exp %neg3A_64 : vector<512x128xf32>
    %sub3A_66 = arith.constant -0.857142865 : f32
    %sub3A_67 = vector.broadcast %sub3A_66 : f32 to vector<512x128xf32>
    %sub3A_68 = arith.subf %add3A_45, %sub3A_67 : vector<512x128xf32>
    %mul3A_69 = arith.constant 1.750000e+00 : f32
    %mul3A_70 = vector.broadcast %mul3A_69 : f32 to vector<512x128xf32>
    %mul3A_71 = arith.mulf %sub3A_68, %mul3A_70 : vector<512x128xf32>
    %mul3A_72 = arith.mulf %mul3A_71, %mul3A_71 : vector<512x128xf32>
    %neg3A_73 = arith.constant 0.000000e+00 : f32
    %neg3A_74 = vector.broadcast %neg3A_73 : f32 to vector<512x128xf32>
    %neg3A_75 = arith.subf %neg3A_74, %mul3A_72 : vector<512x128xf32>
    %exp3A_76 = math.exp %neg3A_75 : vector<512x128xf32>
    %sub3A_77 = arith.constant -0.285714298 : f32
    %sub3A_78 = vector.broadcast %sub3A_77 : f32 to vector<512x128xf32>
    %sub3A_79 = arith.subf %add3A_45, %sub3A_78 : vector<512x128xf32>
    %mul3A_80 = arith.constant 1.750000e+00 : f32
    %mul3A_81 = vector.broadcast %mul3A_80 : f32 to vector<512x128xf32>
    %mul3A_82 = arith.mulf %sub3A_79, %mul3A_81 : vector<512x128xf32>
    %mul3A_83 = arith.mulf %mul3A_82, %mul3A_82 : vector<512x128xf32>
    %neg3A_84 = arith.constant 0.000000e+00 : f32
    %neg3A_85 = vector.broadcast %neg3A_84 : f32 to vector<512x128xf32>
    %neg3A_86 = arith.subf %neg3A_85, %mul3A_83 : vector<512x128xf32>
    %exp3A_87 = math.exp %neg3A_86 : vector<512x128xf32>
    %sub3A_88 = arith.constant 0.285714298 : f32
    %sub3A_89 = vector.broadcast %sub3A_88 : f32 to vector<512x128xf32>
    %sub3A_90 = arith.subf %add3A_45, %sub3A_89 : vector<512x128xf32>
    %mul3A_91 = arith.constant 1.750000e+00 : f32
    %mul3A_92 = vector.broadcast %mul3A_91 : f32 to vector<512x128xf32>
    %mul3A_93 = arith.mulf %sub3A_90, %mul3A_92 : vector<512x128xf32>
    %mul3A_94 = arith.mulf %mul3A_93, %mul3A_93 : vector<512x128xf32>
    %neg3A_95 = arith.constant 0.000000e+00 : f32
    %neg3A_96 = vector.broadcast %neg3A_95 : f32 to vector<512x128xf32>
    %neg3A_97 = arith.subf %neg3A_96, %mul3A_94 : vector<512x128xf32>
    %exp3A_98 = math.exp %neg3A_97 : vector<512x128xf32>
    %sub3A_99 = arith.constant 0.857142865 : f32
    %sub3A_100 = vector.broadcast %sub3A_99 : f32 to vector<512x128xf32>
    %sub3A_101 = arith.subf %add3A_45, %sub3A_100 : vector<512x128xf32>
    %mul3A_102 = arith.constant 1.750000e+00 : f32
    %mul3A_103 = vector.broadcast %mul3A_102 : f32 to vector<512x128xf32>
    %mul3A_104 = arith.mulf %sub3A_101, %mul3A_103 : vector<512x128xf32>
    %mul3A_105 = arith.mulf %mul3A_104, %mul3A_104 : vector<512x128xf32>
    %neg3A_106 = arith.constant 0.000000e+00 : f32
    %neg3A_107 = vector.broadcast %neg3A_106 : f32 to vector<512x128xf32>
    %neg3A_108 = arith.subf %neg3A_107, %mul3A_105 : vector<512x128xf32>
    %exp3A_109 = math.exp %neg3A_108 : vector<512x128xf32>
    %sub3A_110 = arith.constant 1.42857146 : f32
    %sub3A_111 = vector.broadcast %sub3A_110 : f32 to vector<512x128xf32>
    %sub3A_112 = arith.subf %add3A_45, %sub3A_111 : vector<512x128xf32>
    %mul3A_113 = arith.constant 1.750000e+00 : f32
    %mul3A_114 = vector.broadcast %mul3A_113 : f32 to vector<512x128xf32>
    %mul3A_115 = arith.mulf %sub3A_112, %mul3A_114 : vector<512x128xf32>
    %mul3A_116 = arith.mulf %mul3A_115, %mul3A_115 : vector<512x128xf32>
    %neg3A_117 = arith.constant 0.000000e+00 : f32
    %neg3A_118 = vector.broadcast %neg3A_117 : f32 to vector<512x128xf32>
    %neg3A_119 = arith.subf %neg3A_118, %mul3A_116 : vector<512x128xf32>
    %exp3A_120 = math.exp %neg3A_119 : vector<512x128xf32>
    %sub3A_121 = arith.constant 2.000000e+00 : f32
    %sub3A_122 = vector.broadcast %sub3A_121 : f32 to vector<512x128xf32>
    %sub3A_123 = arith.subf %add3A_45, %sub3A_122 : vector<512x128xf32>
    %mul3A_124 = arith.constant 1.750000e+00 : f32
    %mul3A_125 = vector.broadcast %mul3A_124 : f32 to vector<512x128xf32>
    %mul3A_126 = arith.mulf %sub3A_123, %mul3A_125 : vector<512x128xf32>
    %mul3A_127 = arith.mulf %mul3A_126, %mul3A_126 : vector<512x128xf32>
    %neg3A_128 = arith.constant 0.000000e+00 : f32
    %neg3A_129 = vector.broadcast %neg3A_128 : f32 to vector<512x128xf32>
    %neg3A_130 = arith.subf %neg3A_129, %mul3A_127 : vector<512x128xf32>
    %exp3A_131 = math.exp %neg3A_130 : vector<512x128xf32>
    %concatenate3A = tpu.concatenate %exp3A, %exp3A_65, %exp3A_76, %exp3A_87, %exp3A_98, %exp3A_109, %exp3A_120, %exp3A_131 in 1 : vector<512x128xf32>, vector<512x128xf32>, vector<512x128xf32>, vector<512x128xf32>, vector<512x128xf32>, vector<512x128xf32>, vector<512x128xf32>, vector<512x128xf32> -> vector<512x1024xf32>
    %logistic3A = arith.negf %add3A_45 : vector<512x128xf32>
    %logistic3A_132 = math.exp %logistic3A : vector<512x128xf32>
    %logistic3A_133 = arith.constant 1.000000e+00 : f32
    %logistic3A_134 = vector.broadcast %logistic3A_133 : f32 to vector<512x128xf32>
    %logistic3A_135 = arith.addf %logistic3A_134, %logistic3A_132 : vector<512x128xf32>
    %logistic3A_136 = arith.divf %logistic3A_134, %logistic3A_135 : vector<512x128xf32>
    %mul3A_137 = arith.mulf %add3A_45, %logistic3A_136 : vector<512x128xf32>
    %dot_general3A = arith.constant dense<0.000000e+00> : vector<512x128xf32>
    %dot_general3A_138 = tpu.matmul %concatenate3A, %get3A_17, %dot_general3A {dimension_numbers = #tpu.dot_dimension_numbers<[1], [0], [0], [1], [0, 0, 1, 1], [], []>, transpose_lhs_hint = false} : vector<512x1024xf32>, vector<1024x128xf32>, vector<512x128xf32> -> vector<512x128xf32>
    %add3A_139 = vector.broadcast %get3A_20 : vector<1x128xf32> to vector<512x128xf32>
    %add3A_140 = arith.addf %dot_general3A_138, %add3A_139 : vector<512x128xf32>
    %dot_general3A_141 = arith.constant dense<0.000000e+00> : vector<512x128xf32>
    %dot_general3A_142 = tpu.matmul %mul3A_137, %get3A_23, %dot_general3A_141 {dimension_numbers = #tpu.dot_dimension_numbers<[1], [0], [0], [1], [0, 0, 1, 1], [], []>, transpose_lhs_hint = false} : vector<512x128xf32>, vector<128x128xf32>, vector<512x128xf32> -> vector<512x128xf32>
    %add3A_143 = arith.addf %add3A_140, %dot_general3A_142 : vector<512x128xf32>
    %add3A_144 = vector.broadcast %get3A_26 : vector<1x128xf32> to vector<512x128xf32>
    %add3A_145 = arith.addf %add3A_143, %add3A_144 : vector<512x128xf32>
    %get3A_146 = arith.constant 0 : index
    %get3A_147 = arith.constant 0 : index
    %get3A_148 = vector.load %arg10[%get3A_146, %get3A_147] : memref<1x128xf32, #tpu.memory_space<vmem>>, vector<1x128xf32>
    %get3A_149 = arith.constant 0 : index
    %get3A_150 = arith.constant 0 : index
    %get3A_151 = vector.load %arg11[%get3A_149, %get3A_150] : memref<1x128xf32, #tpu.memory_space<vmem>>, vector<1x128xf32>
    %get3A_152 = arith.constant 0 : index
    %get3A_153 = arith.constant 0 : index
    %get3A_154 = vector.load %arg12[%get3A_152, %get3A_153] : memref<1024x128xf32, #tpu.memory_space<vmem>>, vector<1024x128xf32>
    %get3A_155 = arith.constant 0 : index
    %get3A_156 = arith.constant 0 : index
    %get3A_157 = vector.load %arg13[%get3A_155, %get3A_156] : memref<1x128xf32, #tpu.memory_space<vmem>>, vector<1x128xf32>
    %get3A_158 = arith.constant 0 : index
    %get3A_159 = arith.constant 0 : index
    %get3A_160 = vector.load %arg14[%get3A_158, %get3A_159] : memref<128x128xf32, #tpu.memory_space<vmem>>, vector<128x128xf32>
    %get3A_161 = arith.constant 0 : index
    %get3A_162 = arith.constant 0 : index
    %get3A_163 = vector.load %arg15[%get3A_161, %get3A_162] : memref<1x128xf32, #tpu.memory_space<vmem>>, vector<1x128xf32>
    %reduce_sum3A_164 = arith.constant dense<0.000000e+00> : vector<512xf32>
    %reduce_sum3A_165 = vector.multi_reduction <add>, %add3A_145, %reduce_sum3A_164 [1] : vector<512x128xf32> to vector<512xf32>
    %broadcast_in_dim3A_166 = vector.shape_cast %reduce_sum3A_165 : vector<512xf32> to vector<512x1xf32>
    %div3A_167 = arith.constant 1.280000e+02 : f32
    %div3A_168 = vector.broadcast %div3A_167 : f32 to vector<512x1xf32>
    %div3A_169 = arith.divf %broadcast_in_dim3A_166, %div3A_168 : vector<512x1xf32>
    %sub3A_170 = vector.broadcast %div3A_169 : vector<512x1xf32> to vector<512x128xf32>
    %sub3A_171 = arith.subf %add3A_145, %sub3A_170 : vector<512x128xf32>
    %mul3A_172 = arith.mulf %sub3A_171, %sub3A_171 : vector<512x128xf32>
    %reduce_sum3A_173 = arith.constant dense<0.000000e+00> : vector<512xf32>
    %reduce_sum3A_174 = vector.multi_reduction <add>, %mul3A_172, %reduce_sum3A_173 [1] : vector<512x128xf32> to vector<512xf32>
    %broadcast_in_dim3A_175 = vector.shape_cast %reduce_sum3A_174 : vector<512xf32> to vector<512x1xf32>
    %div3A_176 = arith.constant 1.280000e+02 : f32
    %div3A_177 = vector.broadcast %div3A_176 : f32 to vector<512x1xf32>
    %div3A_178 = arith.divf %broadcast_in_dim3A_175, %div3A_177 : vector<512x1xf32>
    %add3A_179 = arith.constant 9.99999974E-6 : f32
    %add3A_180 = vector.broadcast %add3A_179 : f32 to vector<512x1xf32>
    %add3A_181 = arith.addf %div3A_178, %add3A_180 : vector<512x1xf32>
    %rsqrt3A_182 = math.rsqrt %add3A_181 : vector<512x1xf32>
    %mul3A_183 = vector.broadcast %rsqrt3A_182 : vector<512x1xf32> to vector<512x128xf32>
    %mul3A_184 = arith.mulf %sub3A_171, %mul3A_183 : vector<512x128xf32>
    %mul3A_185 = vector.broadcast %get3A_148 : vector<1x128xf32> to vector<512x128xf32>
    %mul3A_186 = arith.mulf %mul3A_184, %mul3A_185 : vector<512x128xf32>
    %add3A_187 = vector.broadcast %get3A_151 : vector<1x128xf32> to vector<512x128xf32>
    %add3A_188 = arith.addf %mul3A_186, %add3A_187 : vector<512x128xf32>
    %sub3A_189 = arith.constant -2.000000e+00 : f32
    %sub3A_190 = vector.broadcast %sub3A_189 : f32 to vector<512x128xf32>
    %sub3A_191 = arith.subf %add3A_188, %sub3A_190 : vector<512x128xf32>
    %mul3A_192 = arith.constant 1.750000e+00 : f32
    %mul3A_193 = vector.broadcast %mul3A_192 : f32 to vector<512x128xf32>
    %mul3A_194 = arith.mulf %sub3A_191, %mul3A_193 : vector<512x128xf32>
    %mul3A_195 = arith.mulf %mul3A_194, %mul3A_194 : vector<512x128xf32>
    %neg3A_196 = arith.constant 0.000000e+00 : f32
    %neg3A_197 = vector.broadcast %neg3A_196 : f32 to vector<512x128xf32>
    %neg3A_198 = arith.subf %neg3A_197, %mul3A_195 : vector<512x128xf32>
    %exp3A_199 = math.exp %neg3A_198 : vector<512x128xf32>
    %sub3A_200 = arith.constant -1.42857146 : f32
    %sub3A_201 = vector.broadcast %sub3A_200 : f32 to vector<512x128xf32>
    %sub3A_202 = arith.subf %add3A_188, %sub3A_201 : vector<512x128xf32>
    %mul3A_203 = arith.constant 1.750000e+00 : f32
    %mul3A_204 = vector.broadcast %mul3A_203 : f32 to vector<512x128xf32>
    %mul3A_205 = arith.mulf %sub3A_202, %mul3A_204 : vector<512x128xf32>
    %mul3A_206 = arith.mulf %mul3A_205, %mul3A_205 : vector<512x128xf32>
    %neg3A_207 = arith.constant 0.000000e+00 : f32
    %neg3A_208 = vector.broadcast %neg3A_207 : f32 to vector<512x128xf32>
    %neg3A_209 = arith.subf %neg3A_208, %mul3A_206 : vector<512x128xf32>
    %exp3A_210 = math.exp %neg3A_209 : vector<512x128xf32>
    %sub3A_211 = arith.constant -0.857142865 : f32
    %sub3A_212 = vector.broadcast %sub3A_211 : f32 to vector<512x128xf32>
    %sub3A_213 = arith.subf %add3A_188, %sub3A_212 : vector<512x128xf32>
    %mul3A_214 = arith.constant 1.750000e+00 : f32
    %mul3A_215 = vector.broadcast %mul3A_214 : f32 to vector<512x128xf32>
    %mul3A_216 = arith.mulf %sub3A_213, %mul3A_215 : vector<512x128xf32>
    %mul3A_217 = arith.mulf %mul3A_216, %mul3A_216 : vector<512x128xf32>
    %neg3A_218 = arith.constant 0.000000e+00 : f32
    %neg3A_219 = vector.broadcast %neg3A_218 : f32 to vector<512x128xf32>
    %neg3A_220 = arith.subf %neg3A_219, %mul3A_217 : vector<512x128xf32>
    %exp3A_221 = math.exp %neg3A_220 : vector<512x128xf32>
    %sub3A_222 = arith.constant -0.285714298 : f32
    %sub3A_223 = vector.broadcast %sub3A_222 : f32 to vector<512x128xf32>
    %sub3A_224 = arith.subf %add3A_188, %sub3A_223 : vector<512x128xf32>
    %mul3A_225 = arith.constant 1.750000e+00 : f32
    %mul3A_226 = vector.broadcast %mul3A_225 : f32 to vector<512x128xf32>
    %mul3A_227 = arith.mulf %sub3A_224, %mul3A_226 : vector<512x128xf32>
    %mul3A_228 = arith.mulf %mul3A_227, %mul3A_227 : vector<512x128xf32>
    %neg3A_229 = arith.constant 0.000000e+00 : f32
    %neg3A_230 = vector.broadcast %neg3A_229 : f32 to vector<512x128xf32>
    %neg3A_231 = arith.subf %neg3A_230, %mul3A_228 : vector<512x128xf32>
    %exp3A_232 = math.exp %neg3A_231 : vector<512x128xf32>
    %sub3A_233 = arith.constant 0.285714298 : f32
    %sub3A_234 = vector.broadcast %sub3A_233 : f32 to vector<512x128xf32>
    %sub3A_235 = arith.subf %add3A_188, %sub3A_234 : vector<512x128xf32>
    %mul3A_236 = arith.constant 1.750000e+00 : f32
    %mul3A_237 = vector.broadcast %mul3A_236 : f32 to vector<512x128xf32>
    %mul3A_238 = arith.mulf %sub3A_235, %mul3A_237 : vector<512x128xf32>
    %mul3A_239 = arith.mulf %mul3A_238, %mul3A_238 : vector<512x128xf32>
    %neg3A_240 = arith.constant 0.000000e+00 : f32
    %neg3A_241 = vector.broadcast %neg3A_240 : f32 to vector<512x128xf32>
    %neg3A_242 = arith.subf %neg3A_241, %mul3A_239 : vector<512x128xf32>
    %exp3A_243 = math.exp %neg3A_242 : vector<512x128xf32>
    %sub3A_244 = arith.constant 0.857142865 : f32
    %sub3A_245 = vector.broadcast %sub3A_244 : f32 to vector<512x128xf32>
    %sub3A_246 = arith.subf %add3A_188, %sub3A_245 : vector<512x128xf32>
    %mul3A_247 = arith.constant 1.750000e+00 : f32
    %mul3A_248 = vector.broadcast %mul3A_247 : f32 to vector<512x128xf32>
    %mul3A_249 = arith.mulf %sub3A_246, %mul3A_248 : vector<512x128xf32>
    %mul3A_250 = arith.mulf %mul3A_249, %mul3A_249 : vector<512x128xf32>
    %neg3A_251 = arith.constant 0.000000e+00 : f32
    %neg3A_252 = vector.broadcast %neg3A_251 : f32 to vector<512x128xf32>
    %neg3A_253 = arith.subf %neg3A_252, %mul3A_250 : vector<512x128xf32>
    %exp3A_254 = math.exp %neg3A_253 : vector<512x128xf32>
    %sub3A_255 = arith.constant 1.42857146 : f32
    %sub3A_256 = vector.broadcast %sub3A_255 : f32 to vector<512x128xf32>
    %sub3A_257 = arith.subf %add3A_188, %sub3A_256 : vector<512x128xf32>
    %mul3A_258 = arith.constant 1.750000e+00 : f32
    %mul3A_259 = vector.broadcast %mul3A_258 : f32 to vector<512x128xf32>
    %mul3A_260 = arith.mulf %sub3A_257, %mul3A_259 : vector<512x128xf32>
    %mul3A_261 = arith.mulf %mul3A_260, %mul3A_260 : vector<512x128xf32>
    %neg3A_262 = arith.constant 0.000000e+00 : f32
    %neg3A_263 = vector.broadcast %neg3A_262 : f32 to vector<512x128xf32>
    %neg3A_264 = arith.subf %neg3A_263, %mul3A_261 : vector<512x128xf32>
    %exp3A_265 = math.exp %neg3A_264 : vector<512x128xf32>
    %sub3A_266 = arith.constant 2.000000e+00 : f32
    %sub3A_267 = vector.broadcast %sub3A_266 : f32 to vector<512x128xf32>
    %sub3A_268 = arith.subf %add3A_188, %sub3A_267 : vector<512x128xf32>
    %mul3A_269 = arith.constant 1.750000e+00 : f32
    %mul3A_270 = vector.broadcast %mul3A_269 : f32 to vector<512x128xf32>
    %mul3A_271 = arith.mulf %sub3A_268, %mul3A_270 : vector<512x128xf32>
    %mul3A_272 = arith.mulf %mul3A_271, %mul3A_271 : vector<512x128xf32>
    %neg3A_273 = arith.constant 0.000000e+00 : f32
    %neg3A_274 = vector.broadcast %neg3A_273 : f32 to vector<512x128xf32>
    %neg3A_275 = arith.subf %neg3A_274, %mul3A_272 : vector<512x128xf32>
    %exp3A_276 = math.exp %neg3A_275 : vector<512x128xf32>
    %concatenate3A_277 = tpu.concatenate %exp3A_199, %exp3A_210, %exp3A_221, %exp3A_232, %exp3A_243, %exp3A_254, %exp3A_265, %exp3A_276 in 1 : vector<512x128xf32>, vector<512x128xf32>, vector<512x128xf32>, vector<512x128xf32>, vector<512x128xf32>, vector<512x128xf32>, vector<512x128xf32>, vector<512x128xf32> -> vector<512x1024xf32>
    %logistic3A_278 = arith.negf %add3A_188 : vector<512x128xf32>
    %logistic3A_279 = math.exp %logistic3A_278 : vector<512x128xf32>
    %logistic3A_280 = arith.constant 1.000000e+00 : f32
    %logistic3A_281 = vector.broadcast %logistic3A_280 : f32 to vector<512x128xf32>
    %logistic3A_282 = arith.addf %logistic3A_281, %logistic3A_279 : vector<512x128xf32>
    %logistic3A_283 = arith.divf %logistic3A_281, %logistic3A_282 : vector<512x128xf32>
    %mul3A_284 = arith.mulf %add3A_188, %logistic3A_283 : vector<512x128xf32>
    %dot_general3A_285 = arith.constant dense<0.000000e+00> : vector<512x128xf32>
    %dot_general3A_286 = tpu.matmul %concatenate3A_277, %get3A_154, %dot_general3A_285 {dimension_numbers = #tpu.dot_dimension_numbers<[1], [0], [0], [1], [0, 0, 1, 1], [], []>, transpose_lhs_hint = false} : vector<512x1024xf32>, vector<1024x128xf32>, vector<512x128xf32> -> vector<512x128xf32>
    %add3A_287 = vector.broadcast %get3A_157 : vector<1x128xf32> to vector<512x128xf32>
    %add3A_288 = arith.addf %dot_general3A_286, %add3A_287 : vector<512x128xf32>
    %dot_general3A_289 = arith.constant dense<0.000000e+00> : vector<512x128xf32>
    %dot_general3A_290 = tpu.matmul %mul3A_284, %get3A_160, %dot_general3A_289 {dimension_numbers = #tpu.dot_dimension_numbers<[1], [0], [0], [1], [0, 0, 1, 1], [], []>, transpose_lhs_hint = false} : vector<512x128xf32>, vector<128x128xf32>, vector<512x128xf32> -> vector<512x128xf32>
    %add3A_291 = arith.addf %add3A_288, %dot_general3A_290 : vector<512x128xf32>
    %add3A_292 = vector.broadcast %get3A_163 : vector<1x128xf32> to vector<512x128xf32>
    %add3A_293 = arith.addf %add3A_291, %add3A_292 : vector<512x128xf32>
    %mul3A_294 = arith.constant 512 : i32
    %mul3A_295 = arith.muli %arg0, %mul3A_294 : i32
    %iota3A = tpu.iota {dimensions = array<i32: 0>} : vector<512x1xi32>
    %add3A_296 = vector.broadcast %mul3A_295 : i32 to vector<512x1xi32>
    %add3A_297 = arith.addi %add3A_296, %iota3A : vector<512x1xi32>
    %lt3A = arith.constant 10000 : i32
    %lt3A_298 = vector.broadcast %lt3A : i32 to vector<512x1xi32>
    %lt3A_299 = arith.cmpi slt, %add3A_297, %lt3A_298 : vector<512x1xi32>
    %jit3A = arith.constant 0.000000e+00 : f32
    %broadcast_in_dim3A_300 = vector.shape_cast %lt3A_299 : vector<512x1xi1> to vector<512x1xi1>
    %broadcast_in_dim3A_301 = vector.broadcast %broadcast_in_dim3A_300 : vector<512x1xi1> to vector<512x128xi1>
    %broadcast_in_dim3A_302 = vector.broadcast %jit3A : f32 to vector<512x128xf32>
    %select_n3A = arith.select %broadcast_in_dim3A_301, %add3A_293, %broadcast_in_dim3A_302 : vector<512x128xi1>, vector<512x128xf32>
    %swap3A = arith.constant 0 : index
    %swap3A_303 = arith.constant 0 : index
    %swap3A_304 = vector.load %arg16[%swap3A, %swap3A_303] : memref<512x128xf32, #tpu.memory_space<vmem>>, vector<512x128xf32>
    tpu.vector_store %arg16[%swap3A, %swap3A_303], %select_n3A {strides = array<i32>} : memref<512x128xf32, #tpu.memory_space<vmem>>, vector<512x128xf32>,
    %reduce_sum3A_305 = arith.constant dense<0.000000e+00> : vector<128xf32>
    %reduce_sum3A_306 = vector.multi_reduction <add>, %select_n3A, %reduce_sum3A_305 [0] : vector<512x128xf32> to vector<128xf32>
    %broadcast_in_dim3A_307 = vector.shape_cast %reduce_sum3A_306 : vector<128xf32> to vector<1x128xf32>
    %mul3A_308 = arith.mulf %select_n3A, %select_n3A : vector<512x128xf32>
    %reduce_sum3A_309 = arith.constant dense<0.000000e+00> : vector<128xf32>
    %reduce_sum3A_310 = vector.multi_reduction <add>, %mul3A_308, %reduce_sum3A_309 [0] : vector<512x128xf32> to vector<128xf32>
    %broadcast_in_dim3A_311 = vector.shape_cast %reduce_sum3A_310 : vector<128xf32> to vector<1x128xf32>
    %concatenate3A_312 = tpu.concatenate %broadcast_in_dim3A_307, %broadcast_in_dim3A_311 in 0 : vector<1x128xf32>, vector<1x128xf32> -> vector<2x128xf32>
    %eq3A = arith.constant 0 : i32
    %eq3A_313 = arith.cmpi eq, %arg0, %eq3A : i32
    %convert_element_type3A = arith.extui %eq3A_313 : i1 to i32
    %cond3A = arith.constant 0 : i32
    %cond3A_314 = arith.cmpi ne, %convert_element_type3A, %cond3A : i32
    scf.if %cond3A_314 {
      %swap3A_319 = arith.constant 0 : index
      %swap3A_320 = arith.constant 0 : index
      %swap3A_321 = vector.load %arg17[%swap3A_319, %swap3A_320] : memref<2x128xf32, #tpu.memory_space<vmem>>, vector<2x128xf32>
      tpu.vector_store %arg17[%swap3A_319, %swap3A_320], %concatenate3A_312 {strides = array<i32>} : memref<2x128xf32, #tpu.memory_space<vmem>>, vector<2x128xf32>,
    } else {
    }
    %gt3A = arith.constant 0 : i32
    %gt3A_315 = arith.cmpi sgt, %arg0, %gt3A : i32
    %convert_element_type3A_316 = arith.extui %gt3A_315 : i1 to i32
    %cond3A_317 = arith.constant 0 : i32
    %cond3A_318 = arith.cmpi ne, %convert_element_type3A_316, %cond3A_317 : i32
    scf.if %cond3A_318 {
      %get3A_319 = arith.constant 0 : index
      %get3A_320 = arith.constant 0 : index
      %get3A_321 = vector.load %arg17[%get3A_319, %get3A_320] : memref<2x128xf32, #tpu.memory_space<vmem>>, vector<2x128xf32>
      %add3A_322 = arith.addf %get3A_321, %concatenate3A_312 : vector<2x128xf32>
      %swap3A_323 = arith.constant 0 : index
      %swap3A_324 = arith.constant 0 : index
      %swap3A_325 = vector.load %arg17[%swap3A_323, %swap3A_324] : memref<2x128xf32, #tpu.memory_space<vmem>>, vector<2x128xf32>
      tpu.vector_store %arg17[%swap3A_323, %swap3A_324], %add3A_322 {strides = array<i32>} : memref<2x128xf32, #tpu.memory_space<vmem>>, vector<2x128xf32>,
    } else {
    }
    return
  }
  func.func @transform_0(%arg0: i32) -> (i32, i32) {
    %c0_i32 = arith.constant 0 : i32
    %c0_i32_0 = arith.constant 0 : i32
    return %arg0, %c0_i32 : i32, i32
  }
  func.func @transform_1(%arg0: i32) -> (i32, i32) {
    %c0_i32 = arith.constant 0 : i32
    %c0_i32_0 = arith.constant 0 : i32
    return %arg0, %c0_i32 : i32, i32
  }
  func.func @transform_2(%arg0: i32) -> (i32, i32) {
    %c0_i32 = arith.constant 0 : i32
    %c0_i32_0 = arith.constant 0 : i32
    return %arg0, %c0_i32 : i32, i32
  }
  func.func @transform_3(%arg0: i32) -> (i32, i32) {
    %c0_i32 = arith.constant 0 : i32
    %c0_i32_0 = arith.constant 0 : i32
    %c0_i32_1 = arith.constant 0 : i32
    return %c0_i32, %c0_i32_0 : i32, i32
  }
  func.func @transform_4(%arg0: i32) -> (i32, i32) {
    %c0_i32 = arith.constant 0 : i32
    %c0_i32_0 = arith.constant 0 : i32
    %c0_i32_1 = arith.constant 0 : i32
    return %c0_i32, %c0_i32_0 : i32, i32
  }
  func.func @transform_5(%arg0: i32) -> (i32, i32) {
    %c0_i32 = arith.constant 0 : i32
    %c0_i32_0 = arith.constant 0 : i32
    %c0_i32_1 = arith.constant 0 : i32
    return %c0_i32, %c0_i32_0 : i32, i32
  }
  func.func @transform_6(%arg0: i32) -> (i32, i32) {
    %c0_i32 = arith.constant 0 : i32
    %c0_i32_0 = arith.constant 0 : i32
    %c0_i32_1 = arith.constant 0 : i32
    return %c0_i32, %c0_i32_0 : i32, i32
  }
  func.func @transform_7(%arg0: i32) -> (i32, i32) {
    %c0_i32 = arith.constant 0 : i32
    %c0_i32_0 = arith.constant 0 : i32
    %c0_i32_1 = arith.constant 0 : i32
    return %c0_i32, %c0_i32_0 : i32, i32
  }
  func.func @transform_8(%arg0: i32) -> (i32, i32) {
    %c0_i32 = arith.constant 0 : i32
    %c0_i32_0 = arith.constant 0 : i32
    %c0_i32_1 = arith.constant 0 : i32
    return %c0_i32, %c0_i32_0 : i32, i32
  }
  func.func @transform_9(%arg0: i32) -> (i32, i32) {
    %c0_i32 = arith.constant 0 : i32
    %c0_i32_0 = arith.constant 0 : i32
    %c0_i32_1 = arith.constant 0 : i32
    return %c0_i32, %c0_i32_0 : i32, i32
  }
  func.func @transform_10(%arg0: i32) -> (i32, i32) {
    %c0_i32 = arith.constant 0 : i32
    %c0_i32_0 = arith.constant 0 : i32
    %c0_i32_1 = arith.constant 0 : i32
    return %c0_i32, %c0_i32_0 : i32, i32
  }
  func.func @transform_11(%arg0: i32) -> (i32, i32) {
    %c0_i32 = arith.constant 0 : i32
    %c0_i32_0 = arith.constant 0 : i32
    %c0_i32_1 = arith.constant 0 : i32
    return %c0_i32, %c0_i32_0 : i32, i32
  }
  func.func @transform_12(%arg0: i32) -> (i32, i32) {
    %c0_i32 = arith.constant 0 : i32
    %c0_i32_0 = arith.constant 0 : i32
    %c0_i32_1 = arith.constant 0 : i32
    return %c0_i32, %c0_i32_0 : i32, i32
  }
  func.func @transform_13(%arg0: i32) -> (i32, i32) {
    %c0_i32 = arith.constant 0 : i32
    %c0_i32_0 = arith.constant 0 : i32
    %c0_i32_1 = arith.constant 0 : i32
    return %c0_i32, %c0_i32_0 : i32, i32
  }
  func.func @transform_14(%arg0: i32) -> (i32, i32) {
    %c0_i32 = arith.constant 0 : i32
    %c0_i32_0 = arith.constant 0 : i32
    %c0_i32_1 = arith.constant 0 : i32
    return %c0_i32, %c0_i32_0 : i32, i32
  }
  func.func @transform_15(%arg0: i32) -> (i32, i32) {
    %c0_i32 = arith.constant 0 : i32
    %c0_i32_0 = arith.constant 0 : i32
    return %arg0, %c0_i32 : i32, i32
  }
  func.func @transform_16(%arg0: i32) -> (i32, i32) {
    %c0_i32 = arith.constant 0 : i32
    %c0_i32_0 = arith.constant 0 : i32
    %c0_i32_1 = arith.constant 0 : i32
    return %c0_i32, %c0_i32_0 : i32, i32
  }
}

module attributes {stable_mosaic.version = 14 : i64} {
  func.func @_bn_apply_body(%arg0: i32, %arg1: memref<512x128xf32, #tpu.memory_space<vmem>>, %arg2: memref<2x128xf32, #tpu.memory_space<vmem>>, %arg3: memref<1x128xf32, #tpu.memory_space<vmem>>, %arg4: memref<1x128xf32, #tpu.memory_space<vmem>>, %arg5: memref<512x128xf32, #tpu.memory_space<vmem>>) attributes {dimension_semantics = [#tpu.dimension_semantics<arbitrary>], iteration_bounds = array<i64: 20>, scalar_prefetch = 0 : i64, scratch_operands = 0 : i64, tpu.core_type = #tpu.core_type<tc>, window_params = [{transform_indices = @transform_0, window_bounds = array<i64: 512, 128>}, {pipeline_mode = #tpu.pipeline_mode<synchronous>, transform_indices = @transform_1, window_bounds = array<i64: 2, 128>}, {pipeline_mode = #tpu.pipeline_mode<synchronous>, transform_indices = @transform_2, window_bounds = array<i64: 1, 128>}, {pipeline_mode = #tpu.pipeline_mode<synchronous>, transform_indices = @transform_3, window_bounds = array<i64: 1, 128>}, {transform_indices = @transform_4, window_bounds = array<i64: 512, 128>}]} {
    %get3A = arith.constant 0 : index
    %get3A_0 = arith.constant 0 : index
    %get3A_1 = vector.load %arg2[%get3A, %get3A_0] : memref<2x128xf32, #tpu.memory_space<vmem>>, vector<2x128xf32>
    %get3A_2 = arith.constant 0 : index
    %get3A_3 = arith.constant 0 : index
    %get3A_4 = vector.load %arg3[%get3A_2, %get3A_3] : memref<1x128xf32, #tpu.memory_space<vmem>>, vector<1x128xf32>
    %get3A_5 = arith.constant 0 : index
    %get3A_6 = arith.constant 0 : index
    %get3A_7 = vector.load %arg4[%get3A_5, %get3A_6] : memref<1x128xf32, #tpu.memory_space<vmem>>, vector<1x128xf32>
    %slice3A = vector.extract_strided_slice %get3A_1 {offsets = [0, 0], sizes = [1, 128], strides = [1, 1]} : vector<2x128xf32> to vector<1x128xf32>
    %mul3A = arith.constant 9.99999974E-5 : f32
    %mul3A_8 = vector.broadcast %mul3A : f32 to vector<1x128xf32>
    %mul3A_9 = arith.mulf %slice3A, %mul3A_8 : vector<1x128xf32>
    %slice3A_10 = vector.extract_strided_slice %get3A_1 {offsets = [1, 0], sizes = [1, 128], strides = [1, 1]} : vector<2x128xf32> to vector<1x128xf32>
    %mul3A_11 = arith.constant 9.99999974E-5 : f32
    %mul3A_12 = vector.broadcast %mul3A_11 : f32 to vector<1x128xf32>
    %mul3A_13 = arith.mulf %slice3A_10, %mul3A_12 : vector<1x128xf32>
    %mul3A_14 = arith.mulf %mul3A_9, %mul3A_9 : vector<1x128xf32>
    %sub3A = arith.subf %mul3A_13, %mul3A_14 : vector<1x128xf32>
    %add3A = arith.constant 9.99999974E-6 : f32
    %add3A_15 = vector.broadcast %add3A : f32 to vector<1x128xf32>
    %add3A_16 = arith.addf %sub3A, %add3A_15 : vector<1x128xf32>
    %rsqrt3A = math.rsqrt %add3A_16 : vector<1x128xf32>
    %mul3A_17 = arith.mulf %get3A_4, %rsqrt3A : vector<1x128xf32>
    %mul3A_18 = arith.mulf %mul3A_9, %mul3A_17 : vector<1x128xf32>
    %sub3A_19 = arith.subf %get3A_7, %mul3A_18 : vector<1x128xf32>
    %mul3A_20 = arith.constant 512 : i32
    %mul3A_21 = arith.muli %arg0, %mul3A_20 : i32
    %iota3A = tpu.iota {dimensions = array<i32: 0>} : vector<512x1xi32>
    %add3A_22 = vector.broadcast %mul3A_21 : i32 to vector<512x1xi32>
    %add3A_23 = arith.addi %add3A_22, %iota3A : vector<512x1xi32>
    %lt3A = arith.constant 10000 : i32
    %lt3A_24 = vector.broadcast %lt3A : i32 to vector<512x1xi32>
    %lt3A_25 = arith.cmpi slt, %add3A_23, %lt3A_24 : vector<512x1xi32>
    %get3A_26 = arith.constant 0 : index
    %get3A_27 = arith.constant 0 : index
    %get3A_28 = vector.load %arg1[%get3A_26, %get3A_27] : memref<512x128xf32, #tpu.memory_space<vmem>>, vector<512x128xf32>
    %mul3A_29 = vector.broadcast %mul3A_17 : vector<1x128xf32> to vector<512x128xf32>
    %mul3A_30 = arith.mulf %get3A_28, %mul3A_29 : vector<512x128xf32>
    %add3A_31 = vector.broadcast %sub3A_19 : vector<1x128xf32> to vector<512x128xf32>
    %add3A_32 = arith.addf %mul3A_30, %add3A_31 : vector<512x128xf32>
    %jit3A = arith.constant 0.000000e+00 : f32
    %broadcast_in_dim3A = vector.shape_cast %lt3A_25 : vector<512x1xi1> to vector<512x1xi1>
    %broadcast_in_dim3A_33 = vector.broadcast %broadcast_in_dim3A : vector<512x1xi1> to vector<512x128xi1>
    %broadcast_in_dim3A_34 = vector.broadcast %jit3A : f32 to vector<512x128xf32>
    %select_n3A = arith.select %broadcast_in_dim3A_33, %add3A_32, %broadcast_in_dim3A_34 : vector<512x128xi1>, vector<512x128xf32>
    %swap3A = arith.constant 0 : index
    %swap3A_35 = arith.constant 0 : index
    %swap3A_36 = vector.load %arg5[%swap3A, %swap3A_35] : memref<512x128xf32, #tpu.memory_space<vmem>>, vector<512x128xf32>
    tpu.vector_store %arg5[%swap3A, %swap3A_35], %select_n3A {strides = array<i32>} : memref<512x128xf32, #tpu.memory_space<vmem>>, vector<512x128xf32>,
    return
  }
  func.func @transform_0(%arg0: i32) -> (i32, i32) {
    %c0_i32 = arith.constant 0 : i32
    %c0_i32_0 = arith.constant 0 : i32
    return %arg0, %c0_i32 : i32, i32
  }
  func.func @transform_1(%arg0: i32) -> (i32, i32) {
    %c0_i32 = arith.constant 0 : i32
    %c0_i32_0 = arith.constant 0 : i32
    %c0_i32_1 = arith.constant 0 : i32
    return %c0_i32, %c0_i32_0 : i32, i32
  }
  func.func @transform_2(%arg0: i32) -> (i32, i32) {
    %c0_i32 = arith.constant 0 : i32
    %c0_i32_0 = arith.constant 0 : i32
    %c0_i32_1 = arith.constant 0 : i32
    return %c0_i32, %c0_i32_0 : i32, i32
  }
  func.func @transform_3(%arg0: i32) -> (i32, i32) {
    %c0_i32 = arith.constant 0 : i32
    %c0_i32_0 = arith.constant 0 : i32
    %c0_i32_1 = arith.constant 0 : i32
    return %c0_i32, %c0_i32_0 : i32, i32
  }
  func.func @transform_4(%arg0: i32) -> (i32, i32) {
    %c0_i32 = arith.constant 0 : i32
    %c0_i32_0 = arith.constant 0 : i32
    return %arg0, %c0_i32 : i32, i32
  }
}

module attributes {stable_mosaic.version = 14 : i64} {
  func.func @_pool_kan_body(%arg0: i32, %arg1: memref<512x128xf32, #tpu.memory_space<vmem>>, %arg2: memref<2x128xf32, #tpu.memory_space<vmem>>, %arg3: memref<1x128xf32, #tpu.memory_space<vmem>>, %arg4: memref<1x128xf32, #tpu.memory_space<vmem>>, %arg5: memref<1x1x512xi32, #tpu.memory_space<vmem>>, %arg6: memref<1x128xf32, #tpu.memory_space<vmem>>, %arg7: memref<1x128xf32, #tpu.memory_space<vmem>>, %arg8: memref<1024x128xf32, #tpu.memory_space<vmem>>, %arg9: memref<1x128xf32, #tpu.memory_space<vmem>>, %arg10: memref<128x128xf32, #tpu.memory_space<vmem>>, %arg11: memref<1x128xf32, #tpu.memory_space<vmem>>, %arg12: memref<1x128xf32, #tpu.memory_space<vmem>>, %arg13: memref<1x128xf32, #tpu.memory_space<vmem>>, %arg14: memref<1024x128xf32, #tpu.memory_space<vmem>>, %arg15: memref<1x128xf32, #tpu.memory_space<vmem>>, %arg16: memref<128x128xf32, #tpu.memory_space<vmem>>, %arg17: memref<1x128xf32, #tpu.memory_space<vmem>>, %arg18: memref<64x128xf32, #tpu.memory_space<vmem>>, %arg19: memref<64x128xf32, #tpu.memory_space<vmem>>) attributes {dimension_semantics = [#tpu.dimension_semantics<arbitrary>], iteration_bounds = array<i64: 20>, scalar_prefetch = 0 : i64, scratch_operands = 1 : i64, tpu.core_type = #tpu.core_type<tc>, window_params = [{transform_indices = @transform_0, window_bounds = array<i64: 512, 128>}, {pipeline_mode = #tpu.pipeline_mode<synchronous>, transform_indices = @transform_1, window_bounds = array<i64: 2, 128>}, {pipeline_mode = #tpu.pipeline_mode<synchronous>, transform_indices = @transform_2, window_bounds = array<i64: 1, 128>}, {pipeline_mode = #tpu.pipeline_mode<synchronous>, transform_indices = @transform_3, window_bounds = array<i64: 1, 128>}, {transform_indices = @transform_4, window_bounds = array<i64: 1, 1, 512>}, {pipeline_mode = #tpu.pipeline_mode<synchronous>, transform_indices = @transform_5, window_bounds = array<i64: 1, 128>}, {pipeline_mode = #tpu.pipeline_mode<synchronous>, transform_indices = @transform_6, window_bounds = array<i64: 1, 128>}, {pipeline_mode = #tpu.pipeline_mode<synchronous>, transform_indices = @transform_7, window_bounds = array<i64: 1024, 128>}, {pipeline_mode = #tpu.pipeline_mode<synchronous>, transform_indices = @transform_8, window_bounds = array<i64: 1, 128>}, {pipeline_mode = #tpu.pipeline_mode<synchronous>, transform_indices = @transform_9, window_bounds = array<i64: 128, 128>}, {pipeline_mode = #tpu.pipeline_mode<synchronous>, transform_indices = @transform_10, window_bounds = array<i64: 1, 128>}, {pipeline_mode = #tpu.pipeline_mode<synchronous>, transform_indices = @transform_11, window_bounds = array<i64: 1, 128>}, {pipeline_mode = #tpu.pipeline_mode<synchronous>, transform_indices = @transform_12, window_bounds = array<i64: 1, 128>}, {pipeline_mode = #tpu.pipeline_mode<synchronous>, transform_indices = @transform_13, window_bounds = array<i64: 1024, 128>}, {pipeline_mode = #tpu.pipeline_mode<synchronous>, transform_indices = @transform_14, window_bounds = array<i64: 1, 128>}, {pipeline_mode = #tpu.pipeline_mode<synchronous>, transform_indices = @transform_15, window_bounds = array<i64: 128, 128>}, {pipeline_mode = #tpu.pipeline_mode<synchronous>, transform_indices = @transform_16, window_bounds = array<i64: 1, 128>}, {pipeline_mode = #tpu.pipeline_mode<synchronous>, transform_indices = @transform_17, window_bounds = array<i64: 64, 128>}]} {
    %get3A = arith.constant 0 : index
    %get3A_0 = arith.constant 0 : index
    %get3A_1 = vector.load %arg2[%get3A, %get3A_0] : memref<2x128xf32, #tpu.memory_space<vmem>>, vector<2x128xf32>
    %get3A_2 = arith.constant 0 : index
    %get3A_3 = arith.constant 0 : index
    %get3A_4 = vector.load %arg3[%get3A_2, %get3A_3] : memref<1x128xf32, #tpu.memory_space<vmem>>, vector<1x128xf32>
    %get3A_5 = arith.constant 0 : index
    %get3A_6 = arith.constant 0 : index
    %get3A_7 = vector.load %arg4[%get3A_5, %get3A_6] : memref<1x128xf32, #tpu.memory_space<vmem>>, vector<1x128xf32>
    %slice3A = vector.extract_strided_slice %get3A_1 {offsets = [0, 0], sizes = [1, 128], strides = [1, 1]} : vector<2x128xf32> to vector<1x128xf32>
    %mul3A = arith.constant 9.99999974E-5 : f32
    %mul3A_8 = vector.broadcast %mul3A : f32 to vector<1x128xf32>
    %mul3A_9 = arith.mulf %slice3A, %mul3A_8 : vector<1x128xf32>
    %slice3A_10 = vector.extract_strided_slice %get3A_1 {offsets = [1, 0], sizes = [1, 128], strides = [1, 1]} : vector<2x128xf32> to vector<1x128xf32>
    %mul3A_11 = arith.constant 9.99999974E-5 : f32
    %mul3A_12 = vector.broadcast %mul3A_11 : f32 to vector<1x128xf32>
    %mul3A_13 = arith.mulf %slice3A_10, %mul3A_12 : vector<1x128xf32>
    %mul3A_14 = arith.mulf %mul3A_9, %mul3A_9 : vector<1x128xf32>
    %sub3A = arith.subf %mul3A_13, %mul3A_14 : vector<1x128xf32>
    %add3A = arith.constant 9.99999974E-6 : f32
    %add3A_15 = vector.broadcast %add3A : f32 to vector<1x128xf32>
    %add3A_16 = arith.addf %sub3A, %add3A_15 : vector<1x128xf32>
    %rsqrt3A = math.rsqrt %add3A_16 : vector<1x128xf32>
    %mul3A_17 = arith.mulf %get3A_4, %rsqrt3A : vector<1x128xf32>
    %mul3A_18 = arith.mulf %mul3A_9, %mul3A_17 : vector<1x128xf32>
    %sub3A_19 = arith.subf %get3A_7, %mul3A_18 : vector<1x128xf32>
    %mul3A_20 = arith.constant 512 : i32
    %mul3A_21 = arith.muli %arg0, %mul3A_20 : i32
    %iota3A = tpu.iota {dimensions = array<i32: 0>} : vector<512x1xi32>
    %add3A_22 = vector.broadcast %mul3A_21 : i32 to vector<512x1xi32>
    %add3A_23 = arith.addi %add3A_22, %iota3A : vector<512x1xi32>
    %lt3A = arith.constant 10000 : i32
    %lt3A_24 = vector.broadcast %lt3A : i32 to vector<512x1xi32>
    %lt3A_25 = arith.cmpi slt, %add3A_23, %lt3A_24 : vector<512x1xi32>
    %get3A_26 = arith.constant 0 : index
    %get3A_27 = arith.constant 0 : index
    %get3A_28 = vector.load %arg1[%get3A_26, %get3A_27] : memref<512x128xf32, #tpu.memory_space<vmem>>, vector<512x128xf32>
    %mul3A_29 = vector.broadcast %mul3A_17 : vector<1x128xf32> to vector<512x128xf32>
    %mul3A_30 = arith.mulf %get3A_28, %mul3A_29 : vector<512x128xf32>
    %add3A_31 = vector.broadcast %sub3A_19 : vector<1x128xf32> to vector<512x128xf32>
    %add3A_32 = arith.addf %mul3A_30, %add3A_31 : vector<512x128xf32>
    %jit3A = arith.constant 0.000000e+00 : f32
    %broadcast_in_dim3A = vector.shape_cast %lt3A_25 : vector<512x1xi1> to vector<512x1xi1>
    %broadcast_in_dim3A_33 = vector.broadcast %broadcast_in_dim3A : vector<512x1xi1> to vector<512x128xi1>
    %broadcast_in_dim3A_34 = vector.broadcast %jit3A : f32 to vector<512x128xf32>
    %select_n3A = arith.select %broadcast_in_dim3A_33, %add3A_32, %broadcast_in_dim3A_34 : vector<512x128xi1>, vector<512x128xf32>
    %iota3A_35 = tpu.iota {dimensions = array<i32: 0>} : vector<64x512xi32>
    %get3A_36 = arith.constant 0 : index
    %get3A_37 = arith.constant 0 : index
    %get3A_38 = arith.constant 0 : index
    %get3A_39 = vector.load %arg5[%get3A_36, %get3A_37, %get3A_38] : memref<1x1x512xi32, #tpu.memory_space<vmem>>, vector<1x1x512xi32>
    %get3A_40 = vector.shape_cast %get3A_39 : vector<1x1x512xi32> to vector<1x512xi32>
    %broadcast_in_dim3A_41 = vector.shape_cast %get3A_40 : vector<1x512xi32> to vector<1x512xi32>
    %broadcast_in_dim3A_42 = vector.broadcast %broadcast_in_dim3A_41 : vector<1x512xi32> to vector<64x512xi32>
    %eq3A = arith.cmpi eq, %iota3A_35, %broadcast_in_dim3A_42 : vector<64x512xi32>
    %convert_element_type3A = arith.extui %eq3A : vector<64x512xi1> to vector<64x512xi32>
    %convert_element_type3A_43 = arith.sitofp %convert_element_type3A : vector<64x512xi32> to vector<64x512xf32>
    %dot_general3A = arith.constant dense<0.000000e+00> : vector<64x128xf32>
    %dot_general3A_44 = tpu.matmul %convert_element_type3A_43, %select_n3A, %dot_general3A {dimension_numbers = #tpu.dot_dimension_numbers<[1], [0], [0], [1], [0, 0, 1, 1], [], []>, transpose_lhs_hint = false} : vector<64x512xf32>, vector<512x128xf32>, vector<64x128xf32> -> vector<64x128xf32>
    %eq3A_45 = arith.constant 0 : i32
    %eq3A_46 = arith.cmpi eq, %arg0, %eq3A_45 : i32
    %convert_element_type3A_47 = arith.extui %eq3A_46 : i1 to i32
    %cond3A = arith.constant 0 : i32
    %cond3A_48 = arith.cmpi ne, %convert_element_type3A_47, %cond3A : i32
    scf.if %cond3A_48 {
      %swap3A = arith.constant 0 : index
      %swap3A_58 = arith.constant 0 : index
      %swap3A_59 = vector.load %arg19[%swap3A, %swap3A_58] : memref<64x128xf32, #tpu.memory_space<vmem>>, vector<64x128xf32>
      tpu.vector_store %arg19[%swap3A, %swap3A_58], %dot_general3A_44 {strides = array<i32>} : memref<64x128xf32, #tpu.memory_space<vmem>>, vector<64x128xf32>,
    } else {
    }
    %gt3A = arith.constant 0 : i32
    %gt3A_49 = arith.cmpi sgt, %arg0, %gt3A : i32
    %convert_element_type3A_50 = arith.extui %gt3A_49 : i1 to i32
    %cond3A_51 = arith.constant 0 : i32
    %cond3A_52 = arith.cmpi ne, %convert_element_type3A_50, %cond3A_51 : i32
    scf.if %cond3A_52 {
      %get3A_58 = arith.constant 0 : index
      %get3A_59 = arith.constant 0 : index
      %get3A_60 = vector.load %arg19[%get3A_58, %get3A_59] : memref<64x128xf32, #tpu.memory_space<vmem>>, vector<64x128xf32>
      %add3A_61 = arith.addf %get3A_60, %dot_general3A_44 : vector<64x128xf32>
      %swap3A = arith.constant 0 : index
      %swap3A_62 = arith.constant 0 : index
      %swap3A_63 = vector.load %arg19[%swap3A, %swap3A_62] : memref<64x128xf32, #tpu.memory_space<vmem>>, vector<64x128xf32>
      tpu.vector_store %arg19[%swap3A, %swap3A_62], %add3A_61 {strides = array<i32>} : memref<64x128xf32, #tpu.memory_space<vmem>>, vector<64x128xf32>,
    } else {
    }
    %eq3A_53 = arith.constant 19 : i32
    %eq3A_54 = arith.cmpi eq, %arg0, %eq3A_53 : i32
    %convert_element_type3A_55 = arith.extui %eq3A_54 : i1 to i32
    %cond3A_56 = arith.constant 0 : i32
    %cond3A_57 = arith.cmpi ne, %convert_element_type3A_55, %cond3A_56 : i32
    scf.if %cond3A_57 {
      %get3A_58 = arith.constant 0 : index
      %get3A_59 = arith.constant 0 : index
      %get3A_60 = vector.load %arg19[%get3A_58, %get3A_59] : memref<64x128xf32, #tpu.memory_space<vmem>>, vector<64x128xf32>
      %get3A_61 = arith.constant 0 : index
      %get3A_62 = arith.constant 0 : index
      %get3A_63 = vector.load %arg6[%get3A_61, %get3A_62] : memref<1x128xf32, #tpu.memory_space<vmem>>, vector<1x128xf32>
      %get3A_64 = arith.constant 0 : index
      %get3A_65 = arith.constant 0 : index
      %get3A_66 = vector.load %arg7[%get3A_64, %get3A_65] : memref<1x128xf32, #tpu.memory_space<vmem>>, vector<1x128xf32>
      %get3A_67 = arith.constant 0 : index
      %get3A_68 = arith.constant 0 : index
      %get3A_69 = vector.load %arg8[%get3A_67, %get3A_68] : memref<1024x128xf32, #tpu.memory_space<vmem>>, vector<1024x128xf32>
      %get3A_70 = arith.constant 0 : index
      %get3A_71 = arith.constant 0 : index
      %get3A_72 = vector.load %arg9[%get3A_70, %get3A_71] : memref<1x128xf32, #tpu.memory_space<vmem>>, vector<1x128xf32>
      %get3A_73 = arith.constant 0 : index
      %get3A_74 = arith.constant 0 : index
      %get3A_75 = vector.load %arg10[%get3A_73, %get3A_74] : memref<128x128xf32, #tpu.memory_space<vmem>>, vector<128x128xf32>
      %get3A_76 = arith.constant 0 : index
      %get3A_77 = arith.constant 0 : index
      %get3A_78 = vector.load %arg11[%get3A_76, %get3A_77] : memref<1x128xf32, #tpu.memory_space<vmem>>, vector<1x128xf32>
      %reduce_sum3A = arith.constant dense<0.000000e+00> : vector<64xf32>
      %reduce_sum3A_79 = vector.multi_reduction <add>, %get3A_60, %reduce_sum3A [1] : vector<64x128xf32> to vector<64xf32>
      %broadcast_in_dim3A_80 = vector.shape_cast %reduce_sum3A_79 : vector<64xf32> to vector<64x1xf32>
      %div3A = arith.constant 1.280000e+02 : f32
      %div3A_81 = vector.broadcast %div3A : f32 to vector<64x1xf32>
      %div3A_82 = arith.divf %broadcast_in_dim3A_80, %div3A_81 : vector<64x1xf32>
      %sub3A_83 = vector.broadcast %div3A_82 : vector<64x1xf32> to vector<64x128xf32>
      %sub3A_84 = arith.subf %get3A_60, %sub3A_83 : vector<64x128xf32>
      %mul3A_85 = arith.mulf %sub3A_84, %sub3A_84 : vector<64x128xf32>
      %reduce_sum3A_86 = arith.constant dense<0.000000e+00> : vector<64xf32>
      %reduce_sum3A_87 = vector.multi_reduction <add>, %mul3A_85, %reduce_sum3A_86 [1] : vector<64x128xf32> to vector<64xf32>
      %broadcast_in_dim3A_88 = vector.shape_cast %reduce_sum3A_87 : vector<64xf32> to vector<64x1xf32>
      %div3A_89 = arith.constant 1.280000e+02 : f32
      %div3A_90 = vector.broadcast %div3A_89 : f32 to vector<64x1xf32>
      %div3A_91 = arith.divf %broadcast_in_dim3A_88, %div3A_90 : vector<64x1xf32>
      %add3A_92 = arith.constant 9.99999974E-6 : f32
      %add3A_93 = vector.broadcast %add3A_92 : f32 to vector<64x1xf32>
      %add3A_94 = arith.addf %div3A_91, %add3A_93 : vector<64x1xf32>
      %rsqrt3A_95 = math.rsqrt %add3A_94 : vector<64x1xf32>
      %mul3A_96 = vector.broadcast %rsqrt3A_95 : vector<64x1xf32> to vector<64x128xf32>
      %mul3A_97 = arith.mulf %sub3A_84, %mul3A_96 : vector<64x128xf32>
      %mul3A_98 = vector.broadcast %get3A_63 : vector<1x128xf32> to vector<64x128xf32>
      %mul3A_99 = arith.mulf %mul3A_97, %mul3A_98 : vector<64x128xf32>
      %add3A_100 = vector.broadcast %get3A_66 : vector<1x128xf32> to vector<64x128xf32>
      %add3A_101 = arith.addf %mul3A_99, %add3A_100 : vector<64x128xf32>
      %sub3A_102 = arith.constant -2.000000e+00 : f32
      %sub3A_103 = vector.broadcast %sub3A_102 : f32 to vector<64x128xf32>
      %sub3A_104 = arith.subf %add3A_101, %sub3A_103 : vector<64x128xf32>
      %mul3A_105 = arith.constant 1.750000e+00 : f32
      %mul3A_106 = vector.broadcast %mul3A_105 : f32 to vector<64x128xf32>
      %mul3A_107 = arith.mulf %sub3A_104, %mul3A_106 : vector<64x128xf32>
      %mul3A_108 = arith.mulf %mul3A_107, %mul3A_107 : vector<64x128xf32>
      %neg3A = arith.constant 0.000000e+00 : f32
      %neg3A_109 = vector.broadcast %neg3A : f32 to vector<64x128xf32>
      %neg3A_110 = arith.subf %neg3A_109, %mul3A_108 : vector<64x128xf32>
      %exp3A = math.exp %neg3A_110 : vector<64x128xf32>
      %sub3A_111 = arith.constant -1.42857146 : f32
      %sub3A_112 = vector.broadcast %sub3A_111 : f32 to vector<64x128xf32>
      %sub3A_113 = arith.subf %add3A_101, %sub3A_112 : vector<64x128xf32>
      %mul3A_114 = arith.constant 1.750000e+00 : f32
      %mul3A_115 = vector.broadcast %mul3A_114 : f32 to vector<64x128xf32>
      %mul3A_116 = arith.mulf %sub3A_113, %mul3A_115 : vector<64x128xf32>
      %mul3A_117 = arith.mulf %mul3A_116, %mul3A_116 : vector<64x128xf32>
      %neg3A_118 = arith.constant 0.000000e+00 : f32
      %neg3A_119 = vector.broadcast %neg3A_118 : f32 to vector<64x128xf32>
      %neg3A_120 = arith.subf %neg3A_119, %mul3A_117 : vector<64x128xf32>
      %exp3A_121 = math.exp %neg3A_120 : vector<64x128xf32>
      %sub3A_122 = arith.constant -0.857142865 : f32
      %sub3A_123 = vector.broadcast %sub3A_122 : f32 to vector<64x128xf32>
      %sub3A_124 = arith.subf %add3A_101, %sub3A_123 : vector<64x128xf32>
      %mul3A_125 = arith.constant 1.750000e+00 : f32
      %mul3A_126 = vector.broadcast %mul3A_125 : f32 to vector<64x128xf32>
      %mul3A_127 = arith.mulf %sub3A_124, %mul3A_126 : vector<64x128xf32>
      %mul3A_128 = arith.mulf %mul3A_127, %mul3A_127 : vector<64x128xf32>
      %neg3A_129 = arith.constant 0.000000e+00 : f32
      %neg3A_130 = vector.broadcast %neg3A_129 : f32 to vector<64x128xf32>
      %neg3A_131 = arith.subf %neg3A_130, %mul3A_128 : vector<64x128xf32>
      %exp3A_132 = math.exp %neg3A_131 : vector<64x128xf32>
      %sub3A_133 = arith.constant -0.285714298 : f32
      %sub3A_134 = vector.broadcast %sub3A_133 : f32 to vector<64x128xf32>
      %sub3A_135 = arith.subf %add3A_101, %sub3A_134 : vector<64x128xf32>
      %mul3A_136 = arith.constant 1.750000e+00 : f32
      %mul3A_137 = vector.broadcast %mul3A_136 : f32 to vector<64x128xf32>
      %mul3A_138 = arith.mulf %sub3A_135, %mul3A_137 : vector<64x128xf32>
      %mul3A_139 = arith.mulf %mul3A_138, %mul3A_138 : vector<64x128xf32>
      %neg3A_140 = arith.constant 0.000000e+00 : f32
      %neg3A_141 = vector.broadcast %neg3A_140 : f32 to vector<64x128xf32>
      %neg3A_142 = arith.subf %neg3A_141, %mul3A_139 : vector<64x128xf32>
      %exp3A_143 = math.exp %neg3A_142 : vector<64x128xf32>
      %sub3A_144 = arith.constant 0.285714298 : f32
      %sub3A_145 = vector.broadcast %sub3A_144 : f32 to vector<64x128xf32>
      %sub3A_146 = arith.subf %add3A_101, %sub3A_145 : vector<64x128xf32>
      %mul3A_147 = arith.constant 1.750000e+00 : f32
      %mul3A_148 = vector.broadcast %mul3A_147 : f32 to vector<64x128xf32>
      %mul3A_149 = arith.mulf %sub3A_146, %mul3A_148 : vector<64x128xf32>
      %mul3A_150 = arith.mulf %mul3A_149, %mul3A_149 : vector<64x128xf32>
      %neg3A_151 = arith.constant 0.000000e+00 : f32
      %neg3A_152 = vector.broadcast %neg3A_151 : f32 to vector<64x128xf32>
      %neg3A_153 = arith.subf %neg3A_152, %mul3A_150 : vector<64x128xf32>
      %exp3A_154 = math.exp %neg3A_153 : vector<64x128xf32>
      %sub3A_155 = arith.constant 0.857142865 : f32
      %sub3A_156 = vector.broadcast %sub3A_155 : f32 to vector<64x128xf32>
      %sub3A_157 = arith.subf %add3A_101, %sub3A_156 : vector<64x128xf32>
      %mul3A_158 = arith.constant 1.750000e+00 : f32
      %mul3A_159 = vector.broadcast %mul3A_158 : f32 to vector<64x128xf32>
      %mul3A_160 = arith.mulf %sub3A_157, %mul3A_159 : vector<64x128xf32>
      %mul3A_161 = arith.mulf %mul3A_160, %mul3A_160 : vector<64x128xf32>
      %neg3A_162 = arith.constant 0.000000e+00 : f32
      %neg3A_163 = vector.broadcast %neg3A_162 : f32 to vector<64x128xf32>
      %neg3A_164 = arith.subf %neg3A_163, %mul3A_161 : vector<64x128xf32>
      %exp3A_165 = math.exp %neg3A_164 : vector<64x128xf32>
      %sub3A_166 = arith.constant 1.42857146 : f32
      %sub3A_167 = vector.broadcast %sub3A_166 : f32 to vector<64x128xf32>
      %sub3A_168 = arith.subf %add3A_101, %sub3A_167 : vector<64x128xf32>
      %mul3A_169 = arith.constant 1.750000e+00 : f32
      %mul3A_170 = vector.broadcast %mul3A_169 : f32 to vector<64x128xf32>
      %mul3A_171 = arith.mulf %sub3A_168, %mul3A_170 : vector<64x128xf32>
      %mul3A_172 = arith.mulf %mul3A_171, %mul3A_171 : vector<64x128xf32>
      %neg3A_173 = arith.constant 0.000000e+00 : f32
      %neg3A_174 = vector.broadcast %neg3A_173 : f32 to vector<64x128xf32>
      %neg3A_175 = arith.subf %neg3A_174, %mul3A_172 : vector<64x128xf32>
      %exp3A_176 = math.exp %neg3A_175 : vector<64x128xf32>
      %sub3A_177 = arith.constant 2.000000e+00 : f32
      %sub3A_178 = vector.broadcast %sub3A_177 : f32 to vector<64x128xf32>
      %sub3A_179 = arith.subf %add3A_101, %sub3A_178 : vector<64x128xf32>
      %mul3A_180 = arith.constant 1.750000e+00 : f32
      %mul3A_181 = vector.broadcast %mul3A_180 : f32 to vector<64x128xf32>
      %mul3A_182 = arith.mulf %sub3A_179, %mul3A_181 : vector<64x128xf32>
      %mul3A_183 = arith.mulf %mul3A_182, %mul3A_182 : vector<64x128xf32>
      %neg3A_184 = arith.constant 0.000000e+00 : f32
      %neg3A_185 = vector.broadcast %neg3A_184 : f32 to vector<64x128xf32>
      %neg3A_186 = arith.subf %neg3A_185, %mul3A_183 : vector<64x128xf32>
      %exp3A_187 = math.exp %neg3A_186 : vector<64x128xf32>
      %concatenate3A = tpu.concatenate %exp3A, %exp3A_121, %exp3A_132, %exp3A_143, %exp3A_154, %exp3A_165, %exp3A_176, %exp3A_187 in 1 : vector<64x128xf32>, vector<64x128xf32>, vector<64x128xf32>, vector<64x128xf32>, vector<64x128xf32>, vector<64x128xf32>, vector<64x128xf32>, vector<64x128xf32> -> vector<64x1024xf32>
      %logistic3A = arith.negf %add3A_101 : vector<64x128xf32>
      %logistic3A_188 = math.exp %logistic3A : vector<64x128xf32>
      %logistic3A_189 = arith.constant 1.000000e+00 : f32
      %logistic3A_190 = vector.broadcast %logistic3A_189 : f32 to vector<64x128xf32>
      %logistic3A_191 = arith.addf %logistic3A_190, %logistic3A_188 : vector<64x128xf32>
      %logistic3A_192 = arith.divf %logistic3A_190, %logistic3A_191 : vector<64x128xf32>
      %mul3A_193 = arith.mulf %add3A_101, %logistic3A_192 : vector<64x128xf32>
      %dot_general3A_194 = arith.constant dense<0.000000e+00> : vector<64x128xf32>
      %dot_general3A_195 = tpu.matmul %concatenate3A, %get3A_69, %dot_general3A_194 {dimension_numbers = #tpu.dot_dimension_numbers<[1], [0], [0], [1], [0, 0, 1, 1], [], []>, transpose_lhs_hint = false} : vector<64x1024xf32>, vector<1024x128xf32>, vector<64x128xf32> -> vector<64x128xf32>
      %add3A_196 = vector.broadcast %get3A_72 : vector<1x128xf32> to vector<64x128xf32>
      %add3A_197 = arith.addf %dot_general3A_195, %add3A_196 : vector<64x128xf32>
      %dot_general3A_198 = arith.constant dense<0.000000e+00> : vector<64x128xf32>
      %dot_general3A_199 = tpu.matmul %mul3A_193, %get3A_75, %dot_general3A_198 {dimension_numbers = #tpu.dot_dimension_numbers<[1], [0], [0], [1], [0, 0, 1, 1], [], []>, transpose_lhs_hint = false} : vector<64x128xf32>, vector<128x128xf32>, vector<64x128xf32> -> vector<64x128xf32>
      %add3A_200 = arith.addf %add3A_197, %dot_general3A_199 : vector<64x128xf32>
      %add3A_201 = vector.broadcast %get3A_78 : vector<1x128xf32> to vector<64x128xf32>
      %add3A_202 = arith.addf %add3A_200, %add3A_201 : vector<64x128xf32>
      %get3A_203 = arith.constant 0 : index
      %get3A_204 = arith.constant 0 : index
      %get3A_205 = vector.load %arg12[%get3A_203, %get3A_204] : memref<1x128xf32, #tpu.memory_space<vmem>>, vector<1x128xf32>
      %get3A_206 = arith.constant 0 : index
      %get3A_207 = arith.constant 0 : index
      %get3A_208 = vector.load %arg13[%get3A_206, %get3A_207] : memref<1x128xf32, #tpu.memory_space<vmem>>, vector<1x128xf32>
      %get3A_209 = arith.constant 0 : index
      %get3A_210 = arith.constant 0 : index
      %get3A_211 = vector.load %arg14[%get3A_209, %get3A_210] : memref<1024x128xf32, #tpu.memory_space<vmem>>, vector<1024x128xf32>
      %get3A_212 = arith.constant 0 : index
      %get3A_213 = arith.constant 0 : index
      %get3A_214 = vector.load %arg15[%get3A_212, %get3A_213] : memref<1x128xf32, #tpu.memory_space<vmem>>, vector<1x128xf32>
      %get3A_215 = arith.constant 0 : index
      %get3A_216 = arith.constant 0 : index
      %get3A_217 = vector.load %arg16[%get3A_215, %get3A_216] : memref<128x128xf32, #tpu.memory_space<vmem>>, vector<128x128xf32>
      %get3A_218 = arith.constant 0 : index
      %get3A_219 = arith.constant 0 : index
      %get3A_220 = vector.load %arg17[%get3A_218, %get3A_219] : memref<1x128xf32, #tpu.memory_space<vmem>>, vector<1x128xf32>
      %reduce_sum3A_221 = arith.constant dense<0.000000e+00> : vector<64xf32>
      %reduce_sum3A_222 = vector.multi_reduction <add>, %add3A_202, %reduce_sum3A_221 [1] : vector<64x128xf32> to vector<64xf32>
      %broadcast_in_dim3A_223 = vector.shape_cast %reduce_sum3A_222 : vector<64xf32> to vector<64x1xf32>
      %div3A_224 = arith.constant 1.280000e+02 : f32
      %div3A_225 = vector.broadcast %div3A_224 : f32 to vector<64x1xf32>
      %div3A_226 = arith.divf %broadcast_in_dim3A_223, %div3A_225 : vector<64x1xf32>
      %sub3A_227 = vector.broadcast %div3A_226 : vector<64x1xf32> to vector<64x128xf32>
      %sub3A_228 = arith.subf %add3A_202, %sub3A_227 : vector<64x128xf32>
      %mul3A_229 = arith.mulf %sub3A_228, %sub3A_228 : vector<64x128xf32>
      %reduce_sum3A_230 = arith.constant dense<0.000000e+00> : vector<64xf32>
      %reduce_sum3A_231 = vector.multi_reduction <add>, %mul3A_229, %reduce_sum3A_230 [1] : vector<64x128xf32> to vector<64xf32>
      %broadcast_in_dim3A_232 = vector.shape_cast %reduce_sum3A_231 : vector<64xf32> to vector<64x1xf32>
      %div3A_233 = arith.constant 1.280000e+02 : f32
      %div3A_234 = vector.broadcast %div3A_233 : f32 to vector<64x1xf32>
      %div3A_235 = arith.divf %broadcast_in_dim3A_232, %div3A_234 : vector<64x1xf32>
      %add3A_236 = arith.constant 9.99999974E-6 : f32
      %add3A_237 = vector.broadcast %add3A_236 : f32 to vector<64x1xf32>
      %add3A_238 = arith.addf %div3A_235, %add3A_237 : vector<64x1xf32>
      %rsqrt3A_239 = math.rsqrt %add3A_238 : vector<64x1xf32>
      %mul3A_240 = vector.broadcast %rsqrt3A_239 : vector<64x1xf32> to vector<64x128xf32>
      %mul3A_241 = arith.mulf %sub3A_228, %mul3A_240 : vector<64x128xf32>
      %mul3A_242 = vector.broadcast %get3A_205 : vector<1x128xf32> to vector<64x128xf32>
      %mul3A_243 = arith.mulf %mul3A_241, %mul3A_242 : vector<64x128xf32>
      %add3A_244 = vector.broadcast %get3A_208 : vector<1x128xf32> to vector<64x128xf32>
      %add3A_245 = arith.addf %mul3A_243, %add3A_244 : vector<64x128xf32>
      %sub3A_246 = arith.constant -2.000000e+00 : f32
      %sub3A_247 = vector.broadcast %sub3A_246 : f32 to vector<64x128xf32>
      %sub3A_248 = arith.subf %add3A_245, %sub3A_247 : vector<64x128xf32>
      %mul3A_249 = arith.constant 1.750000e+00 : f32
      %mul3A_250 = vector.broadcast %mul3A_249 : f32 to vector<64x128xf32>
      %mul3A_251 = arith.mulf %sub3A_248, %mul3A_250 : vector<64x128xf32>
      %mul3A_252 = arith.mulf %mul3A_251, %mul3A_251 : vector<64x128xf32>
      %neg3A_253 = arith.constant 0.000000e+00 : f32
      %neg3A_254 = vector.broadcast %neg3A_253 : f32 to vector<64x128xf32>
      %neg3A_255 = arith.subf %neg3A_254, %mul3A_252 : vector<64x128xf32>
      %exp3A_256 = math.exp %neg3A_255 : vector<64x128xf32>
      %sub3A_257 = arith.constant -1.42857146 : f32
      %sub3A_258 = vector.broadcast %sub3A_257 : f32 to vector<64x128xf32>
      %sub3A_259 = arith.subf %add3A_245, %sub3A_258 : vector<64x128xf32>
      %mul3A_260 = arith.constant 1.750000e+00 : f32
      %mul3A_261 = vector.broadcast %mul3A_260 : f32 to vector<64x128xf32>
      %mul3A_262 = arith.mulf %sub3A_259, %mul3A_261 : vector<64x128xf32>
      %mul3A_263 = arith.mulf %mul3A_262, %mul3A_262 : vector<64x128xf32>
      %neg3A_264 = arith.constant 0.000000e+00 : f32
      %neg3A_265 = vector.broadcast %neg3A_264 : f32 to vector<64x128xf32>
      %neg3A_266 = arith.subf %neg3A_265, %mul3A_263 : vector<64x128xf32>
      %exp3A_267 = math.exp %neg3A_266 : vector<64x128xf32>
      %sub3A_268 = arith.constant -0.857142865 : f32
      %sub3A_269 = vector.broadcast %sub3A_268 : f32 to vector<64x128xf32>
      %sub3A_270 = arith.subf %add3A_245, %sub3A_269 : vector<64x128xf32>
      %mul3A_271 = arith.constant 1.750000e+00 : f32
      %mul3A_272 = vector.broadcast %mul3A_271 : f32 to vector<64x128xf32>
      %mul3A_273 = arith.mulf %sub3A_270, %mul3A_272 : vector<64x128xf32>
      %mul3A_274 = arith.mulf %mul3A_273, %mul3A_273 : vector<64x128xf32>
      %neg3A_275 = arith.constant 0.000000e+00 : f32
      %neg3A_276 = vector.broadcast %neg3A_275 : f32 to vector<64x128xf32>
      %neg3A_277 = arith.subf %neg3A_276, %mul3A_274 : vector<64x128xf32>
      %exp3A_278 = math.exp %neg3A_277 : vector<64x128xf32>
      %sub3A_279 = arith.constant -0.285714298 : f32
      %sub3A_280 = vector.broadcast %sub3A_279 : f32 to vector<64x128xf32>
      %sub3A_281 = arith.subf %add3A_245, %sub3A_280 : vector<64x128xf32>
      %mul3A_282 = arith.constant 1.750000e+00 : f32
      %mul3A_283 = vector.broadcast %mul3A_282 : f32 to vector<64x128xf32>
      %mul3A_284 = arith.mulf %sub3A_281, %mul3A_283 : vector<64x128xf32>
      %mul3A_285 = arith.mulf %mul3A_284, %mul3A_284 : vector<64x128xf32>
      %neg3A_286 = arith.constant 0.000000e+00 : f32
      %neg3A_287 = vector.broadcast %neg3A_286 : f32 to vector<64x128xf32>
      %neg3A_288 = arith.subf %neg3A_287, %mul3A_285 : vector<64x128xf32>
      %exp3A_289 = math.exp %neg3A_288 : vector<64x128xf32>
      %sub3A_290 = arith.constant 0.285714298 : f32
      %sub3A_291 = vector.broadcast %sub3A_290 : f32 to vector<64x128xf32>
      %sub3A_292 = arith.subf %add3A_245, %sub3A_291 : vector<64x128xf32>
      %mul3A_293 = arith.constant 1.750000e+00 : f32
      %mul3A_294 = vector.broadcast %mul3A_293 : f32 to vector<64x128xf32>
      %mul3A_295 = arith.mulf %sub3A_292, %mul3A_294 : vector<64x128xf32>
      %mul3A_296 = arith.mulf %mul3A_295, %mul3A_295 : vector<64x128xf32>
      %neg3A_297 = arith.constant 0.000000e+00 : f32
      %neg3A_298 = vector.broadcast %neg3A_297 : f32 to vector<64x128xf32>
      %neg3A_299 = arith.subf %neg3A_298, %mul3A_296 : vector<64x128xf32>
      %exp3A_300 = math.exp %neg3A_299 : vector<64x128xf32>
      %sub3A_301 = arith.constant 0.857142865 : f32
      %sub3A_302 = vector.broadcast %sub3A_301 : f32 to vector<64x128xf32>
      %sub3A_303 = arith.subf %add3A_245, %sub3A_302 : vector<64x128xf32>
      %mul3A_304 = arith.constant 1.750000e+00 : f32
      %mul3A_305 = vector.broadcast %mul3A_304 : f32 to vector<64x128xf32>
      %mul3A_306 = arith.mulf %sub3A_303, %mul3A_305 : vector<64x128xf32>
      %mul3A_307 = arith.mulf %mul3A_306, %mul3A_306 : vector<64x128xf32>
      %neg3A_308 = arith.constant 0.000000e+00 : f32
      %neg3A_309 = vector.broadcast %neg3A_308 : f32 to vector<64x128xf32>
      %neg3A_310 = arith.subf %neg3A_309, %mul3A_307 : vector<64x128xf32>
      %exp3A_311 = math.exp %neg3A_310 : vector<64x128xf32>
      %sub3A_312 = arith.constant 1.42857146 : f32
      %sub3A_313 = vector.broadcast %sub3A_312 : f32 to vector<64x128xf32>
      %sub3A_314 = arith.subf %add3A_245, %sub3A_313 : vector<64x128xf32>
      %mul3A_315 = arith.constant 1.750000e+00 : f32
      %mul3A_316 = vector.broadcast %mul3A_315 : f32 to vector<64x128xf32>
      %mul3A_317 = arith.mulf %sub3A_314, %mul3A_316 : vector<64x128xf32>
      %mul3A_318 = arith.mulf %mul3A_317, %mul3A_317 : vector<64x128xf32>
      %neg3A_319 = arith.constant 0.000000e+00 : f32
      %neg3A_320 = vector.broadcast %neg3A_319 : f32 to vector<64x128xf32>
      %neg3A_321 = arith.subf %neg3A_320, %mul3A_318 : vector<64x128xf32>
      %exp3A_322 = math.exp %neg3A_321 : vector<64x128xf32>
      %sub3A_323 = arith.constant 2.000000e+00 : f32
      %sub3A_324 = vector.broadcast %sub3A_323 : f32 to vector<64x128xf32>
      %sub3A_325 = arith.subf %add3A_245, %sub3A_324 : vector<64x128xf32>
      %mul3A_326 = arith.constant 1.750000e+00 : f32
      %mul3A_327 = vector.broadcast %mul3A_326 : f32 to vector<64x128xf32>
      %mul3A_328 = arith.mulf %sub3A_325, %mul3A_327 : vector<64x128xf32>
      %mul3A_329 = arith.mulf %mul3A_328, %mul3A_328 : vector<64x128xf32>
      %neg3A_330 = arith.constant 0.000000e+00 : f32
      %neg3A_331 = vector.broadcast %neg3A_330 : f32 to vector<64x128xf32>
      %neg3A_332 = arith.subf %neg3A_331, %mul3A_329 : vector<64x128xf32>
      %exp3A_333 = math.exp %neg3A_332 : vector<64x128xf32>
      %concatenate3A_334 = tpu.concatenate %exp3A_256, %exp3A_267, %exp3A_278, %exp3A_289, %exp3A_300, %exp3A_311, %exp3A_322, %exp3A_333 in 1 : vector<64x128xf32>, vector<64x128xf32>, vector<64x128xf32>, vector<64x128xf32>, vector<64x128xf32>, vector<64x128xf32>, vector<64x128xf32>, vector<64x128xf32> -> vector<64x1024xf32>
      %logistic3A_335 = arith.negf %add3A_245 : vector<64x128xf32>
      %logistic3A_336 = math.exp %logistic3A_335 : vector<64x128xf32>
      %logistic3A_337 = arith.constant 1.000000e+00 : f32
      %logistic3A_338 = vector.broadcast %logistic3A_337 : f32 to vector<64x128xf32>
      %logistic3A_339 = arith.addf %logistic3A_338, %logistic3A_336 : vector<64x128xf32>
      %logistic3A_340 = arith.divf %logistic3A_338, %logistic3A_339 : vector<64x128xf32>
      %mul3A_341 = arith.mulf %add3A_245, %logistic3A_340 : vector<64x128xf32>
      %dot_general3A_342 = arith.constant dense<0.000000e+00> : vector<64x128xf32>
      %dot_general3A_343 = tpu.matmul %concatenate3A_334, %get3A_211, %dot_general3A_342 {dimension_numbers = #tpu.dot_dimension_numbers<[1], [0], [0], [1], [0, 0, 1, 1], [], []>, transpose_lhs_hint = false} : vector<64x1024xf32>, vector<1024x128xf32>, vector<64x128xf32> -> vector<64x128xf32>
      %add3A_344 = vector.broadcast %get3A_214 : vector<1x128xf32> to vector<64x128xf32>
      %add3A_345 = arith.addf %dot_general3A_343, %add3A_344 : vector<64x128xf32>
      %dot_general3A_346 = arith.constant dense<0.000000e+00> : vector<64x128xf32>
      %dot_general3A_347 = tpu.matmul %mul3A_341, %get3A_217, %dot_general3A_346 {dimension_numbers = #tpu.dot_dimension_numbers<[1], [0], [0], [1], [0, 0, 1, 1], [], []>, transpose_lhs_hint = false} : vector<64x128xf32>, vector<128x128xf32>, vector<64x128xf32> -> vector<64x128xf32>
      %add3A_348 = arith.addf %add3A_345, %dot_general3A_347 : vector<64x128xf32>
      %add3A_349 = vector.broadcast %get3A_220 : vector<1x128xf32> to vector<64x128xf32>
      %add3A_350 = arith.addf %add3A_348, %add3A_349 : vector<64x128xf32>
      %iota3A_351 = tpu.iota {dimensions = array<i32: 1>} : vector<64x128xi32>
      %lt3A_352 = arith.constant 10 : i32
      %lt3A_353 = vector.broadcast %lt3A_352 : i32 to vector<64x128xi32>
      %lt3A_354 = arith.cmpi slt, %iota3A_351, %lt3A_353 : vector<64x128xi32>
      %jit3A_355 = arith.constant -1.000000e+30 : f32
      %broadcast_in_dim3A_356 = vector.broadcast %jit3A_355 : f32 to vector<64x128xf32>
      %select_n3A_357 = arith.select %lt3A_354, %add3A_350, %broadcast_in_dim3A_356 : vector<64x128xi1>, vector<64x128xf32>
      %reduce_max3A = arith.constant dense<0xFF800000> : vector<64xf32>
      %reduce_max3A_358 = vector.multi_reduction <maximumf>, %select_n3A_357, %reduce_max3A [1] : vector<64x128xf32> to vector<64xf32>
      %broadcast_in_dim3A_359 = vector.shape_cast %reduce_max3A_358 : vector<64xf32> to vector<64x1xf32>
      %sub3A_360 = vector.broadcast %broadcast_in_dim3A_359 : vector<64x1xf32> to vector<64x128xf32>
      %sub3A_361 = arith.subf %select_n3A_357, %sub3A_360 : vector<64x128xf32>
      %exp3A_362 = math.exp %sub3A_361 : vector<64x128xf32>
      %sub3A_363 = vector.broadcast %broadcast_in_dim3A_359 : vector<64x1xf32> to vector<64x128xf32>
      %sub3A_364 = arith.subf %select_n3A_357, %sub3A_363 : vector<64x128xf32>
      %reduce_sum3A_365 = arith.constant dense<0.000000e+00> : vector<64xf32>
      %reduce_sum3A_366 = vector.multi_reduction <add>, %exp3A_362, %reduce_sum3A_365 [1] : vector<64x128xf32> to vector<64xf32>
      %broadcast_in_dim3A_367 = vector.shape_cast %reduce_sum3A_366 : vector<64xf32> to vector<64x1xf32>
      %log3A = math.log %broadcast_in_dim3A_367 : vector<64x1xf32>
      %sub3A_368 = vector.broadcast %log3A : vector<64x1xf32> to vector<64x128xf32>
      %sub3A_369 = arith.subf %sub3A_364, %sub3A_368 : vector<64x128xf32>
      %swap3A = arith.constant 0 : index
      %swap3A_370 = arith.constant 0 : index
      %swap3A_371 = vector.load %arg18[%swap3A, %swap3A_370] : memref<64x128xf32, #tpu.memory_space<vmem>>, vector<64x128xf32>
      tpu.vector_store %arg18[%swap3A, %swap3A_370], %sub3A_369 {strides = array<i32>} : memref<64x128xf32, #tpu.memory_space<vmem>>, vector<64x128xf32>,
    } else {
    }
    return
  }
  func.func @transform_0(%arg0: i32) -> (i32, i32) {
    %c0_i32 = arith.constant 0 : i32
    %c0_i32_0 = arith.constant 0 : i32
    return %arg0, %c0_i32 : i32, i32
  }
  func.func @transform_1(%arg0: i32) -> (i32, i32) {
    %c0_i32 = arith.constant 0 : i32
    %c0_i32_0 = arith.constant 0 : i32
    %c0_i32_1 = arith.constant 0 : i32
    return %c0_i32, %c0_i32_0 : i32, i32
  }
  func.func @transform_2(%arg0: i32) -> (i32, i32) {
    %c0_i32 = arith.constant 0 : i32
    %c0_i32_0 = arith.constant 0 : i32
    %c0_i32_1 = arith.constant 0 : i32
    return %c0_i32, %c0_i32_0 : i32, i32
  }
  func.func @transform_3(%arg0: i32) -> (i32, i32) {
    %c0_i32 = arith.constant 0 : i32
    %c0_i32_0 = arith.constant 0 : i32
    %c0_i32_1 = arith.constant 0 : i32
    return %c0_i32, %c0_i32_0 : i32, i32
  }
  func.func @transform_4(%arg0: i32) -> (i32, i32, i32) {
    %c0_i32 = arith.constant 0 : i32
    %c0_i32_0 = arith.constant 0 : i32
    %c0_i32_1 = arith.constant 0 : i32
    return %arg0, %c0_i32, %c0_i32_0 : i32, i32, i32
  }
  func.func @transform_5(%arg0: i32) -> (i32, i32) {
    %c0_i32 = arith.constant 0 : i32
    %c0_i32_0 = arith.constant 0 : i32
    %c0_i32_1 = arith.constant 0 : i32
    return %c0_i32, %c0_i32_0 : i32, i32
  }
  func.func @transform_6(%arg0: i32) -> (i32, i32) {
    %c0_i32 = arith.constant 0 : i32
    %c0_i32_0 = arith.constant 0 : i32
    %c0_i32_1 = arith.constant 0 : i32
    return %c0_i32, %c0_i32_0 : i32, i32
  }
  func.func @transform_7(%arg0: i32) -> (i32, i32) {
    %c0_i32 = arith.constant 0 : i32
    %c0_i32_0 = arith.constant 0 : i32
    %c0_i32_1 = arith.constant 0 : i32
    return %c0_i32, %c0_i32_0 : i32, i32
  }
  func.func @transform_8(%arg0: i32) -> (i32, i32) {
    %c0_i32 = arith.constant 0 : i32
    %c0_i32_0 = arith.constant 0 : i32
    %c0_i32_1 = arith.constant 0 : i32
    return %c0_i32, %c0_i32_0 : i32, i32
  }
  func.func @transform_9(%arg0: i32) -> (i32, i32) {
    %c0_i32 = arith.constant 0 : i32
    %c0_i32_0 = arith.constant 0 : i32
    %c0_i32_1 = arith.constant 0 : i32
    return %c0_i32, %c0_i32_0 : i32, i32
  }
  func.func @transform_10(%arg0: i32) -> (i32, i32) {
    %c0_i32 = arith.constant 0 : i32
    %c0_i32_0 = arith.constant 0 : i32
    %c0_i32_1 = arith.constant 0 : i32
    return %c0_i32, %c0_i32_0 : i32, i32
  }
  func.func @transform_11(%arg0: i32) -> (i32, i32) {
    %c0_i32 = arith.constant 0 : i32
    %c0_i32_0 = arith.constant 0 : i32
    %c0_i32_1 = arith.constant 0 : i32
    return %c0_i32, %c0_i32_0 : i32, i32
  }
  func.func @transform_12(%arg0: i32) -> (i32, i32) {
    %c0_i32 = arith.constant 0 : i32
    %c0_i32_0 = arith.constant 0 : i32
    %c0_i32_1 = arith.constant 0 : i32
    return %c0_i32, %c0_i32_0 : i32, i32
  }
  func.func @transform_13(%arg0: i32) -> (i32, i32) {
    %c0_i32 = arith.constant 0 : i32
    %c0_i32_0 = arith.constant 0 : i32
    %c0_i32_1 = arith.constant 0 : i32
    return %c0_i32, %c0_i32_0 : i32, i32
  }
  func.func @transform_14(%arg0: i32) -> (i32, i32) {
    %c0_i32 = arith.constant 0 : i32
    %c0_i32_0 = arith.constant 0 : i32
    %c0_i32_1 = arith.constant 0 : i32
    return %c0_i32, %c0_i32_0 : i32, i32
  }
  func.func @transform_15(%arg0: i32) -> (i32, i32) {
    %c0_i32 = arith.constant 0 : i32
    %c0_i32_0 = arith.constant 0 : i32
    %c0_i32_1 = arith.constant 0 : i32
    return %c0_i32, %c0_i32_0 : i32, i32
  }
  func.func @transform_16(%arg0: i32) -> (i32, i32) {
    %c0_i32 = arith.constant 0 : i32
    %c0_i32_0 = arith.constant 0 : i32
    %c0_i32_1 = arith.constant 0 : i32
    return %c0_i32, %c0_i32_0 : i32, i32
  }
  func.func @transform_17(%arg0: i32) -> (i32, i32) {
    %c0_i32 = arith.constant 0 : i32
    %c0_i32_0 = arith.constant 0 : i32
    %c0_i32_1 = arith.constant 0 : i32
    return %c0_i32, %c0_i32_0 : i32, i32
  }
}

</mosaic_0001>

<sc_bundles>
// kernel: kernel.11.cloned.1.call-start
scs
__scs_entry_jumppad:
0x0: {  	(pc) =	sbr.rel $0x88, $3  }
0x1: {  	(tag) =	ssettag $0x0;
	lr =	simm.s32 $0x1  }
0x2: {  	[smem:$0x3F68] =	sst lr;
	_ =	strace $0xD0000000  }
0x3: {  	_ = 	snop  }
0x4: {  	_ = 	snop  }
0x5: {  	_ = 	snop  }
0x6: {  	_ = 	snop  }
0x7: {  	_ = 	snop  }
__scs_overlays_trampoline_lowered:
0x8: {  	[smem:$0x3F77] =	sst s0  }
0x9: {  	[smem:$0x3F78] =	sst s1  }
0xa: {  	[smem:$0x3F79] =	sst s2  }
0xb: {  	[smem:$0x3F7A] =	sst s3  }
0xc: {  	[smem:$0x3F7B] =	sst s4  }
0xd: {  	[smem:$0x3F7C] =	sst s5  }
0xe: {  	[smem:$0x3F7D] =	sst s6  }
0xf: {  	[smem:$0x3F7E] =	sst s7  }
0x10: {  	[smem:$0x3F7F] =	sst s8  }
0x11: {  	[smem:$0x3F80] =	sst s9;
	s0 =	simm.s32 @!p0 $0x0  }
0x12: {  	s1 =	sld [smem:$0x3F66];
	s0 =	simm.s32 @p0 $0x1  }
0x13: {  	[smem:$0x3F81] =	sst s0;
	s0 =	simm.s32 @!p1 $0x0  }
0x14: {  	s2 =	sld [smem:$0x3F65];
	s0 =	simm.s32 @p1 $0x1  }
0x15: {  	[smem:$0x3F82] =	sst s0;
	s0 =	simm.s32 @!p2 $0x0  }
0x16: {  	s3 =	sld [smem:$0x3FDB];
	s0 =	simm.s32 @p2 $0x1  }
0x17: {  	s4 =	simm.s32 $0x1BF5;
	[smem:$0x3F84] =	sst s0  }
0x18: {  	s0 =	sld [smem:$0x3F67];
	_ =	swait.ge [sflag:s4], $0x0  }
0x19: {  	s7 =	sld [smem:$0x3F68]  }
0x1a: {  	s8 =	sadd.s32 $0xFFFFE003, lr  }
0x1b: {  	s9 =	sadd.s32 $0xFFFFFEF7, lr;
	s5 =	simm.s32 $0xFFFFFFFF;
	p2 =	slt.u32 s8, $0xFFFFF086  }
0x1c: {  	p1 =	slt.u32 s9, $0xF7A;
	s5 =	simm.s32 @!p2 $0x0  }
0x1d: {  	s5 =	simm.s32 @p1 $0x1;
	p0 =	seq.s32 s7, s2  }
0x1e: {  	s7 =	smul.u32 @!p0 $0xF7A, s2;
	p2 =	seq.s32 @!p0 s5, $0x0  }
0x1f: {  	s9 =	smul.u32 $0xF7A, s1;
	s8 =	simm.s32 @!p0 $0x1BF5;
	p2 =	por !p2, p0  }
0x20: {  	[sflag:s8] =	ssyncset.s32 @!p0 $0xFFFFF086;
	s6 =	sadd.s32 @!p0 s3, s7;
	s7 =	simm.s32 @!p0 $0x108  }
0x21: {  	s3 =	sadd.s32 s3, s9;
	s6 =	sadd.s32 @!p0 $0x88, s6;
	s7 =	simm.s32 @p2 $0x1082  }
0x22: {  	[simem:s7], [sflag:s8] =	dma.local @!p0 [hbm:s6], $0xF7A  }
0x23: {  	s9 =	sor.u32 $0xD0000000, s2;
	s6 =	simm.s32 $0x108;
	_ =	swait.ge @!p0 [sflag:s8], $0x0  }
0x24: {  	s3 =	sadd.s32 $0x88, s3;
	s6 =	simm.s32 @!p1 $0x1082;
	[sflag:s4] =	ssyncset.s32 $0xFFFFF086  }
0x25: {  	[simem:s6], [sflag:s4] =	dma.local [hbm:s3], $0xF7A  }
0x26: {  	[smem:$0x3F68] =	sst s1;
	(tag) =	ssettag s2;
	_ =	strace s9  }
0x27: {  	s1 =	sld [smem:$0x3F78]  }
0x28: {  	s2 =	sld [smem:$0x3F79]  }
0x29: {  	s4 =	sld [smem:$0x3F7B]  }
0x2a: {  	p0 =	seq.s32 s5, $0x0;
	s5 =	sld [smem:$0x3F7C]  }
0x2b: {  	s6 =	sld [smem:$0x3F7D]  }
0x2c: {  	s7 =	sld [smem:$0x3F7E]  }
0x2d: {  	s3 =	simm.s32 $0x108;
	s8 =	sld [smem:$0x3F7F]  }
0x2e: {  	s3 =	simm.s32 @!p0 $0x1082;
	s9 =	sld [smem:$0x3F80]  }
0x2f: {  	lr =	sadd.s32 s0, s3;
	s0 =	sld [smem:$0x3F77]  }
0x30: {  	s3 =	sld [smem:$0x3F7A]  }
0x31: {  	[smem:$0x3F83] =	sst s10  }
0x32: {  	s10 =	sld [smem:$0x3F81];
	_ =	sdelay $0x3  }
0x33: {  	p0 =	seq.s32 s10, $0x1;
	s10 =	sld [smem:$0x3F83];
	_ =	sdelay $0x3  }
0x34: {  	[smem:$0x3F83] =	sst s10  }
0x35: {  	s10 =	sld [smem:$0x3F82];
	_ =	sdelay $0x3  }
0x36: {  	p1 =	seq.s32 s10, $0x1;
	s10 =	sld [smem:$0x3F83];
	_ =	sdelay $0x3  }
0x37: {  	[smem:$0x3F83] =	sst s10  }
0x38: {  	s10 =	sld [smem:$0x3F84]  }
0x39: {  	_ = 	snop;
	(pc) =	sbr.ind lr, $3  }
0x3a: {  	_ = 	snop  }
0x3b: {  	_ = 	snop  }
0x3c: {  	p2 =	seq.s32 s10, $0x1;
	s10 =	sld [smem:$0x3F83]  }
0x3d: {  	_ =	shalt  }
0x3e: {  	_ =	shalt  }
0x3f: {  	_ =	shalt  }
0x40: {  	_ =	shalt  }
0x41: {  	_ =	shalt  }
0x42: {  	_ =	shalt  }
0x43: {  	_ =	shalt  }
0x44: {  	_ =	shalt  }
0x45: {  	_ =	shalt  }
0x46: {  	_ =	shalt  }
0x47: {  	_ =	shalt  }
0x48: {  	_ =	shalt  }
0x49: {  	_ =	shalt  }
0x4a: {  	_ =	shalt  }
0x4b: {  	_ =	shalt  }
0x4c: {  	_ =	shalt  }
0x4d: {  	_ =	shalt  }
0x4e: {  	_ =	shalt  }
0x4f: {  	_ =	shalt  }
0x50: {  	_ =	shalt  }
0x51: {  	_ =	shalt  }
0x52: {  	_ =	shalt  }
0x53: {  	_ =	shalt  }
0x54: {  	_ =	shalt  }
0x55: {  	_ =	shalt  }
0x56: {  	_ =	shalt  }
0x57: {  	_ =	shalt  }
0x58: {  	_ =	shalt  }
0x59: {  	_ =	shalt  }
0x5a: {  	_ =	shalt  }
0x5b: {  	_ =	shalt  }
0x5c: {  	_ =	shalt  }
0x5d: {  	_ =	shalt  }
0x5e: {  	_ =	shalt  }
0x5f: {  	_ =	shalt  }
0x60: {  	_ =	shalt  }
0x61: {  	_ =	shalt  }
0x62: {  	_ =	shalt  }
0x63: {  	_ =	shalt  }
0x64: {  	_ =	shalt  }
0x65: {  	_ =	shalt  }
0x66: {  	_ =	shalt  }
0x67: {  	_ =	shalt  }
0x68: {  	_ =	shalt  }
0x69: {  	_ =	shalt  }
0x6a: {  	_ =	shalt  }
0x6b: {  	_ =	shalt  }
0x6c: {  	_ =	shalt  }
0x6d: {  	_ =	shalt  }
0x6e: {  	_ =	shalt  }
0x6f: {  	_ =	shalt  }
0x70: {  	_ =	shalt  }
0x71: {  	_ =	shalt  }
0x72: {  	_ =	shalt  }
0x73: {  	_ =	shalt  }
0x74: {  	_ =	shalt  }
0x75: {  	_ =	shalt  }
0x76: {  	_ =	shalt  }
0x77: {  	_ =	shalt  }
0x78: {  	_ =	shalt  }
0x79: {  	_ =	shalt  }
0x7a: {  	_ =	shalt  }
0x7b: {  	_ =	shalt  }
0x7c: {  	_ =	shalt  }
0x7d: {  	_ =	shalt  }
0x7e: {  	_ =	shalt  }
0x7f: {  	_ =	shalt  }
0x80: {  	_ =	shalt  }
0x81: {  	_ =	shalt  }
0x82: {  	_ =	shalt  }
0x83: {  	_ =	shalt  }
0x84: {  	_ =	shalt  }
0x85: {  	_ =	shalt  }
0x86: {  	_ =	shalt  }
0x87: {  	_ =	shalt  }
.Lfunc_end0:
.L_simem_size_0:
called_computation_lowered:
.L_overlay_start_0:
0x88: {  	s2 =	sld [smem:$0x3FD9]  }
0x89: {  	s3 =	sld [smem:$0x3FFE];
	_ =	sdelay $0x1  }
0x8a: {  	s1 =	srdreg.scid  }
0x8b: {  	s0 =	sand.u32 $0x1, s1  }
0x8c: {  	s16 =	sshll.u32 s0, $0xA;
	s2 =	sadd.s32 s3, s2  }
0x8d: {  	s2 =	sadd.s32 s2, s16  }
0x8e: {  	[smem:$0x3F8F] =	sst s2  }
0x8f: {  	_ = 	snop  }
0x90: {  	(tm) =	ssettm $0x1  }
0x91: {  	s17 =	sld [smem:$0x3FFB];
	_ =	sdelay $0x3  }
0x92: {  	_ =	strace s17  }
0x93: {  	s2 =	sld [smem:$0x3FFC];
	_ =	sdelay $0x3  }
0x94: {  	_ =	strace s2  }
0x95: {  	s2 =	sld [smem:$0x3FFD];
	_ =	sdelay $0x3  }
0x96: {  	_ =	strace s2  }
0x97: {  	_ =	strace $0x8FFFFFFF  }
0x98: {  	s18 =	sld [smem:$0x3FDB];
	_ =	sdelay $0x1  }
0x99: {  	s19 =	simm.s32 $_scs_section_size  }
0x9a: {  	s4 =	simm.s32 $_size__tile_overlayer_lowered;
	s5 =	simm.s32 $_tile_overlayer_lowered  }
0x9b: {  	s22 =	simm.s32 $0x1BFF;
	s21 =	sshll.u32 s5, $0x1;
	s2 =	sadd.s32 s19, s18  }
0x9c: {  	s6 =	simm.s32 $0x0;
	s20 =	sshll.u32 s4, $0x1;
	s4 =	sadd.s32 s21, s2  }
0x9d: {  	[timem:s6], [sflag:s22] =	dma.local [hbm:s4], s20  }
0x9e: {  	_ =	swait.ge [sflag:s22], s20  }
0x9f: {  	s3 =	ssub.s32 $0x0, s20;
	[sflag:s22] =	ssyncset.done $0x0  }
0xa0: {  	[sflag:s22] =	ssyncadd.s32 s3;
	_ =	sdelay $0x1  }
0xa1: {  	s23 =	simm.s32 $0x1B8B  }
0xa2: {  	_ =	swait.ge [sflag:s23], $0x1  }
0xa3: {  	[sflag:s23] =	ssyncset.done $0x0  }
0xa4: {  	s25 =	simm.s32 $0x1B8E;
	s24 =	sld [smem:$0x3FFE];
	[sflag:s23] =	ssyncadd.s32 $0xFFFFFFFF  }
0xa5: {  	s26 =	simm.s32 $execute0_lowered;
	[smem:$0x3FD2] =	sst s25  }
0xa6: {  	s4 =	sshll.u32 s26, $0x1;
	_ =	strace $0x80000046;
	[dreg:$0x1] =	wrdreg $0xFFFFFFFF  }
0xa7: {  	s28 =	simm.s32 $_size_execute0_lowered;
	s2 =	sadd.s32 s2, s4;
	[dreg:$0x0] =	wrdreg $0x0  }
0xa8: {  	s4 =	sshll.u32 s28, $0x1;
	[dreg:$0x2] =	wrdreg s2  }
0xa9: {  	[dreg:$0x3] =	wrdreg s4  }
0xaa: {  	[dreg:$0x4] =	wrdreg $0xC0  }
0xab: {  	_ =	task [dreg:s6], $0x5FFFF  }
0xac: {  	[dreg:$0x1] =	wrdreg $0xFFFFFFFF  }
0xad: {  	[dreg:$0x0] =	wrdreg $0x60  }
0xae: {  	[dreg:$0x2] =	wrdreg s24  }
0xaf: {  	[dreg:$0x3] =	wrdreg $0x82000  }
0xb0: {  	[dreg:$0x4] =	wrdreg $0x9  }
0xb1: {  	_ =	task.clear_ibuf [dreg:s6], $0x5FFFF;
	_ =	strace $0x90000046  }
0xb2: {  	s29 =	simm.s32 $0x9;
	_ =	strace $0x80000048  }
0xb3: {  	_ =	swait.ge [sflag:s29], $0x1  }
0xb4: {  	[sflag:s29] =	ssyncadd.s32 $0xFFFFFFFF  }
0xb5: {  	_ =	strace $0x90000048  }
0xb6: {  	_ =	sfence  }
0xb7: {  	s30 =	sld [smem:$0x0];
	_ =	sdelay $0x2  }
0xb8: {  	s31 =	sshll.u32 s1, $0xD;
	s1 =	sshrl.u32 s1, $0x2  }
0xb9: {  	s3 =	sand.u32 $0x4000, s31;
	s1 =	sadd.s32 s1, s30  }
0xba: {  	s0 =	sor.u32 s3, s0;
	s1 =	sshll.u32 s1, $0x11  }
0xbb: {  	s0 =	sor.u32 s1, s0  }
0xbc: {  	s0 =	sadd.s32 $0x8F2B, s0  }
0xbd: {  	[sflag:s0] =	ssyncadd.remote.s32 $0x1  }
0xbe: {  	_ =	sfence.sel $0xFFFF  }
0xbf: {  	[dreg:$0x0] =	wrdreg $0xFFFFFFFF;
	(pc) =	sbr.abs _section_cstart, $3  }
0xc0: {  	[dreg:$0x1] =	wrdreg $0xFFFFFFFF  }
0xc1: {  	_ =	task.clear_ibuf [dreg:s6], $0x2FFFF;
	_ =	strace $0x9FFFFFFF  }
0xc2: {  	(tm) =	ssettm $0x7FFFFFFF  }
0xc3: {  	_ =	shalt  }
tec
execute0_lowered:
.L_overlay_start_1:
0x0: {  	(tag) =	ssettag $0x1  }
0x1: {  	s5 =	rddreg [dreg:$0x0]  }
0x2: {  	s2 =	rddreg [dreg:$0x1]  }
0x3: {  	s3 =	simm.s32 $0x0;
	s4 =	srdreg.scid;
	s1 =	stileid.u32  }
0x4: {  	s21 =	simm.s32 $0x200;
	s22 =	simm.s32 $0x100;
	s23 =	simm.s32 $0x180  }
0x5: {  	s28 =	simm.s32 $0x2;
	s29 =	simm.s32 $0x0;
	s8 =	smul.u32 $0x50000, s1  }
0x6: {  	[smem:$0x7FF] =	sst s3;
	s9 =	sand.u32 $0x1, s4;
	s16 =	smul.u32 $0x5000, s1  }
0x7: {  	s25 =	sshll.u32 s1, $0x1;
	s4 =	sadd.s32 $0x9E00, s5;
	s6 =	smul.u32 $0x28000, s9  }
0x8: {  	s18 =	sadd.s32 $0x3BE00, s5;
	s17 =	sadd.s32 $0x31E00, s5;
	s19 =	smul.u32 $0x2800, s9  }
0x9: {  	s7 =	sor.u32 s9, s25;
	s26 =	ssub.s32 $0x2, s9;
	s25 =	smul.u32 $0x2800, s1  }
0xa: {  	_ =	strace $0x80000047;
	s7 =	smul.u32 $0x2800, s7;
	s30 =	sshrl.u32 s26, $0x1  }
0xb: {  	s8 =	sshrl.u32 s8, $0x2;
	s14 =	sadd.s32 s6, s5;
	s15 =	ssub.s32 s26, s30  }
0xc: {  	s8 =	sadd.s32 s8, s2;
	s16 =	sadd.s32 s19, s16;
	s26 =	simm.s32 $0x1  }
0xd: {  	s7 =	sshrl.u32 s7, $0x3;
	s11 =	sadd.s32 $0x8000, s8;
	s12 =	sadd.s32 $0xC000, s8  }
0xe: {  	s13 =	sadd.s32 $0x10000, s8;
	s24 =	sadd.s32 $0x45E00, s14;
	s19 =	sor.u32 $0x180, s16  }
0xf: {  	s14 =	smax.u32 s15, $0x1;
	s20 =	sor.u32 $0x100, s16;
	s5 =	sadd.s32 s18, s7  }
0x10: {  	s6 =	sadd.s32 s17, s7;
	s10 =	sor.u32 $0x10, s7;
	s19 =	sshrl.u32 s19, $0x3  }
0x11: {  	s31 =	sshrl.u32 s20, $0x3;
	s20 =	simm.s32 $0x80;
	s24 =	sadd.s32 s25, s24  }
0x12: {  	s25 =	simm.s32 $0x4200;
	s7 =	sadd.s32 s18, s10;
	s9 =	sadd.s32 s17, s10  }
0x13: {  	s10 =	sadd.s32 $0x4000, s8;
	s15 =	sadd.s32 s19, s17;
	s16 =	sadd.s32 s19, s18  }
0x14: {  	v0 =	vimm.f32 $0.0e+00;
	s17 =	sadd.s32 s31, s17;
	s18 =	sadd.s32 s31, s18;
	s19 =	simm.s32 $0x3  }
.LBB2_1:
0x15: {  	[tilespmem:s3], [sflag:$0x3] =	stream.linear.gather [hbm4b:s5+s3], $0x80, $0x38;
	[tilespmem:$0x1C200] =	vst v63  }
0x16: {  	_ =	swait.ge [sflag:s19], $0x80  }
0x17: {  	[sflag:s19] =	ssyncset.done $0x0  }
0x18: {  	[sflag:s19] =	ssyncadd.s32 $0xFFFFFF80  }
0x19: {  	[tilespmem:s20], [sflag:$0x3] =	stream.linear.gather [hbm4b:s6+s3], $0x80, $0x38;
	[tilespmem:$0x1C200] =	vst v63  }
0x1a: {  	_ =	swait.ge [sflag:s19], $0x80  }
0x1b: {  	[sflag:s19] =	ssyncset.done $0x0  }
0x1c: {  	[sflag:s19] =	ssyncadd.s32 $0xFFFFFF80  }
0x1d: {  	[tilespmem:s21], [sflag:$0x1] =	stream.indirect.gather [hbm4b:s4+s20], $0x80, s3, s20, $0xb8;
	[tilespmem:$0x1C200] =	vst v63  }
0x1e: {  	_ = 	snop  }
0x1f: {  	[tilespmem:s22], [sflag:$0x3] =	stream.linear.gather [hbm4b:s7+s3], $0x80, $0x38;
	[tilespmem:$0x1C200] =	vst v63  }
0x20: {  	_ =	swait.ge [sflag:s19], $0x80  }
0x21: {  	[sflag:s19] =	ssyncset.done $0x0  }
0x22: {  	[sflag:s19] =	ssyncadd.s32 $0xFFFFFF80  }
0x23: {  	[tilespmem:s23], [sflag:$0x3] =	stream.linear.gather [hbm4b:s9+s3], $0x80, $0x38;
	[tilespmem:$0x1C200] =	vst v63  }
0x24: {  	_ =	swait.ge [sflag:s19], $0x80  }
0x25: {  	[sflag:s19] =	ssyncset.done $0x0  }
0x26: {  	s30 =	simm.s32 $0x0;
	s31 =	simm.s32 $0x200;
	[sflag:s19] =	ssyncadd.s32 $0xFFFFFF80  }
.LBB2_2:
0x27: {  	p0 =	sne.s32 s31, $0xFE00;
	[tilespmem:s30+$0x4270] =	vst v0  }
0x28: {  	[tilespmem:s30+$0x4200] =	vst v0  }
0x29: {  	[tilespmem:s30+$0x4210] =	vst v0  }
.Ltmp0:
0x2a: {  	[tilespmem:s30+$0x4220] =	vst v0;
	(pc) =	sbr.rel @p0 .LBB2_2-.Ltmp0, $4  }
0x2b: {  	[tilespmem:s30+$0x4230] =	vst v0  }
0x2c: {  	[tilespmem:s30+$0x4240] =	vst v0  }
0x2d: {  	[tilespmem:s30+$0x4250] =	vst v0  }
0x2e: {  	[tilespmem:s30+$0x4260] =	vst v0;
	s30 =	sshra.s32 s31, $0x2;
	s31 =	sadd.s32 $0x200, s31  }
0x2f: {  	[tilespmem:s30+$0x4270] =	vst v0  }
0x30: {  	[tilespmem:s30+$0x4200] =	vst v0  }
0x31: {  	[tilespmem:s30+$0x4210] =	vst v0  }
0x32: {  	[tilespmem:s30+$0x4220] =	vst v0  }
0x33: {  	[tilespmem:s30+$0x4230] =	vst v0  }
0x34: {  	[tilespmem:s30+$0x4240] =	vst v0  }
0x35: {  	[tilespmem:s30+$0x4250] =	vst v0  }
0x36: {  	[tilespmem:s30+$0x4260] =	vst v0  }
0x37: {  	[spmem:s8] =	stream.linear.scatter [tilespmem:s25], [sflag:$0x3], $0x4000, $0x38;
	[tilespmem:$0x1C200] =	vst v63  }
0x38: {  	_ =	swait.ge [sflag:s19], $0x4000  }
0x39: {  	[sflag:s19] =	ssyncset.done $0x0  }
0x3a: {  	[sflag:s19] =	ssyncadd.s32 $0xFFFFC000  }
0x3b: {  	[spmem:s10] =	stream.linear.scatter [tilespmem:s25], [sflag:$0x3], $0x4000, $0x38;
	[tilespmem:$0x1C200] =	vst v63  }
0x3c: {  	_ =	swait.ge [sflag:s19], $0x4000  }
0x3d: {  	[sflag:s19] =	ssyncset.done $0x0  }
0x3e: {  	[sflag:s19] =	ssyncadd.s32 $0xFFFFC000  }
0x3f: {  	[spmem:s11] =	stream.linear.scatter [tilespmem:s25], [sflag:$0x3], $0x4000, $0x38;
	[tilespmem:$0x1C200] =	vst v63  }
0x40: {  	_ =	swait.ge [sflag:s19], $0x4000  }
0x41: {  	[sflag:s19] =	ssyncset.done $0x0  }
0x42: {  	[sflag:s19] =	ssyncadd.s32 $0xFFFFC000  }
0x43: {  	[spmem:s12] =	stream.linear.scatter [tilespmem:s25], [sflag:$0x3], $0x4000, $0x38;
	[tilespmem:$0x1C200] =	vst v63  }
0x44: {  	_ =	swait.ge [sflag:s19], $0x4000  }
0x45: {  	[sflag:s19] =	ssyncset.done $0x0  }
0x46: {  	[sflag:s19] =	ssyncadd.s32 $0xFFFFC000  }
0x47: {  	[spmem:s13] =	stream.linear.scatter [tilespmem:s25], [sflag:$0x3], $0x4000, $0x38;
	[tilespmem:$0x1C200] =	vst v63  }
0x48: {  	_ =	swait.ge [sflag:s19], $0x4000  }
0x49: {  	[sflag:s19] =	ssyncset.done $0x0  }
0x4a: {  	[sflag:s19] =	ssyncadd.s32 $0xFFFFC000  }
0x4b: {  	[bflag:$0x0] =	sbarrier.arrive $0xFFFF  }
0x4c: {  	[tilespmem:s25], [sflag:$0x2] =	stream.indirect.gather [hbm4b:s4+s20], $0x80, s22, s20, $0xb8;
	[tilespmem:$0x1C200] =	vst v63  }
0x4d: {  	_ =	swait.ge [sflag:s26], $0x4000  }
0x4e: {  	[sflag:s26] =	ssyncset.done $0x0  }
0x4f: {  	[sflag:s26] =	ssyncadd.s32 $0xFFFFC000  }
0x50: {  	[spmem:s2] =	stream.indirect.scatter.add.f32 [tilespmem:s21], [sflag:$0x3], $0x80, s20, s20, $0xb8;
	[tilespmem:$0x1C200] =	vst v63  }
0x51: {  	_ =	swait.ge [sflag:s19], $0x4000  }
0x52: {  	[sflag:s19] =	ssyncset.done $0x0  }
0x53: {  	s30 =	sadd.s32 $0x0, s18;
	[sflag:s19] =	ssyncadd.s32 $0xFFFFC000  }
0x54: {  	[tilespmem:s3], [sflag:$0x3] =	stream.linear.gather [hbm4b:s30+s3], $0x80, $0x38;
	[tilespmem:$0x1C200] =	vst v63  }
0x55: {  	_ =	swait.ge [sflag:s19], $0x80  }
0x56: {  	[sflag:s19] =	ssyncset.done $0x0  }
0x57: {  	s30 =	sadd.s32 $0x0, s17;
	[sflag:s19] =	ssyncadd.s32 $0xFFFFFF80  }
0x58: {  	[tilespmem:s20], [sflag:$0x3] =	stream.linear.gather [hbm4b:s30+s3], $0x80, $0x38;
	[tilespmem:$0x1C200] =	vst v63  }
0x59: {  	_ =	swait.ge [sflag:s19], $0x80  }
0x5a: {  	[sflag:s19] =	ssyncset.done $0x0  }
0x5b: {  	[sflag:s19] =	ssyncadd.s32 $0xFFFFFF80  }
0x5c: {  	[tilespmem:s21], [sflag:$0x1] =	stream.indirect.gather [hbm4b:s4+s20], $0x80, s3, s20, $0xb8;
	[tilespmem:$0x1C200] =	vst v63  }
0x5d: {  	_ =	swait.ge [sflag:s28], $0x4000  }
0x5e: {  	[sflag:s28] =	ssyncset.done $0x0  }
0x5f: {  	[sflag:s28] =	ssyncadd.s32 $0xFFFFC000  }
0x60: {  	[spmem:s2] =	stream.indirect.scatter.add.f32 [tilespmem:s25], [sflag:$0x3], $0x80, s23, s20, $0xb8;
	[tilespmem:$0x1C200] =	vst v63  }
0x61: {  	_ =	swait.ge [sflag:s19], $0x4000  }
0x62: {  	[sflag:s19] =	ssyncset.done $0x0  }
0x63: {  	s30 =	sadd.s32 $0x0, s16;
	[sflag:s19] =	ssyncadd.s32 $0xFFFFC000  }
0x64: {  	[tilespmem:s22], [sflag:$0x3] =	stream.linear.gather [hbm4b:s30+s3], $0x80, $0x38;
	[tilespmem:$0x1C200] =	vst v63  }
0x65: {  	_ =	swait.ge [sflag:s19], $0x80  }
0x66: {  	[sflag:s19] =	ssyncset.done $0x0  }
0x67: {  	s30 =	sadd.s32 $0x0, s15;
	[sflag:s19] =	ssyncadd.s32 $0xFFFFFF80  }
0x68: {  	[tilespmem:s23], [sflag:$0x3] =	stream.linear.gather [hbm4b:s30+s3], $0x80, $0x38;
	[tilespmem:$0x1C200] =	vst v63  }
0x69: {  	_ =	swait.ge [sflag:s19], $0x80  }
0x6a: {  	[sflag:s19] =	ssyncset.done $0x0  }
0x6b: {  	s30 =	simm.s32 $0x20;
	[sflag:s19] =	ssyncadd.s32 $0xFFFFFF80  }
.LBB2_4:
0x6c: {  	[tilespmem:s25], [sflag:$0x2] =	stream.indirect.gather [hbm4b:s4+s20], $0x80, s22, s20, $0xb8;
	[tilespmem:$0x1C200] =	vst v63  }
0x6d: {  	s31 =	smov.u32 s30  }
0x6e: {  	p0 =	sne.s32 s30, $0x4C0;
	s30 =	sadd.s32 $0x20, s30;
	_ =	swait.ge [sflag:s26], $0x4000  }
0x6f: {  	[sflag:s26] =	ssyncset.done $0x0  }
0x70: {  	[sflag:s26] =	ssyncadd.s32 $0xFFFFC000  }
0x71: {  	[spmem:s2] =	stream.indirect.scatter.add.f32 [tilespmem:s21], [sflag:$0x3], $0x80, s20, s20, $0xb8;
	[tilespmem:$0x1C200] =	vst v63  }
0x72: {  	_ =	swait.ge [sflag:s19], $0x4000  }
0x73: {  	[sflag:s19] =	ssyncset.done $0x0  }
0x74: {  	s0 =	sadd.s32 s31, s18;
	[sflag:s19] =	ssyncadd.s32 $0xFFFFC000  }
0x75: {  	[tilespmem:s3], [sflag:$0x3] =	stream.linear.gather [hbm4b:s0+s3], $0x80, $0x38;
	[tilespmem:$0x1C200] =	vst v63  }
0x76: {  	_ =	swait.ge [sflag:s19], $0x80  }
0x77: {  	[sflag:s19] =	ssyncset.done $0x0  }
0x78: {  	s0 =	sadd.s32 s31, s17;
	[sflag:s19] =	ssyncadd.s32 $0xFFFFFF80  }
0x79: {  	[tilespmem:s20], [sflag:$0x3] =	stream.linear.gather [hbm4b:s0+s3], $0x80, $0x38;
	[tilespmem:$0x1C200] =	vst v63  }
0x7a: {  	_ =	swait.ge [sflag:s19], $0x80  }
0x7b: {  	[sflag:s19] =	ssyncset.done $0x0  }
0x7c: {  	[sflag:s19] =	ssyncadd.s32 $0xFFFFFF80  }
0x7d: {  	[tilespmem:s21], [sflag:$0x1] =	stream.indirect.gather [hbm4b:s4+s20], $0x80, s3, s20, $0xb8;
	[tilespmem:$0x1C200] =	vst v63  }
0x7e: {  	_ =	swait.ge [sflag:s28], $0x4000  }
0x7f: {  	[sflag:s28] =	ssyncset.done $0x0  }
0x80: {  	[sflag:s28] =	ssyncadd.s32 $0xFFFFC000  }
0x81: {  	[spmem:s2] =	stream.indirect.scatter.add.f32 [tilespmem:s25], [sflag:$0x3], $0x80, s23, s20, $0xb8;
	[tilespmem:$0x1C200] =	vst v63  }
0x82: {  	_ =	swait.ge [sflag:s19], $0x4000  }
0x83: {  	[sflag:s19] =	ssyncset.done $0x0  }
0x84: {  	s0 =	sadd.s32 s31, s16;
	[sflag:s19] =	ssyncadd.s32 $0xFFFFC000  }
0x85: {  	[tilespmem:s22], [sflag:$0x3] =	stream.linear.gather [hbm4b:s0+s3], $0x80, $0x38;
	[tilespmem:$0x1C200] =	vst v63  }
0x86: {  	_ =	swait.ge [sflag:s19], $0x80  }
0x87: {  	[sflag:s19] =	ssyncset.done $0x0  }
.Ltmp1:
0x88: {  	s0 =	sadd.s32 s31, s15;
	[sflag:s19] =	ssyncadd.s32 $0xFFFFFF80;
	(pc) =	sbr.rel @p0 .LBB2_4-.Ltmp1, $4  }
0x89: {  	[tilespmem:s23], [sflag:$0x3] =	stream.linear.gather [hbm4b:s0+s3], $0x80, $0x38;
	[tilespmem:$0x1C200] =	vst v63  }
0x8a: {  	_ =	swait.ge [sflag:s19], $0x80  }
0x8b: {  	[sflag:s19] =	ssyncset.done $0x0  }
0x8c: {  	[sflag:s19] =	ssyncadd.s32 $0xFFFFFF80  }
0x8d: {  	[tilespmem:s25], [sflag:$0x2] =	stream.indirect.gather [hbm4b:s4+s20], $0x80, s22, s20, $0xb8;
	[tilespmem:$0x1C200] =	vst v63  }
0x8e: {  	_ =	swait.ge [sflag:s26], $0x4000  }
0x8f: {  	[sflag:s26] =	ssyncset.done $0x0  }
0x90: {  	[sflag:s26] =	ssyncadd.s32 $0xFFFFC000  }
0x91: {  	[spmem:s2] =	stream.indirect.scatter.add.f32 [tilespmem:s21], [sflag:$0x3], $0x80, s20, s20, $0xb8;
	[tilespmem:$0x1C200] =	vst v63  }
0x92: {  	_ =	swait.ge [sflag:s19], $0x4000  }
0x93: {  	[sflag:s19] =	ssyncset.done $0x0  }
0x94: {  	[sflag:s19] =	ssyncadd.s32 $0xFFFFC000  }
0x95: {  	[tilespmem:s3], [sflag:$0x3] =	stream.linear.gather [hbm4b:s5+s3], $0x80, $0x38;
	[tilespmem:$0x1C200] =	vst v63  }
0x96: {  	_ =	swait.ge [sflag:s19], $0x80  }
0x97: {  	[sflag:s19] =	ssyncset.done $0x0  }
0x98: {  	[sflag:s19] =	ssyncadd.s32 $0xFFFFFF80  }
0x99: {  	[tilespmem:s20], [sflag:$0x3] =	stream.linear.gather [hbm4b:s6+s3], $0x80, $0x38;
	[tilespmem:$0x1C200] =	vst v63  }
0x9a: {  	_ =	swait.ge [sflag:s19], $0x80  }
0x9b: {  	[sflag:s19] =	ssyncset.done $0x0  }
0x9c: {  	[sflag:s19] =	ssyncadd.s32 $0xFFFFFF80  }
0x9d: {  	[tilespmem:s21], [sflag:$0x1] =	stream.indirect.gather [hbm4b:s4+s20], $0x80, s3, s20, $0xb8;
	[tilespmem:$0x1C200] =	vst v63  }
0x9e: {  	_ =	swait.ge [sflag:s28], $0x4000  }
0x9f: {  	[sflag:s28] =	ssyncset.done $0x0  }
0xa0: {  	[sflag:s28] =	ssyncadd.s32 $0xFFFFC000  }
0xa1: {  	[spmem:s2] =	stream.indirect.scatter.add.f32 [tilespmem:s25], [sflag:$0x3], $0x80, s23, s20, $0xb8;
	[tilespmem:$0x1C200] =	vst v63  }
0xa2: {  	_ =	swait.ge [sflag:s19], $0x4000  }
0xa3: {  	[sflag:s19] =	ssyncset.done $0x0  }
0xa4: {  	[sflag:s19] =	ssyncadd.s32 $0xFFFFC000  }
0xa5: {  	[tilespmem:s22], [sflag:$0x3] =	stream.linear.gather [hbm4b:s7+s3], $0x80, $0x38;
	[tilespmem:$0x1C200] =	vst v63  }
0xa6: {  	_ =	swait.ge [sflag:s19], $0x80  }
0xa7: {  	[sflag:s19] =	ssyncset.done $0x0  }
0xa8: {  	[sflag:s19] =	ssyncadd.s32 $0xFFFFFF80  }
0xa9: {  	[tilespmem:s23], [sflag:$0x3] =	stream.linear.gather [hbm4b:s9+s3], $0x80, $0x38;
	[tilespmem:$0x1C200] =	vst v63  }
0xaa: {  	_ =	swait.ge [sflag:s19], $0x80  }
0xab: {  	[sflag:s19] =	ssyncset.done $0x0  }
0xac: {  	[sflag:s19] =	ssyncadd.s32 $0xFFFFFF80  }
0xad: {  	[tilespmem:s25], [sflag:$0x2] =	stream.indirect.gather [hbm4b:s4+s20], $0x80, s22, s20, $0xb8;
	[tilespmem:$0x1C200] =	vst v63  }
0xae: {  	_ =	swait.ge [sflag:s26], $0x4000  }
0xaf: {  	[sflag:s26] =	ssyncset.done $0x0  }
0xb0: {  	[sflag:s26] =	ssyncadd.s32 $0xFFFFC000  }
0xb1: {  	_ =	swait.ge [sflag:s28], $0x4000  }
0xb2: {  	s0 =	sshll.u32 s1, $0x6;
	s29 =	sadd.s32 $0x1, s29;
	[sflag:s28] =	ssyncset.done $0x0  }
0xb3: {  	s30 =	sshrl.u32 s8, $0x3;
	p0 =	sne.s32 s29, s14;
	[sflag:s28] =	ssyncadd.s32 $0xFFFFC000  }
.Ltmp2:
0xb4: {  	s0 =	sor.u32 $0x1C03, s0;
	[bflag:$0x0] =	sbarrier.arrive $0xFFFF;
	(pc) =	sbr.rel @p0 .LBB2_1-.Ltmp2, $4  }
0xb5: {  	[hbm:s24], [sflag:s0] =	dma.local [spmem:s30], $0x2800  }
0xb6: {  	_ =	swait.ge [sflag:s19], $0x2800  }
0xb7: {  	[sflag:s19] =	ssyncset.done $0x0  }
0xb8: {  	[sflag:s19] =	ssyncadd.s32 $0xFFFFD800  }
0xb9: {  	_ =	sfence.sel $0x180000  }
0xba: {  	[bflag:$0x0] =	sbarrier.arrive $0xFFFF  }
0xbb: {  	_ =	strace $0x90000047  }
0xbc: {  	[bflag:$0x2] =	sbarrier.arrive $0xFFFF  }
0xbd: {  	p0 =	sne.s32 s1, $0x0;
	s0 =	rddreg [dreg:$0x2]  }
0xbe: {  	s0 =	sadd.s32 @!p0 $0x100000, s0  }
0xbf: {  	[sflag:s0] =	ssyncadd.tile.s32 @!p0 $0x1;
	_ =	shalt  }
.Lfunc_end2:
_tile_overlayer_lowered:
.L_overlay_start_2:
0xc0: {  	(tag) =	ssettag $0x2  }
0xc1: {  	s0 =	rddreg [dreg:$0x0];
	s2 =	stileid.u32  }
0xc2: {  	s1 =	rddreg [dreg:$0x1];
	p0 =	sne.s32 s2, $0x0  }
0xc3: {  	s3 =	rddreg [dreg:$0x2];
	[bflag:$0x3] =	sbarrier.arrive $0xFFFF;
	s2 =	simm.s32 @!p0 $0x1C03  }
0xc4: {  	[timem:s3], [sflag:s2] =	dma.local @!p0 [hbm:s0], s1  }
0xc5: {  	s0 =	simm.s32 @!p0 $0x3  }
0xc6: {  	_ =	swait.ge @!p0 [sflag:s0], s1  }
0xc7: {  	s1 =	ssub.s32 @!p0 $0x0, s1;
	[sflag:s0] =	ssyncset.done @!p0 $0x0  }
0xc8: {  	[sflag:s0] =	ssyncadd.s32 @!p0 s1  }
0xc9: {  	[bflag:$0x3] =	sbarrier.arrive $0xFFFF  }
0xca: {  	_ =	shalt  }

// kernel: kernel.14.cloned.1.call-start
scs
__scs_entry_jumppad:
0x0: {  	(pc) =	sbr.rel $0x88, $3  }
0x1: {  	(tag) =	ssettag $0x0;
	lr =	simm.s32 $0x1  }
0x2: {  	[smem:$0x3F68] =	sst lr;
	_ =	strace $0xD0000000  }
0x3: {  	_ = 	snop  }
0x4: {  	_ = 	snop  }
0x5: {  	_ = 	snop  }
0x6: {  	_ = 	snop  }
0x7: {  	_ = 	snop  }
__scs_overlays_trampoline_lowered:
0x8: {  	[smem:$0x3F77] =	sst s0  }
0x9: {  	[smem:$0x3F78] =	sst s1  }
0xa: {  	[smem:$0x3F79] =	sst s2  }
0xb: {  	[smem:$0x3F7A] =	sst s3  }
0xc: {  	[smem:$0x3F7B] =	sst s4  }
0xd: {  	[smem:$0x3F7C] =	sst s5  }
0xe: {  	[smem:$0x3F7D] =	sst s6  }
0xf: {  	[smem:$0x3F7E] =	sst s7  }
0x10: {  	[smem:$0x3F7F] =	sst s8  }
0x11: {  	[smem:$0x3F80] =	sst s9;
	s0 =	simm.s32 @!p0 $0x0  }
0x12: {  	s1 =	sld [smem:$0x3F66];
	s0 =	simm.s32 @p0 $0x1  }
0x13: {  	[smem:$0x3F81] =	sst s0;
	s0 =	simm.s32 @!p1 $0x0  }
0x14: {  	s2 =	sld [smem:$0x3F65];
	s0 =	simm.s32 @p1 $0x1  }
0x15: {  	[smem:$0x3F82] =	sst s0;
	s0 =	simm.s32 @!p2 $0x0  }
0x16: {  	s3 =	sld [smem:$0x3FDB];
	s0 =	simm.s32 @p2 $0x1  }
0x17: {  	s4 =	simm.s32 $0x1BF5;
	[smem:$0x3F84] =	sst s0  }
0x18: {  	s0 =	sld [smem:$0x3F67];
	_ =	swait.ge [sflag:s4], $0x0  }
0x19: {  	s7 =	sld [smem:$0x3F68]  }
0x1a: {  	s8 =	sadd.s32 $0xFFFFE003, lr  }
0x1b: {  	s9 =	sadd.s32 $0xFFFFFEF7, lr;
	s5 =	simm.s32 $0xFFFFFFFF;
	p2 =	slt.u32 s8, $0xFFFFF086  }
0x1c: {  	p1 =	slt.u32 s9, $0xF7A;
	s5 =	simm.s32 @!p2 $0x0  }
0x1d: {  	s5 =	simm.s32 @p1 $0x1;
	p0 =	seq.s32 s7, s2  }
0x1e: {  	s7 =	smul.u32 @!p0 $0xF7A, s2;
	p2 =	seq.s32 @!p0 s5, $0x0  }
0x1f: {  	s9 =	smul.u32 $0xF7A, s1;
	s8 =	simm.s32 @!p0 $0x1BF5;
	p2 =	por !p2, p0  }
0x20: {  	[sflag:s8] =	ssyncset.s32 @!p0 $0xFFFFF086;
	s6 =	sadd.s32 @!p0 s3, s7;
	s7 =	simm.s32 @!p0 $0x108  }
0x21: {  	s3 =	sadd.s32 s3, s9;
	s6 =	sadd.s32 @!p0 $0x88, s6;
	s7 =	simm.s32 @p2 $0x1082  }
0x22: {  	[simem:s7], [sflag:s8] =	dma.local @!p0 [hbm:s6], $0xF7A  }
0x23: {  	s9 =	sor.u32 $0xD0000000, s2;
	s6 =	simm.s32 $0x108;
	_ =	swait.ge @!p0 [sflag:s8], $0x0  }
0x24: {  	s3 =	sadd.s32 $0x88, s3;
	s6 =	simm.s32 @!p1 $0x1082;
	[sflag:s4] =	ssyncset.s32 $0xFFFFF086  }
0x25: {  	[simem:s6], [sflag:s4] =	dma.local [hbm:s3], $0xF7A  }
0x26: {  	[smem:$0x3F68] =	sst s1;
	(tag) =	ssettag s2;
	_ =	strace s9  }
0x27: {  	s1 =	sld [smem:$0x3F78]  }
0x28: {  	s2 =	sld [smem:$0x3F79]  }
0x29: {  	s4 =	sld [smem:$0x3F7B]  }
0x2a: {  	p0 =	seq.s32 s5, $0x0;
	s5 =	sld [smem:$0x3F7C]  }
0x2b: {  	s6 =	sld [smem:$0x3F7D]  }
0x2c: {  	s7 =	sld [smem:$0x3F7E]  }
0x2d: {  	s3 =	simm.s32 $0x108;
	s8 =	sld [smem:$0x3F7F]  }
0x2e: {  	s3 =	simm.s32 @!p0 $0x1082;
	s9 =	sld [smem:$0x3F80]  }
0x2f: {  	lr =	sadd.s32 s0, s3;
	s0 =	sld [smem:$0x3F77]  }
0x30: {  	s3 =	sld [smem:$0x3F7A]  }
0x31: {  	[smem:$0x3F83] =	sst s10  }
0x32: {  	s10 =	sld [smem:$0x3F81];
	_ =	sdelay $0x3  }
0x33: {  	p0 =	seq.s32 s10, $0x1;
	s10 =	sld [smem:$0x3F83];
	_ =	sdelay $0x3  }
0x34: {  	[smem:$0x3F83] =	sst s10  }
0x35: {  	s10 =	sld [smem:$0x3F82];
	_ =	sdelay $0x3  }
0x36: {  	p1 =	seq.s32 s10, $0x1;
	s10 =	sld [smem:$0x3F83];
	_ =	sdelay $0x3  }
0x37: {  	[smem:$0x3F83] =	sst s10  }
0x38: {  	s10 =	sld [smem:$0x3F84]  }
0x39: {  	_ = 	snop;
	(pc) =	sbr.ind lr, $3  }
0x3a: {  	_ = 	snop  }
0x3b: {  	_ = 	snop  }
0x3c: {  	p2 =	seq.s32 s10, $0x1;
	s10 =	sld [smem:$0x3F83]  }
0x3d: {  	_ =	shalt  }
0x3e: {  	_ =	shalt  }
0x3f: {  	_ =	shalt  }
0x40: {  	_ =	shalt  }
0x41: {  	_ =	shalt  }
0x42: {  	_ =	shalt  }
0x43: {  	_ =	shalt  }
0x44: {  	_ =	shalt  }
0x45: {  	_ =	shalt  }
0x46: {  	_ =	shalt  }
0x47: {  	_ =	shalt  }
0x48: {  	_ =	shalt  }
0x49: {  	_ =	shalt  }
0x4a: {  	_ =	shalt  }
0x4b: {  	_ =	shalt  }
0x4c: {  	_ =	shalt  }
0x4d: {  	_ =	shalt  }
0x4e: {  	_ =	shalt  }
0x4f: {  	_ =	shalt  }
0x50: {  	_ =	shalt  }
0x51: {  	_ =	shalt  }
0x52: {  	_ =	shalt  }
0x53: {  	_ =	shalt  }
0x54: {  	_ =	shalt  }
0x55: {  	_ =	shalt  }
0x56: {  	_ =	shalt  }
0x57: {  	_ =	shalt  }
0x58: {  	_ =	shalt  }
0x59: {  	_ =	shalt  }
0x5a: {  	_ =	shalt  }
0x5b: {  	_ =	shalt  }
0x5c: {  	_ =	shalt  }
0x5d: {  	_ =	shalt  }
0x5e: {  	_ =	shalt  }
0x5f: {  	_ =	shalt  }
0x60: {  	_ =	shalt  }
0x61: {  	_ =	shalt  }
0x62: {  	_ =	shalt  }
0x63: {  	_ =	shalt  }
0x64: {  	_ =	shalt  }
0x65: {  	_ =	shalt  }
0x66: {  	_ =	shalt  }
0x67: {  	_ =	shalt  }
0x68: {  	_ =	shalt  }
0x69: {  	_ =	shalt  }
0x6a: {  	_ =	shalt  }
0x6b: {  	_ =	shalt  }
0x6c: {  	_ =	shalt  }
0x6d: {  	_ =	shalt  }
0x6e: {  	_ =	shalt  }
0x6f: {  	_ =	shalt  }
0x70: {  	_ =	shalt  }
0x71: {  	_ =	shalt  }
0x72: {  	_ =	shalt  }
0x73: {  	_ =	shalt  }
0x74: {  	_ =	shalt  }
0x75: {  	_ =	shalt  }
0x76: {  	_ =	shalt  }
0x77: {  	_ =	shalt  }
0x78: {  	_ =	shalt  }
0x79: {  	_ =	shalt  }
0x7a: {  	_ =	shalt  }
0x7b: {  	_ =	shalt  }
0x7c: {  	_ =	shalt  }
0x7d: {  	_ =	shalt  }
0x7e: {  	_ =	shalt  }
0x7f: {  	_ =	shalt  }
0x80: {  	_ =	shalt  }
0x81: {  	_ =	shalt  }
0x82: {  	_ =	shalt  }
0x83: {  	_ =	shalt  }
0x84: {  	_ =	shalt  }
0x85: {  	_ =	shalt  }
0x86: {  	_ =	shalt  }
0x87: {  	_ =	shalt  }
.Lfunc_end0:
.L_simem_size_0:
called_computation.1_lowered:
.L_overlay_start_0:
0x88: {  	s2 =	sld [smem:$0x3FD9]  }
0x89: {  	s3 =	sld [smem:$0x3FFE];
	_ =	sdelay $0x1  }
0x8a: {  	s1 =	srdreg.scid  }
0x8b: {  	s0 =	sand.u32 $0x1, s1  }
0x8c: {  	s16 =	sshll.u32 s0, $0xA;
	s2 =	sadd.s32 s3, s2  }
0x8d: {  	s2 =	sadd.s32 s2, s16  }
0x8e: {  	[smem:$0x3F8F] =	sst s2  }
0x8f: {  	_ = 	snop  }
0x90: {  	(tm) =	ssettm $0x1  }
0x91: {  	s17 =	sld [smem:$0x3FFB];
	_ =	sdelay $0x3  }
0x92: {  	_ =	strace s17  }
0x93: {  	s2 =	sld [smem:$0x3FFC];
	_ =	sdelay $0x3  }
0x94: {  	_ =	strace s2  }
0x95: {  	s2 =	sld [smem:$0x3FFD];
	_ =	sdelay $0x3  }
0x96: {  	_ =	strace s2  }
0x97: {  	_ =	strace $0x8FFFFFFF  }
0x98: {  	s18 =	sld [smem:$0x3FDB];
	_ =	sdelay $0x1  }
0x99: {  	s19 =	simm.s32 $_scs_section_size  }
0x9a: {  	s4 =	simm.s32 $_size__tile_overlayer_lowered;
	s5 =	simm.s32 $_tile_overlayer_lowered  }
0x9b: {  	s22 =	simm.s32 $0x1BFF;
	s21 =	sshll.u32 s5, $0x1;
	s2 =	sadd.s32 s19, s18  }
0x9c: {  	s6 =	simm.s32 $0x0;
	s20 =	sshll.u32 s4, $0x1;
	s4 =	sadd.s32 s21, s2  }
0x9d: {  	[timem:s6], [sflag:s22] =	dma.local [hbm:s4], s20  }
0x9e: {  	_ =	swait.ge [sflag:s22], s20  }
0x9f: {  	s3 =	ssub.s32 $0x0, s20;
	[sflag:s22] =	ssyncset.done $0x0  }
0xa0: {  	[sflag:s22] =	ssyncadd.s32 s3;
	_ =	sdelay $0x1  }
0xa1: {  	s23 =	simm.s32 $0x1B8B  }
0xa2: {  	_ =	swait.ge [sflag:s23], $0x1  }
0xa3: {  	[sflag:s23] =	ssyncset.done $0x0  }
0xa4: {  	s25 =	simm.s32 $0x1B8E;
	s24 =	sld [smem:$0x3FFE];
	[sflag:s23] =	ssyncadd.s32 $0xFFFFFFFF  }
0xa5: {  	s26 =	simm.s32 $execute0_lowered;
	[smem:$0x3FD2] =	sst s25  }
0xa6: {  	s4 =	sshll.u32 s26, $0x1;
	_ =	strace $0x80000049;
	[dreg:$0x1] =	wrdreg $0xFFFFFFFF  }
0xa7: {  	s28 =	simm.s32 $_size_execute0_lowered;
	s2 =	sadd.s32 s2, s4;
	[dreg:$0x0] =	wrdreg $0x0  }
0xa8: {  	s4 =	sshll.u32 s28, $0x1;
	[dreg:$0x2] =	wrdreg s2  }
0xa9: {  	[dreg:$0x3] =	wrdreg s4  }
0xaa: {  	[dreg:$0x4] =	wrdreg $0xC0  }
0xab: {  	_ =	task [dreg:s6], $0x5FFFF  }
0xac: {  	[dreg:$0x1] =	wrdreg $0xFFFFFFFF  }
0xad: {  	[dreg:$0x0] =	wrdreg $0x60  }
0xae: {  	[dreg:$0x2] =	wrdreg s24  }
0xaf: {  	[dreg:$0x3] =	wrdreg $0x82000  }
0xb0: {  	[dreg:$0x4] =	wrdreg $0x9  }
0xb1: {  	_ =	task.clear_ibuf [dreg:s6], $0x5FFFF;
	_ =	strace $0x90000049  }
0xb2: {  	s29 =	simm.s32 $0x9;
	_ =	strace $0x8000004B  }
0xb3: {  	_ =	swait.ge [sflag:s29], $0x1  }
0xb4: {  	[sflag:s29] =	ssyncadd.s32 $0xFFFFFFFF  }
0xb5: {  	_ =	strace $0x9000004B  }
0xb6: {  	_ =	sfence  }
0xb7: {  	s30 =	sld [smem:$0x0];
	_ =	sdelay $0x2  }
0xb8: {  	s31 =	sshll.u32 s1, $0xD;
	s1 =	sshrl.u32 s1, $0x2  }
0xb9: {  	s3 =	sand.u32 $0x4000, s31;
	s1 =	sadd.s32 s1, s30  }
0xba: {  	s0 =	sor.u32 s3, s0;
	s1 =	sshll.u32 s1, $0x11  }
0xbb: {  	s0 =	sor.u32 s1, s0  }
0xbc: {  	s0 =	sadd.s32 $0x8F2B, s0  }
0xbd: {  	[sflag:s0] =	ssyncadd.remote.s32 $0x1  }
0xbe: {  	_ =	sfence.sel $0xFFFF  }
0xbf: {  	[dreg:$0x0] =	wrdreg $0xFFFFFFFF;
	(pc) =	sbr.abs _section_cstart, $3  }
0xc0: {  	[dreg:$0x1] =	wrdreg $0xFFFFFFFF  }
0xc1: {  	_ =	task.clear_ibuf [dreg:s6], $0x2FFFF;
	_ =	strace $0x9FFFFFFF  }
0xc2: {  	(tm) =	ssettm $0x7FFFFFFF  }
0xc3: {  	_ =	shalt  }
tec
execute0_lowered:
.L_overlay_start_1:
0x0: {  	(tag) =	ssettag $0x1  }
0x1: {  	s5 =	rddreg [dreg:$0x0]  }
0x2: {  	s2 =	rddreg [dreg:$0x1]  }
0x3: {  	s3 =	simm.s32 $0x0;
	s4 =	srdreg.scid;
	s1 =	stileid.u32  }
0x4: {  	s21 =	simm.s32 $0x200;
	s22 =	simm.s32 $0x100;
	s23 =	simm.s32 $0x180  }
0x5: {  	s28 =	simm.s32 $0x2;
	s29 =	simm.s32 $0x0;
	s8 =	smul.u32 $0x50000, s1  }
0x6: {  	[smem:$0x7FF] =	sst s3;
	s9 =	sand.u32 $0x1, s4;
	s16 =	smul.u32 $0x5000, s1  }
0x7: {  	s25 =	sshll.u32 s1, $0x1;
	s4 =	sadd.s32 $0x9E00, s5;
	s6 =	smul.u32 $0x28000, s9  }
0x8: {  	s18 =	sadd.s32 $0x3BE00, s5;
	s17 =	sadd.s32 $0x31E00, s5;
	s19 =	smul.u32 $0x2800, s9  }
0x9: {  	s7 =	sor.u32 s9, s25;
	s26 =	ssub.s32 $0x2, s9;
	s25 =	smul.u32 $0x2800, s1  }
0xa: {  	_ =	strace $0x8000004A;
	s7 =	smul.u32 $0x2800, s7;
	s30 =	sshrl.u32 s26, $0x1  }
0xb: {  	s8 =	sshrl.u32 s8, $0x2;
	s14 =	sadd.s32 s6, s5;
	s15 =	ssub.s32 s26, s30  }
0xc: {  	s8 =	sadd.s32 s8, s2;
	s16 =	sadd.s32 s19, s16;
	s26 =	simm.s32 $0x1  }
0xd: {  	s7 =	sshrl.u32 s7, $0x3;
	s11 =	sadd.s32 $0x8000, s8;
	s12 =	sadd.s32 $0xC000, s8  }
0xe: {  	s13 =	sadd.s32 $0x10000, s8;
	s24 =	sadd.s32 $0x45E00, s14;
	s19 =	sor.u32 $0x180, s16  }
0xf: {  	s14 =	smax.u32 s15, $0x1;
	s20 =	sor.u32 $0x100, s16;
	s5 =	sadd.s32 s18, s7  }
0x10: {  	s6 =	sadd.s32 s17, s7;
	s10 =	sor.u32 $0x10, s7;
	s19 =	sshrl.u32 s19, $0x3  }
0x11: {  	s31 =	sshrl.u32 s20, $0x3;
	s20 =	simm.s32 $0x80;
	s24 =	sadd.s32 s25, s24  }
0x12: {  	s25 =	simm.s32 $0x4200;
	s7 =	sadd.s32 s18, s10;
	s9 =	sadd.s32 s17, s10  }
0x13: {  	s10 =	sadd.s32 $0x4000, s8;
	s15 =	sadd.s32 s19, s17;
	s16 =	sadd.s32 s19, s18  }
0x14: {  	v0 =	vimm.f32 $0.0e+00;
	s17 =	sadd.s32 s31, s17;
	s18 =	sadd.s32 s31, s18;
	s19 =	simm.s32 $0x3  }
.LBB2_1:
0x15: {  	[tilespmem:s3], [sflag:$0x3] =	stream.linear.gather [hbm4b:s5+s3], $0x80, $0x38;
	[tilespmem:$0x1C200] =	vst v63  }
0x16: {  	_ =	swait.ge [sflag:s19], $0x80  }
0x17: {  	[sflag:s19] =	ssyncset.done $0x0  }
0x18: {  	[sflag:s19] =	ssyncadd.s32 $0xFFFFFF80  }
0x19: {  	[tilespmem:s20], [sflag:$0x3] =	stream.linear.gather [hbm4b:s6+s3], $0x80, $0x38;
	[tilespmem:$0x1C200] =	vst v63  }
0x1a: {  	_ =	swait.ge [sflag:s19], $0x80  }
0x1b: {  	[sflag:s19] =	ssyncset.done $0x0  }
0x1c: {  	[sflag:s19] =	ssyncadd.s32 $0xFFFFFF80  }
0x1d: {  	[tilespmem:s21], [sflag:$0x1] =	stream.indirect.gather [hbm4b:s4+s20], $0x80, s3, s20, $0xb8;
	[tilespmem:$0x1C200] =	vst v63  }
0x1e: {  	_ = 	snop  }
0x1f: {  	[tilespmem:s22], [sflag:$0x3] =	stream.linear.gather [hbm4b:s7+s3], $0x80, $0x38;
	[tilespmem:$0x1C200] =	vst v63  }
0x20: {  	_ =	swait.ge [sflag:s19], $0x80  }
0x21: {  	[sflag:s19] =	ssyncset.done $0x0  }
0x22: {  	[sflag:s19] =	ssyncadd.s32 $0xFFFFFF80  }
0x23: {  	[tilespmem:s23], [sflag:$0x3] =	stream.linear.gather [hbm4b:s9+s3], $0x80, $0x38;
	[tilespmem:$0x1C200] =	vst v63  }
0x24: {  	_ =	swait.ge [sflag:s19], $0x80  }
0x25: {  	[sflag:s19] =	ssyncset.done $0x0  }
0x26: {  	s30 =	simm.s32 $0x0;
	s31 =	simm.s32 $0x200;
	[sflag:s19] =	ssyncadd.s32 $0xFFFFFF80  }
.LBB2_2:
0x27: {  	p0 =	sne.s32 s31, $0xFE00;
	[tilespmem:s30+$0x4270] =	vst v0  }
0x28: {  	[tilespmem:s30+$0x4200] =	vst v0  }
0x29: {  	[tilespmem:s30+$0x4210] =	vst v0  }
.Ltmp0:
0x2a: {  	[tilespmem:s30+$0x4220] =	vst v0;
	(pc) =	sbr.rel @p0 .LBB2_2-.Ltmp0, $4  }
0x2b: {  	[tilespmem:s30+$0x4230] =	vst v0  }
0x2c: {  	[tilespmem:s30+$0x4240] =	vst v0  }
0x2d: {  	[tilespmem:s30+$0x4250] =	vst v0  }
0x2e: {  	[tilespmem:s30+$0x4260] =	vst v0;
	s30 =	sshra.s32 s31, $0x2;
	s31 =	sadd.s32 $0x200, s31  }
0x2f: {  	[tilespmem:s30+$0x4270] =	vst v0  }
0x30: {  	[tilespmem:s30+$0x4200] =	vst v0  }
0x31: {  	[tilespmem:s30+$0x4210] =	vst v0  }
0x32: {  	[tilespmem:s30+$0x4220] =	vst v0  }
0x33: {  	[tilespmem:s30+$0x4230] =	vst v0  }
0x34: {  	[tilespmem:s30+$0x4240] =	vst v0  }
0x35: {  	[tilespmem:s30+$0x4250] =	vst v0  }
0x36: {  	[tilespmem:s30+$0x4260] =	vst v0  }
0x37: {  	[spmem:s8] =	stream.linear.scatter [tilespmem:s25], [sflag:$0x3], $0x4000, $0x38;
	[tilespmem:$0x1C200] =	vst v63  }
0x38: {  	_ =	swait.ge [sflag:s19], $0x4000  }
0x39: {  	[sflag:s19] =	ssyncset.done $0x0  }
0x3a: {  	[sflag:s19] =	ssyncadd.s32 $0xFFFFC000  }
0x3b: {  	[spmem:s10] =	stream.linear.scatter [tilespmem:s25], [sflag:$0x3], $0x4000, $0x38;
	[tilespmem:$0x1C200] =	vst v63  }
0x3c: {  	_ =	swait.ge [sflag:s19], $0x4000  }
0x3d: {  	[sflag:s19] =	ssyncset.done $0x0  }
0x3e: {  	[sflag:s19] =	ssyncadd.s32 $0xFFFFC000  }
0x3f: {  	[spmem:s11] =	stream.linear.scatter [tilespmem:s25], [sflag:$0x3], $0x4000, $0x38;
	[tilespmem:$0x1C200] =	vst v63  }
0x40: {  	_ =	swait.ge [sflag:s19], $0x4000  }
0x41: {  	[sflag:s19] =	ssyncset.done $0x0  }
0x42: {  	[sflag:s19] =	ssyncadd.s32 $0xFFFFC000  }
0x43: {  	[spmem:s12] =	stream.linear.scatter [tilespmem:s25], [sflag:$0x3], $0x4000, $0x38;
	[tilespmem:$0x1C200] =	vst v63  }
0x44: {  	_ =	swait.ge [sflag:s19], $0x4000  }
0x45: {  	[sflag:s19] =	ssyncset.done $0x0  }
0x46: {  	[sflag:s19] =	ssyncadd.s32 $0xFFFFC000  }
0x47: {  	[spmem:s13] =	stream.linear.scatter [tilespmem:s25], [sflag:$0x3], $0x4000, $0x38;
	[tilespmem:$0x1C200] =	vst v63  }
0x48: {  	_ =	swait.ge [sflag:s19], $0x4000  }
0x49: {  	[sflag:s19] =	ssyncset.done $0x0  }
0x4a: {  	[sflag:s19] =	ssyncadd.s32 $0xFFFFC000  }
0x4b: {  	[bflag:$0x0] =	sbarrier.arrive $0xFFFF  }
0x4c: {  	[tilespmem:s25], [sflag:$0x2] =	stream.indirect.gather [hbm4b:s4+s20], $0x80, s22, s20, $0xb8;
	[tilespmem:$0x1C200] =	vst v63  }
0x4d: {  	_ =	swait.ge [sflag:s26], $0x4000  }
0x4e: {  	[sflag:s26] =	ssyncset.done $0x0  }
0x4f: {  	[sflag:s26] =	ssyncadd.s32 $0xFFFFC000  }
0x50: {  	[spmem:s2] =	stream.indirect.scatter.add.f32 [tilespmem:s21], [sflag:$0x3], $0x80, s20, s20, $0xb8;
	[tilespmem:$0x1C200] =	vst v63  }
0x51: {  	_ =	swait.ge [sflag:s19], $0x4000  }
0x52: {  	[sflag:s19] =	ssyncset.done $0x0  }
0x53: {  	s30 =	sadd.s32 $0x0, s18;
	[sflag:s19] =	ssyncadd.s32 $0xFFFFC000  }
0x54: {  	[tilespmem:s3], [sflag:$0x3] =	stream.linear.gather [hbm4b:s30+s3], $0x80, $0x38;
	[tilespmem:$0x1C200] =	vst v63  }
0x55: {  	_ =	swait.ge [sflag:s19], $0x80  }
0x56: {  	[sflag:s19] =	ssyncset.done $0x0  }
0x57: {  	s30 =	sadd.s32 $0x0, s17;
	[sflag:s19] =	ssyncadd.s32 $0xFFFFFF80  }
0x58: {  	[tilespmem:s20], [sflag:$0x3] =	stream.linear.gather [hbm4b:s30+s3], $0x80, $0x38;
	[tilespmem:$0x1C200] =	vst v63  }
0x59: {  	_ =	swait.ge [sflag:s19], $0x80  }
0x5a: {  	[sflag:s19] =	ssyncset.done $0x0  }
0x5b: {  	[sflag:s19] =	ssyncadd.s32 $0xFFFFFF80  }
0x5c: {  	[tilespmem:s21], [sflag:$0x1] =	stream.indirect.gather [hbm4b:s4+s20], $0x80, s3, s20, $0xb8;
	[tilespmem:$0x1C200] =	vst v63  }
0x5d: {  	_ =	swait.ge [sflag:s28], $0x4000  }
0x5e: {  	[sflag:s28] =	ssyncset.done $0x0  }
0x5f: {  	[sflag:s28] =	ssyncadd.s32 $0xFFFFC000  }
0x60: {  	[spmem:s2] =	stream.indirect.scatter.add.f32 [tilespmem:s25], [sflag:$0x3], $0x80, s23, s20, $0xb8;
	[tilespmem:$0x1C200] =	vst v63  }
0x61: {  	_ =	swait.ge [sflag:s19], $0x4000  }
0x62: {  	[sflag:s19] =	ssyncset.done $0x0  }
0x63: {  	s30 =	sadd.s32 $0x0, s16;
	[sflag:s19] =	ssyncadd.s32 $0xFFFFC000  }
0x64: {  	[tilespmem:s22], [sflag:$0x3] =	stream.linear.gather [hbm4b:s30+s3], $0x80, $0x38;
	[tilespmem:$0x1C200] =	vst v63  }
0x65: {  	_ =	swait.ge [sflag:s19], $0x80  }
0x66: {  	[sflag:s19] =	ssyncset.done $0x0  }
0x67: {  	s30 =	sadd.s32 $0x0, s15;
	[sflag:s19] =	ssyncadd.s32 $0xFFFFFF80  }
0x68: {  	[tilespmem:s23], [sflag:$0x3] =	stream.linear.gather [hbm4b:s30+s3], $0x80, $0x38;
	[tilespmem:$0x1C200] =	vst v63  }
0x69: {  	_ =	swait.ge [sflag:s19], $0x80  }
0x6a: {  	[sflag:s19] =	ssyncset.done $0x0  }
0x6b: {  	s30 =	simm.s32 $0x20;
	[sflag:s19] =	ssyncadd.s32 $0xFFFFFF80  }
.LBB2_4:
0x6c: {  	[tilespmem:s25], [sflag:$0x2] =	stream.indirect.gather [hbm4b:s4+s20], $0x80, s22, s20, $0xb8;
	[tilespmem:$0x1C200] =	vst v63  }
0x6d: {  	s31 =	smov.u32 s30  }
0x6e: {  	p0 =	sne.s32 s30, $0x4C0;
	s30 =	sadd.s32 $0x20, s30;
	_ =	swait.ge [sflag:s26], $0x4000  }
0x6f: {  	[sflag:s26] =	ssyncset.done $0x0  }
0x70: {  	[sflag:s26] =	ssyncadd.s32 $0xFFFFC000  }
0x71: {  	[spmem:s2] =	stream.indirect.scatter.add.f32 [tilespmem:s21], [sflag:$0x3], $0x80, s20, s20, $0xb8;
	[tilespmem:$0x1C200] =	vst v63  }
0x72: {  	_ =	swait.ge [sflag:s19], $0x4000  }
0x73: {  	[sflag:s19] =	ssyncset.done $0x0  }
0x74: {  	s0 =	sadd.s32 s31, s18;
	[sflag:s19] =	ssyncadd.s32 $0xFFFFC000  }
0x75: {  	[tilespmem:s3], [sflag:$0x3] =	stream.linear.gather [hbm4b:s0+s3], $0x80, $0x38;
	[tilespmem:$0x1C200] =	vst v63  }
0x76: {  	_ =	swait.ge [sflag:s19], $0x80  }
0x77: {  	[sflag:s19] =	ssyncset.done $0x0  }
0x78: {  	s0 =	sadd.s32 s31, s17;
	[sflag:s19] =	ssyncadd.s32 $0xFFFFFF80  }
0x79: {  	[tilespmem:s20], [sflag:$0x3] =	stream.linear.gather [hbm4b:s0+s3], $0x80, $0x38;
	[tilespmem:$0x1C200] =	vst v63  }
0x7a: {  	_ =	swait.ge [sflag:s19], $0x80  }
0x7b: {  	[sflag:s19] =	ssyncset.done $0x0  }
0x7c: {  	[sflag:s19] =	ssyncadd.s32 $0xFFFFFF80  }
0x7d: {  	[tilespmem:s21], [sflag:$0x1] =	stream.indirect.gather [hbm4b:s4+s20], $0x80, s3, s20, $0xb8;
	[tilespmem:$0x1C200] =	vst v63  }
0x7e: {  	_ =	swait.ge [sflag:s28], $0x4000  }
0x7f: {  	[sflag:s28] =	ssyncset.done $0x0  }
0x80: {  	[sflag:s28] =	ssyncadd.s32 $0xFFFFC000  }
0x81: {  	[spmem:s2] =	stream.indirect.scatter.add.f32 [tilespmem:s25], [sflag:$0x3], $0x80, s23, s20, $0xb8;
	[tilespmem:$0x1C200] =	vst v63  }
0x82: {  	_ =	swait.ge [sflag:s19], $0x4000  }
0x83: {  	[sflag:s19] =	ssyncset.done $0x0  }
0x84: {  	s0 =	sadd.s32 s31, s16;
	[sflag:s19] =	ssyncadd.s32 $0xFFFFC000  }
0x85: {  	[tilespmem:s22], [sflag:$0x3] =	stream.linear.gather [hbm4b:s0+s3], $0x80, $0x38;
	[tilespmem:$0x1C200] =	vst v63  }
0x86: {  	_ =	swait.ge [sflag:s19], $0x80  }
0x87: {  	[sflag:s19] =	ssyncset.done $0x0  }
.Ltmp1:
0x88: {  	s0 =	sadd.s32 s31, s15;
	[sflag:s19] =	ssyncadd.s32 $0xFFFFFF80;
	(pc) =	sbr.rel @p0 .LBB2_4-.Ltmp1, $4  }
0x89: {  	[tilespmem:s23], [sflag:$0x3] =	stream.linear.gather [hbm4b:s0+s3], $0x80, $0x38;
	[tilespmem:$0x1C200] =	vst v63  }
0x8a: {  	_ =	swait.ge [sflag:s19], $0x80  }
0x8b: {  	[sflag:s19] =	ssyncset.done $0x0  }
0x8c: {  	[sflag:s19] =	ssyncadd.s32 $0xFFFFFF80  }
0x8d: {  	[tilespmem:s25], [sflag:$0x2] =	stream.indirect.gather [hbm4b:s4+s20], $0x80, s22, s20, $0xb8;
	[tilespmem:$0x1C200] =	vst v63  }
0x8e: {  	_ =	swait.ge [sflag:s26], $0x4000  }
0x8f: {  	[sflag:s26] =	ssyncset.done $0x0  }
0x90: {  	[sflag:s26] =	ssyncadd.s32 $0xFFFFC000  }
0x91: {  	[spmem:s2] =	stream.indirect.scatter.add.f32 [tilespmem:s21], [sflag:$0x3], $0x80, s20, s20, $0xb8;
	[tilespmem:$0x1C200] =	vst v63  }
0x92: {  	_ =	swait.ge [sflag:s19], $0x4000  }
0x93: {  	[sflag:s19] =	ssyncset.done $0x0  }
0x94: {  	[sflag:s19] =	ssyncadd.s32 $0xFFFFC000  }
0x95: {  	[tilespmem:s3], [sflag:$0x3] =	stream.linear.gather [hbm4b:s5+s3], $0x80, $0x38;
	[tilespmem:$0x1C200] =	vst v63  }
0x96: {  	_ =	swait.ge [sflag:s19], $0x80  }
0x97: {  	[sflag:s19] =	ssyncset.done $0x0  }
0x98: {  	[sflag:s19] =	ssyncadd.s32 $0xFFFFFF80  }
0x99: {  	[tilespmem:s20], [sflag:$0x3] =	stream.linear.gather [hbm4b:s6+s3], $0x80, $0x38;
	[tilespmem:$0x1C200] =	vst v63  }
0x9a: {  	_ =	swait.ge [sflag:s19], $0x80  }
0x9b: {  	[sflag:s19] =	ssyncset.done $0x0  }
0x9c: {  	[sflag:s19] =	ssyncadd.s32 $0xFFFFFF80  }
0x9d: {  	[tilespmem:s21], [sflag:$0x1] =	stream.indirect.gather [hbm4b:s4+s20], $0x80, s3, s20, $0xb8;
	[tilespmem:$0x1C200] =	vst v63  }
0x9e: {  	_ =	swait.ge [sflag:s28], $0x4000  }
0x9f: {  	[sflag:s28] =	ssyncset.done $0x0  }
0xa0: {  	[sflag:s28] =	ssyncadd.s32 $0xFFFFC000  }
0xa1: {  	[spmem:s2] =	stream.indirect.scatter.add.f32 [tilespmem:s25], [sflag:$0x3], $0x80, s23, s20, $0xb8;
	[tilespmem:$0x1C200] =	vst v63  }
0xa2: {  	_ =	swait.ge [sflag:s19], $0x4000  }
0xa3: {  	[sflag:s19] =	ssyncset.done $0x0  }
0xa4: {  	[sflag:s19] =	ssyncadd.s32 $0xFFFFC000  }
0xa5: {  	[tilespmem:s22], [sflag:$0x3] =	stream.linear.gather [hbm4b:s7+s3], $0x80, $0x38;
	[tilespmem:$0x1C200] =	vst v63  }
0xa6: {  	_ =	swait.ge [sflag:s19], $0x80  }
0xa7: {  	[sflag:s19] =	ssyncset.done $0x0  }
0xa8: {  	[sflag:s19] =	ssyncadd.s32 $0xFFFFFF80  }
0xa9: {  	[tilespmem:s23], [sflag:$0x3] =	stream.linear.gather [hbm4b:s9+s3], $0x80, $0x38;
	[tilespmem:$0x1C200] =	vst v63  }
0xaa: {  	_ =	swait.ge [sflag:s19], $0x80  }
0xab: {  	[sflag:s19] =	ssyncset.done $0x0  }
0xac: {  	[sflag:s19] =	ssyncadd.s32 $0xFFFFFF80  }
0xad: {  	[tilespmem:s25], [sflag:$0x2] =	stream.indirect.gather [hbm4b:s4+s20], $0x80, s22, s20, $0xb8;
	[tilespmem:$0x1C200] =	vst v63  }
0xae: {  	_ =	swait.ge [sflag:s26], $0x4000  }
0xaf: {  	[sflag:s26] =	ssyncset.done $0x0  }
0xb0: {  	[sflag:s26] =	ssyncadd.s32 $0xFFFFC000  }
0xb1: {  	_ =	swait.ge [sflag:s28], $0x4000  }
0xb2: {  	s0 =	sshll.u32 s1, $0x6;
	s29 =	sadd.s32 $0x1, s29;
	[sflag:s28] =	ssyncset.done $0x0  }
0xb3: {  	s30 =	sshrl.u32 s8, $0x3;
	p0 =	sne.s32 s29, s14;
	[sflag:s28] =	ssyncadd.s32 $0xFFFFC000  }
.Ltmp2:
0xb4: {  	s0 =	sor.u32 $0x1C03, s0;
	[bflag:$0x0] =	sbarrier.arrive $0xFFFF;
	(pc) =	sbr.rel @p0 .LBB2_1-.Ltmp2, $4  }
0xb5: {  	[hbm:s24], [sflag:s0] =	dma.local [spmem:s30], $0x2800  }
0xb6: {  	_ =	swait.ge [sflag:s19], $0x2800  }
0xb7: {  	[sflag:s19] =	ssyncset.done $0x0  }
0xb8: {  	[sflag:s19] =	ssyncadd.s32 $0xFFFFD800  }
0xb9: {  	_ =	sfence.sel $0x180000  }
0xba: {  	[bflag:$0x0] =	sbarrier.arrive $0xFFFF  }
0xbb: {  	_ =	strace $0x9000004A  }
0xbc: {  	[bflag:$0x2] =	sbarrier.arrive $0xFFFF  }
0xbd: {  	p0 =	sne.s32 s1, $0x0;
	s0 =	rddreg [dreg:$0x2]  }
0xbe: {  	s0 =	sadd.s32 @!p0 $0x100000, s0  }
0xbf: {  	[sflag:s0] =	ssyncadd.tile.s32 @!p0 $0x1;
	_ =	shalt  }
.Lfunc_end2:
_tile_overlayer_lowered:
.L_overlay_start_2:
0xc0: {  	(tag) =	ssettag $0x2  }
0xc1: {  	s0 =	rddreg [dreg:$0x0];
	s2 =	stileid.u32  }
0xc2: {  	s1 =	rddreg [dreg:$0x1];
	p0 =	sne.s32 s2, $0x0  }
0xc3: {  	s3 =	rddreg [dreg:$0x2];
	[bflag:$0x3] =	sbarrier.arrive $0xFFFF;
	s2 =	simm.s32 @!p0 $0x1C03  }
0xc4: {  	[timem:s3], [sflag:s2] =	dma.local @!p0 [hbm:s0], s1  }
0xc5: {  	s0 =	simm.s32 @!p0 $0x3  }
0xc6: {  	_ =	swait.ge @!p0 [sflag:s0], s1  }
0xc7: {  	s1 =	ssub.s32 @!p0 $0x0, s1;
	[sflag:s0] =	ssyncset.done @!p0 $0x0  }
0xc8: {  	[sflag:s0] =	ssyncadd.s32 @!p0 s1  }
0xc9: {  	[bflag:$0x3] =	sbarrier.arrive $0xFFFF  }
0xca: {  	_ =	shalt  }

// kernel: kernel.17.cloned.1.call-start
scs
__scs_entry_jumppad:
0x0: {  	(pc) =	sbr.rel $0x88, $3  }
0x1: {  	(tag) =	ssettag $0x0;
	lr =	simm.s32 $0x1  }
0x2: {  	[smem:$0x3F68] =	sst lr;
	_ =	strace $0xD0000000  }
0x3: {  	_ = 	snop  }
0x4: {  	_ = 	snop  }
0x5: {  	_ = 	snop  }
0x6: {  	_ = 	snop  }
0x7: {  	_ = 	snop  }
__scs_overlays_trampoline_lowered:
0x8: {  	[smem:$0x3F77] =	sst s0  }
0x9: {  	[smem:$0x3F78] =	sst s1  }
0xa: {  	[smem:$0x3F79] =	sst s2  }
0xb: {  	[smem:$0x3F7A] =	sst s3  }
0xc: {  	[smem:$0x3F7B] =	sst s4  }
0xd: {  	[smem:$0x3F7C] =	sst s5  }
0xe: {  	[smem:$0x3F7D] =	sst s6  }
0xf: {  	[smem:$0x3F7E] =	sst s7  }
0x10: {  	[smem:$0x3F7F] =	sst s8  }
0x11: {  	[smem:$0x3F80] =	sst s9;
	s0 =	simm.s32 @!p0 $0x0  }
0x12: {  	s1 =	sld [smem:$0x3F66];
	s0 =	simm.s32 @p0 $0x1  }
0x13: {  	[smem:$0x3F81] =	sst s0;
	s0 =	simm.s32 @!p1 $0x0  }
0x14: {  	s2 =	sld [smem:$0x3F65];
	s0 =	simm.s32 @p1 $0x1  }
0x15: {  	[smem:$0x3F82] =	sst s0;
	s0 =	simm.s32 @!p2 $0x0  }
0x16: {  	s3 =	sld [smem:$0x3FDB];
	s0 =	simm.s32 @p2 $0x1  }
0x17: {  	s4 =	simm.s32 $0x1BF5;
	[smem:$0x3F84] =	sst s0  }
0x18: {  	s0 =	sld [smem:$0x3F67];
	_ =	swait.ge [sflag:s4], $0x0  }
0x19: {  	s7 =	sld [smem:$0x3F68]  }
0x1a: {  	s8 =	sadd.s32 $0xFFFFE003, lr  }
0x1b: {  	s9 =	sadd.s32 $0xFFFFFEF7, lr;
	s5 =	simm.s32 $0xFFFFFFFF;
	p2 =	slt.u32 s8, $0xFFFFF086  }
0x1c: {  	p1 =	slt.u32 s9, $0xF7A;
	s5 =	simm.s32 @!p2 $0x0  }
0x1d: {  	s5 =	simm.s32 @p1 $0x1;
	p0 =	seq.s32 s7, s2  }
0x1e: {  	s7 =	smul.u32 @!p0 $0xF7A, s2;
	p2 =	seq.s32 @!p0 s5, $0x0  }
0x1f: {  	s9 =	smul.u32 $0xF7A, s1;
	s8 =	simm.s32 @!p0 $0x1BF5;
	p2 =	por !p2, p0  }
0x20: {  	[sflag:s8] =	ssyncset.s32 @!p0 $0xFFFFF086;
	s6 =	sadd.s32 @!p0 s3, s7;
	s7 =	simm.s32 @!p0 $0x108  }
0x21: {  	s3 =	sadd.s32 s3, s9;
	s6 =	sadd.s32 @!p0 $0x88, s6;
	s7 =	simm.s32 @p2 $0x1082  }
0x22: {  	[simem:s7], [sflag:s8] =	dma.local @!p0 [hbm:s6], $0xF7A  }
0x23: {  	s9 =	sor.u32 $0xD0000000, s2;
	s6 =	simm.s32 $0x108;
	_ =	swait.ge @!p0 [sflag:s8], $0x0  }
0x24: {  	s3 =	sadd.s32 $0x88, s3;
	s6 =	simm.s32 @!p1 $0x1082;
	[sflag:s4] =	ssyncset.s32 $0xFFFFF086  }
0x25: {  	[simem:s6], [sflag:s4] =	dma.local [hbm:s3], $0xF7A  }
0x26: {  	[smem:$0x3F68] =	sst s1;
	(tag) =	ssettag s2;
	_ =	strace s9  }
0x27: {  	s1 =	sld [smem:$0x3F78]  }
0x28: {  	s2 =	sld [smem:$0x3F79]  }
0x29: {  	s4 =	sld [smem:$0x3F7B]  }
0x2a: {  	p0 =	seq.s32 s5, $0x0;
	s5 =	sld [smem:$0x3F7C]  }
0x2b: {  	s6 =	sld [smem:$0x3F7D]  }
0x2c: {  	s7 =	sld [smem:$0x3F7E]  }
0x2d: {  	s3 =	simm.s32 $0x108;
	s8 =	sld [smem:$0x3F7F]  }
0x2e: {  	s3 =	simm.s32 @!p0 $0x1082;
	s9 =	sld [smem:$0x3F80]  }
0x2f: {  	lr =	sadd.s32 s0, s3;
	s0 =	sld [smem:$0x3F77]  }
0x30: {  	s3 =	sld [smem:$0x3F7A]  }
0x31: {  	[smem:$0x3F83] =	sst s10  }
0x32: {  	s10 =	sld [smem:$0x3F81];
	_ =	sdelay $0x3  }
0x33: {  	p0 =	seq.s32 s10, $0x1;
	s10 =	sld [smem:$0x3F83];
	_ =	sdelay $0x3  }
0x34: {  	[smem:$0x3F83] =	sst s10  }
0x35: {  	s10 =	sld [smem:$0x3F82];
	_ =	sdelay $0x3  }
0x36: {  	p1 =	seq.s32 s10, $0x1;
	s10 =	sld [smem:$0x3F83];
	_ =	sdelay $0x3  }
0x37: {  	[smem:$0x3F83] =	sst s10  }
0x38: {  	s10 =	sld [smem:$0x3F84]  }
0x39: {  	_ = 	snop;
	(pc) =	sbr.ind lr, $3  }
0x3a: {  	_ = 	snop  }
0x3b: {  	_ = 	snop  }
0x3c: {  	p2 =	seq.s32 s10, $0x1;
	s10 =	sld [smem:$0x3F83]  }
0x3d: {  	_ =	shalt  }
0x3e: {  	_ =	shalt  }
0x3f: {  	_ =	shalt  }
0x40: {  	_ =	shalt  }
0x41: {  	_ =	shalt  }
0x42: {  	_ =	shalt  }
0x43: {  	_ =	shalt  }
0x44: {  	_ =	shalt  }
0x45: {  	_ =	shalt  }
0x46: {  	_ =	shalt  }
0x47: {  	_ =	shalt  }
0x48: {  	_ =	shalt  }
0x49: {  	_ =	shalt  }
0x4a: {  	_ =	shalt  }
0x4b: {  	_ =	shalt  }
0x4c: {  	_ =	shalt  }
0x4d: {  	_ =	shalt  }
0x4e: {  	_ =	shalt  }
0x4f: {  	_ =	shalt  }
0x50: {  	_ =	shalt  }
0x51: {  	_ =	shalt  }
0x52: {  	_ =	shalt  }
0x53: {  	_ =	shalt  }
0x54: {  	_ =	shalt  }
0x55: {  	_ =	shalt  }
0x56: {  	_ =	shalt  }
0x57: {  	_ =	shalt  }
0x58: {  	_ =	shalt  }
0x59: {  	_ =	shalt  }
0x5a: {  	_ =	shalt  }
0x5b: {  	_ =	shalt  }
0x5c: {  	_ =	shalt  }
0x5d: {  	_ =	shalt  }
0x5e: {  	_ =	shalt  }
0x5f: {  	_ =	shalt  }
0x60: {  	_ =	shalt  }
0x61: {  	_ =	shalt  }
0x62: {  	_ =	shalt  }
0x63: {  	_ =	shalt  }
0x64: {  	_ =	shalt  }
0x65: {  	_ =	shalt  }
0x66: {  	_ =	shalt  }
0x67: {  	_ =	shalt  }
0x68: {  	_ =	shalt  }
0x69: {  	_ =	shalt  }
0x6a: {  	_ =	shalt  }
0x6b: {  	_ =	shalt  }
0x6c: {  	_ =	shalt  }
0x6d: {  	_ =	shalt  }
0x6e: {  	_ =	shalt  }
0x6f: {  	_ =	shalt  }
0x70: {  	_ =	shalt  }
0x71: {  	_ =	shalt  }
0x72: {  	_ =	shalt  }
0x73: {  	_ =	shalt  }
0x74: {  	_ =	shalt  }
0x75: {  	_ =	shalt  }
0x76: {  	_ =	shalt  }
0x77: {  	_ =	shalt  }
0x78: {  	_ =	shalt  }
0x79: {  	_ =	shalt  }
0x7a: {  	_ =	shalt  }
0x7b: {  	_ =	shalt  }
0x7c: {  	_ =	shalt  }
0x7d: {  	_ =	shalt  }
0x7e: {  	_ =	shalt  }
0x7f: {  	_ =	shalt  }
0x80: {  	_ =	shalt  }
0x81: {  	_ =	shalt  }
0x82: {  	_ =	shalt  }
0x83: {  	_ =	shalt  }
0x84: {  	_ =	shalt  }
0x85: {  	_ =	shalt  }
0x86: {  	_ =	shalt  }
0x87: {  	_ =	shalt  }
.Lfunc_end0:
.L_simem_size_0:
called_computation.2_lowered:
.L_overlay_start_0:
0x88: {  	s2 =	sld [smem:$0x3FD9]  }
0x89: {  	s3 =	sld [smem:$0x3FFE];
	_ =	sdelay $0x1  }
0x8a: {  	s1 =	srdreg.scid  }
0x8b: {  	s0 =	sand.u32 $0x1, s1  }
0x8c: {  	s16 =	sshll.u32 s0, $0xA;
	s2 =	sadd.s32 s3, s2  }
0x8d: {  	s2 =	sadd.s32 s2, s16  }
0x8e: {  	[smem:$0x3F8F] =	sst s2  }
0x8f: {  	_ = 	snop  }
0x90: {  	(tm) =	ssettm $0x1  }
0x91: {  	s17 =	sld [smem:$0x3FFB];
	_ =	sdelay $0x3  }
0x92: {  	_ =	strace s17  }
0x93: {  	s2 =	sld [smem:$0x3FFC];
	_ =	sdelay $0x3  }
0x94: {  	_ =	strace s2  }
0x95: {  	s2 =	sld [smem:$0x3FFD];
	_ =	sdelay $0x3  }
0x96: {  	_ =	strace s2  }
0x97: {  	_ =	strace $0x8FFFFFFF  }
0x98: {  	s18 =	sld [smem:$0x3FDB];
	_ =	sdelay $0x1  }
0x99: {  	s19 =	simm.s32 $_scs_section_size  }
0x9a: {  	s4 =	simm.s32 $_size__tile_overlayer_lowered;
	s5 =	simm.s32 $_tile_overlayer_lowered  }
0x9b: {  	s22 =	simm.s32 $0x1BFF;
	s21 =	sshll.u32 s5, $0x1;
	s2 =	sadd.s32 s19, s18  }
0x9c: {  	s6 =	simm.s32 $0x0;
	s20 =	sshll.u32 s4, $0x1;
	s4 =	sadd.s32 s21, s2  }
0x9d: {  	[timem:s6], [sflag:s22] =	dma.local [hbm:s4], s20  }
0x9e: {  	_ =	swait.ge [sflag:s22], s20  }
0x9f: {  	s3 =	ssub.s32 $0x0, s20;
	[sflag:s22] =	ssyncset.done $0x0  }
0xa0: {  	[sflag:s22] =	ssyncadd.s32 s3;
	_ =	sdelay $0x1  }
0xa1: {  	s23 =	simm.s32 $0x1B8B  }
0xa2: {  	_ =	swait.ge [sflag:s23], $0x1  }
0xa3: {  	[sflag:s23] =	ssyncset.done $0x0  }
0xa4: {  	s25 =	simm.s32 $0x1B8E;
	s24 =	sld [smem:$0x3FFE];
	[sflag:s23] =	ssyncadd.s32 $0xFFFFFFFF  }
0xa5: {  	s26 =	simm.s32 $execute0_lowered;
	[smem:$0x3FD2] =	sst s25  }
0xa6: {  	s4 =	sshll.u32 s26, $0x1;
	_ =	strace $0x8000004C;
	[dreg:$0x1] =	wrdreg $0xFFFFFFFF  }
0xa7: {  	s28 =	simm.s32 $_size_execute0_lowered;
	s2 =	sadd.s32 s2, s4;
	[dreg:$0x0] =	wrdreg $0x0  }
0xa8: {  	s4 =	sshll.u32 s28, $0x1;
	[dreg:$0x2] =	wrdreg s2  }
0xa9: {  	[dreg:$0x3] =	wrdreg s4  }
0xaa: {  	[dreg:$0x4] =	wrdreg $0xC0  }
0xab: {  	_ =	task [dreg:s6], $0x5FFFF  }
0xac: {  	[dreg:$0x1] =	wrdreg $0xFFFFFFFF  }
0xad: {  	[dreg:$0x0] =	wrdreg $0x60  }
0xae: {  	[dreg:$0x2] =	wrdreg s24  }
0xaf: {  	[dreg:$0x3] =	wrdreg $0x82000  }
0xb0: {  	[dreg:$0x4] =	wrdreg $0x9  }
0xb1: {  	_ =	task.clear_ibuf [dreg:s6], $0x5FFFF;
	_ =	strace $0x9000004C  }
0xb2: {  	s29 =	simm.s32 $0x9;
	_ =	strace $0x8000004E  }
0xb3: {  	_ =	swait.ge [sflag:s29], $0x1  }
0xb4: {  	[sflag:s29] =	ssyncadd.s32 $0xFFFFFFFF  }
0xb5: {  	_ =	strace $0x9000004E  }
0xb6: {  	_ =	sfence  }
0xb7: {  	s30 =	sld [smem:$0x0];
	_ =	sdelay $0x2  }
0xb8: {  	s31 =	sshll.u32 s1, $0xD;
	s1 =	sshrl.u32 s1, $0x2  }
0xb9: {  	s3 =	sand.u32 $0x4000, s31;
	s1 =	sadd.s32 s1, s30  }
0xba: {  	s0 =	sor.u32 s3, s0;
	s1 =	sshll.u32 s1, $0x11  }
0xbb: {  	s0 =	sor.u32 s1, s0  }
0xbc: {  	s0 =	sadd.s32 $0x8F2B, s0  }
0xbd: {  	[sflag:s0] =	ssyncadd.remote.s32 $0x1  }
0xbe: {  	_ =	sfence.sel $0xFFFF  }
0xbf: {  	[dreg:$0x0] =	wrdreg $0xFFFFFFFF;
	(pc) =	sbr.abs _section_cstart, $3  }
0xc0: {  	[dreg:$0x1] =	wrdreg $0xFFFFFFFF  }
0xc1: {  	_ =	task.clear_ibuf [dreg:s6], $0x2FFFF;
	_ =	strace $0x9FFFFFFF  }
0xc2: {  	(tm) =	ssettm $0x7FFFFFFF  }
0xc3: {  	_ =	shalt  }
tec
execute0_lowered:
.L_overlay_start_1:
0x0: {  	(tag) =	ssettag $0x1  }
0x1: {  	s5 =	rddreg [dreg:$0x0]  }
0x2: {  	s2 =	rddreg [dreg:$0x1]  }
0x3: {  	s3 =	simm.s32 $0x0;
	s4 =	srdreg.scid;
	s1 =	stileid.u32  }
0x4: {  	s21 =	simm.s32 $0x200;
	s22 =	simm.s32 $0x100;
	s23 =	simm.s32 $0x180  }
0x5: {  	s28 =	simm.s32 $0x2;
	s29 =	simm.s32 $0x0;
	s8 =	smul.u32 $0x50000, s1  }
0x6: {  	[smem:$0x7FF] =	sst s3;
	s9 =	sand.u32 $0x1, s4;
	s16 =	smul.u32 $0x5000, s1  }
0x7: {  	s25 =	sshll.u32 s1, $0x1;
	s4 =	sadd.s32 $0x9E00, s5;
	s6 =	smul.u32 $0x28000, s9  }
0x8: {  	s18 =	sadd.s32 $0x3BE00, s5;
	s17 =	sadd.s32 $0x31E00, s5;
	s19 =	smul.u32 $0x2800, s9  }
0x9: {  	s7 =	sor.u32 s9, s25;
	s26 =	ssub.s32 $0x2, s9;
	s25 =	smul.u32 $0x2800, s1  }
0xa: {  	_ =	strace $0x8000004D;
	s7 =	smul.u32 $0x2800, s7;
	s30 =	sshrl.u32 s26, $0x1  }
0xb: {  	s8 =	sshrl.u32 s8, $0x2;
	s14 =	sadd.s32 s6, s5;
	s15 =	ssub.s32 s26, s30  }
0xc: {  	s8 =	sadd.s32 s8, s2;
	s16 =	sadd.s32 s19, s16;
	s26 =	simm.s32 $0x1  }
0xd: {  	s7 =	sshrl.u32 s7, $0x3;
	s11 =	sadd.s32 $0x8000, s8;
	s12 =	sadd.s32 $0xC000, s8  }
0xe: {  	s13 =	sadd.s32 $0x10000, s8;
	s24 =	sadd.s32 $0x45E00, s14;
	s19 =	sor.u32 $0x180, s16  }
0xf: {  	s14 =	smax.u32 s15, $0x1;
	s20 =	sor.u32 $0x100, s16;
	s5 =	sadd.s32 s18, s7  }
0x10: {  	s6 =	sadd.s32 s17, s7;
	s10 =	sor.u32 $0x10, s7;
	s19 =	sshrl.u32 s19, $0x3  }
0x11: {  	s31 =	sshrl.u32 s20, $0x3;
	s20 =	simm.s32 $0x80;
	s24 =	sadd.s32 s25, s24  }
0x12: {  	s25 =	simm.s32 $0x4200;
	s7 =	sadd.s32 s18, s10;
	s9 =	sadd.s32 s17, s10  }
0x13: {  	s10 =	sadd.s32 $0x4000, s8;
	s15 =	sadd.s32 s19, s17;
	s16 =	sadd.s32 s19, s18  }
0x14: {  	v0 =	vimm.f32 $0.0e+00;
	s17 =	sadd.s32 s31, s17;
	s18 =	sadd.s32 s31, s18;
	s19 =	simm.s32 $0x3  }
.LBB2_1:
0x15: {  	[tilespmem:s3], [sflag:$0x3] =	stream.linear.gather [hbm4b:s5+s3], $0x80, $0x38;
	[tilespmem:$0x1C200] =	vst v63  }
0x16: {  	_ =	swait.ge [sflag:s19], $0x80  }
0x17: {  	[sflag:s19] =	ssyncset.done $0x0  }
0x18: {  	[sflag:s19] =	ssyncadd.s32 $0xFFFFFF80  }
0x19: {  	[tilespmem:s20], [sflag:$0x3] =	stream.linear.gather [hbm4b:s6+s3], $0x80, $0x38;
	[tilespmem:$0x1C200] =	vst v63  }
0x1a: {  	_ =	swait.ge [sflag:s19], $0x80  }
0x1b: {  	[sflag:s19] =	ssyncset.done $0x0  }
0x1c: {  	[sflag:s19] =	ssyncadd.s32 $0xFFFFFF80  }
0x1d: {  	[tilespmem:s21], [sflag:$0x1] =	stream.indirect.gather [hbm4b:s4+s20], $0x80, s3, s20, $0xb8;
	[tilespmem:$0x1C200] =	vst v63  }
0x1e: {  	_ = 	snop  }
0x1f: {  	[tilespmem:s22], [sflag:$0x3] =	stream.linear.gather [hbm4b:s7+s3], $0x80, $0x38;
	[tilespmem:$0x1C200] =	vst v63  }
0x20: {  	_ =	swait.ge [sflag:s19], $0x80  }
0x21: {  	[sflag:s19] =	ssyncset.done $0x0  }
0x22: {  	[sflag:s19] =	ssyncadd.s32 $0xFFFFFF80  }
0x23: {  	[tilespmem:s23], [sflag:$0x3] =	stream.linear.gather [hbm4b:s9+s3], $0x80, $0x38;
	[tilespmem:$0x1C200] =	vst v63  }
0x24: {  	_ =	swait.ge [sflag:s19], $0x80  }
0x25: {  	[sflag:s19] =	ssyncset.done $0x0  }
0x26: {  	s30 =	simm.s32 $0x0;
	s31 =	simm.s32 $0x200;
	[sflag:s19] =	ssyncadd.s32 $0xFFFFFF80  }
.LBB2_2:
0x27: {  	p0 =	sne.s32 s31, $0xFE00;
	[tilespmem:s30+$0x4270] =	vst v0  }
0x28: {  	[tilespmem:s30+$0x4200] =	vst v0  }
0x29: {  	[tilespmem:s30+$0x4210] =	vst v0  }
.Ltmp0:
0x2a: {  	[tilespmem:s30+$0x4220] =	vst v0;
	(pc) =	sbr.rel @p0 .LBB2_2-.Ltmp0, $4  }
0x2b: {  	[tilespmem:s30+$0x4230] =	vst v0  }
0x2c: {  	[tilespmem:s30+$0x4240] =	vst v0  }
0x2d: {  	[tilespmem:s30+$0x4250] =	vst v0  }
0x2e: {  	[tilespmem:s30+$0x4260] =	vst v0;
	s30 =	sshra.s32 s31, $0x2;
	s31 =	sadd.s32 $0x200, s31  }
0x2f: {  	[tilespmem:s30+$0x4270] =	vst v0  }
0x30: {  	[tilespmem:s30+$0x4200] =	vst v0  }
0x31: {  	[tilespmem:s30+$0x4210] =	vst v0  }
0x32: {  	[tilespmem:s30+$0x4220] =	vst v0  }
0x33: {  	[tilespmem:s30+$0x4230] =	vst v0  }
0x34: {  	[tilespmem:s30+$0x4240] =	vst v0  }
0x35: {  	[tilespmem:s30+$0x4250] =	vst v0  }
0x36: {  	[tilespmem:s30+$0x4260] =	vst v0  }
0x37: {  	[spmem:s8] =	stream.linear.scatter [tilespmem:s25], [sflag:$0x3], $0x4000, $0x38;
	[tilespmem:$0x1C200] =	vst v63  }
0x38: {  	_ =	swait.ge [sflag:s19], $0x4000  }
0x39: {  	[sflag:s19] =	ssyncset.done $0x0  }
0x3a: {  	[sflag:s19] =	ssyncadd.s32 $0xFFFFC000  }
0x3b: {  	[spmem:s10] =	stream.linear.scatter [tilespmem:s25], [sflag:$0x3], $0x4000, $0x38;
	[tilespmem:$0x1C200] =	vst v63  }
0x3c: {  	_ =	swait.ge [sflag:s19], $0x4000  }
0x3d: {  	[sflag:s19] =	ssyncset.done $0x0  }
0x3e: {  	[sflag:s19] =	ssyncadd.s32 $0xFFFFC000  }
0x3f: {  	[spmem:s11] =	stream.linear.scatter [tilespmem:s25], [sflag:$0x3], $0x4000, $0x38;
	[tilespmem:$0x1C200] =	vst v63  }
0x40: {  	_ =	swait.ge [sflag:s19], $0x4000  }
0x41: {  	[sflag:s19] =	ssyncset.done $0x0  }
0x42: {  	[sflag:s19] =	ssyncadd.s32 $0xFFFFC000  }
0x43: {  	[spmem:s12] =	stream.linear.scatter [tilespmem:s25], [sflag:$0x3], $0x4000, $0x38;
	[tilespmem:$0x1C200] =	vst v63  }
0x44: {  	_ =	swait.ge [sflag:s19], $0x4000  }
0x45: {  	[sflag:s19] =	ssyncset.done $0x0  }
0x46: {  	[sflag:s19] =	ssyncadd.s32 $0xFFFFC000  }
0x47: {  	[spmem:s13] =	stream.linear.scatter [tilespmem:s25], [sflag:$0x3], $0x4000, $0x38;
	[tilespmem:$0x1C200] =	vst v63  }
0x48: {  	_ =	swait.ge [sflag:s19], $0x4000  }
0x49: {  	[sflag:s19] =	ssyncset.done $0x0  }
0x4a: {  	[sflag:s19] =	ssyncadd.s32 $0xFFFFC000  }
0x4b: {  	[bflag:$0x0] =	sbarrier.arrive $0xFFFF  }
0x4c: {  	[tilespmem:s25], [sflag:$0x2] =	stream.indirect.gather [hbm4b:s4+s20], $0x80, s22, s20, $0xb8;
	[tilespmem:$0x1C200] =	vst v63  }
0x4d: {  	_ =	swait.ge [sflag:s26], $0x4000  }
0x4e: {  	[sflag:s26] =	ssyncset.done $0x0  }
0x4f: {  	[sflag:s26] =	ssyncadd.s32 $0xFFFFC000  }
0x50: {  	[spmem:s2] =	stream.indirect.scatter.add.f32 [tilespmem:s21], [sflag:$0x3], $0x80, s20, s20, $0xb8;
	[tilespmem:$0x1C200] =	vst v63  }
0x51: {  	_ =	swait.ge [sflag:s19], $0x4000  }
0x52: {  	[sflag:s19] =	ssyncset.done $0x0  }
0x53: {  	s30 =	sadd.s32 $0x0, s18;
	[sflag:s19] =	ssyncadd.s32 $0xFFFFC000  }
0x54: {  	[tilespmem:s3], [sflag:$0x3] =	stream.linear.gather [hbm4b:s30+s3], $0x80, $0x38;
	[tilespmem:$0x1C200] =	vst v63  }
0x55: {  	_ =	swait.ge [sflag:s19], $0x80  }
0x56: {  	[sflag:s19] =	ssyncset.done $0x0  }
0x57: {  	s30 =	sadd.s32 $0x0, s17;
	[sflag:s19] =	ssyncadd.s32 $0xFFFFFF80  }
0x58: {  	[tilespmem:s20], [sflag:$0x3] =	stream.linear.gather [hbm4b:s30+s3], $0x80, $0x38;
	[tilespmem:$0x1C200] =	vst v63  }
0x59: {  	_ =	swait.ge [sflag:s19], $0x80  }
0x5a: {  	[sflag:s19] =	ssyncset.done $0x0  }
0x5b: {  	[sflag:s19] =	ssyncadd.s32 $0xFFFFFF80  }
0x5c: {  	[tilespmem:s21], [sflag:$0x1] =	stream.indirect.gather [hbm4b:s4+s20], $0x80, s3, s20, $0xb8;
	[tilespmem:$0x1C200] =	vst v63  }
0x5d: {  	_ =	swait.ge [sflag:s28], $0x4000  }
0x5e: {  	[sflag:s28] =	ssyncset.done $0x0  }
0x5f: {  	[sflag:s28] =	ssyncadd.s32 $0xFFFFC000  }
0x60: {  	[spmem:s2] =	stream.indirect.scatter.add.f32 [tilespmem:s25], [sflag:$0x3], $0x80, s23, s20, $0xb8;
	[tilespmem:$0x1C200] =	vst v63  }
0x61: {  	_ =	swait.ge [sflag:s19], $0x4000  }
0x62: {  	[sflag:s19] =	ssyncset.done $0x0  }
0x63: {  	s30 =	sadd.s32 $0x0, s16;
	[sflag:s19] =	ssyncadd.s32 $0xFFFFC000  }
0x64: {  	[tilespmem:s22], [sflag:$0x3] =	stream.linear.gather [hbm4b:s30+s3], $0x80, $0x38;
	[tilespmem:$0x1C200] =	vst v63  }
0x65: {  	_ =	swait.ge [sflag:s19], $0x80  }
0x66: {  	[sflag:s19] =	ssyncset.done $0x0  }
0x67: {  	s30 =	sadd.s32 $0x0, s15;
	[sflag:s19] =	ssyncadd.s32 $0xFFFFFF80  }
0x68: {  	[tilespmem:s23], [sflag:$0x3] =	stream.linear.gather [hbm4b:s30+s3], $0x80, $0x38;
	[tilespmem:$0x1C200] =	vst v63  }
0x69: {  	_ =	swait.ge [sflag:s19], $0x80  }
0x6a: {  	[sflag:s19] =	ssyncset.done $0x0  }
0x6b: {  	s30 =	simm.s32 $0x20;
	[sflag:s19] =	ssyncadd.s32 $0xFFFFFF80  }
.LBB2_4:
0x6c: {  	[tilespmem:s25], [sflag:$0x2] =	stream.indirect.gather [hbm4b:s4+s20], $0x80, s22, s20, $0xb8;
	[tilespmem:$0x1C200] =	vst v63  }
0x6d: {  	s31 =	smov.u32 s30  }
0x6e: {  	p0 =	sne.s32 s30, $0x4C0;
	s30 =	sadd.s32 $0x20, s30;
	_ =	swait.ge [sflag:s26], $0x4000  }
0x6f: {  	[sflag:s26] =	ssyncset.done $0x0  }
0x70: {  	[sflag:s26] =	ssyncadd.s32 $0xFFFFC000  }
0x71: {  	[spmem:s2] =	stream.indirect.scatter.add.f32 [tilespmem:s21], [sflag:$0x3], $0x80, s20, s20, $0xb8;
	[tilespmem:$0x1C200] =	vst v63  }
0x72: {  	_ =	swait.ge [sflag:s19], $0x4000  }
0x73: {  	[sflag:s19] =	ssyncset.done $0x0  }
0x74: {  	s0 =	sadd.s32 s31, s18;
	[sflag:s19] =	ssyncadd.s32 $0xFFFFC000  }
0x75: {  	[tilespmem:s3], [sflag:$0x3] =	stream.linear.gather [hbm4b:s0+s3], $0x80, $0x38;
	[tilespmem:$0x1C200] =	vst v63  }
0x76: {  	_ =	swait.ge [sflag:s19], $0x80  }
0x77: {  	[sflag:s19] =	ssyncset.done $0x0  }
0x78: {  	s0 =	sadd.s32 s31, s17;
	[sflag:s19] =	ssyncadd.s32 $0xFFFFFF80  }
0x79: {  	[tilespmem:s20], [sflag:$0x3] =	stream.linear.gather [hbm4b:s0+s3], $0x80, $0x38;
	[tilespmem:$0x1C200] =	vst v63  }
0x7a: {  	_ =	swait.ge [sflag:s19], $0x80  }
0x7b: {  	[sflag:s19] =	ssyncset.done $0x0  }
0x7c: {  	[sflag:s19] =	ssyncadd.s32 $0xFFFFFF80  }
0x7d: {  	[tilespmem:s21], [sflag:$0x1] =	stream.indirect.gather [hbm4b:s4+s20], $0x80, s3, s20, $0xb8;
	[tilespmem:$0x1C200] =	vst v63  }
0x7e: {  	_ =	swait.ge [sflag:s28], $0x4000  }
0x7f: {  	[sflag:s28] =	ssyncset.done $0x0  }
0x80: {  	[sflag:s28] =	ssyncadd.s32 $0xFFFFC000  }
0x81: {  	[spmem:s2] =	stream.indirect.scatter.add.f32 [tilespmem:s25], [sflag:$0x3], $0x80, s23, s20, $0xb8;
	[tilespmem:$0x1C200] =	vst v63  }
0x82: {  	_ =	swait.ge [sflag:s19], $0x4000  }
0x83: {  	[sflag:s19] =	ssyncset.done $0x0  }
0x84: {  	s0 =	sadd.s32 s31, s16;
	[sflag:s19] =	ssyncadd.s32 $0xFFFFC000  }
0x85: {  	[tilespmem:s22], [sflag:$0x3] =	stream.linear.gather [hbm4b:s0+s3], $0x80, $0x38;
	[tilespmem:$0x1C200] =	vst v63  }
0x86: {  	_ =	swait.ge [sflag:s19], $0x80  }
0x87: {  	[sflag:s19] =	ssyncset.done $0x0  }
.Ltmp1:
0x88: {  	s0 =	sadd.s32 s31, s15;
	[sflag:s19] =	ssyncadd.s32 $0xFFFFFF80;
	(pc) =	sbr.rel @p0 .LBB2_4-.Ltmp1, $4  }
0x89: {  	[tilespmem:s23], [sflag:$0x3] =	stream.linear.gather [hbm4b:s0+s3], $0x80, $0x38;
	[tilespmem:$0x1C200] =	vst v63  }
0x8a: {  	_ =	swait.ge [sflag:s19], $0x80  }
0x8b: {  	[sflag:s19] =	ssyncset.done $0x0  }
0x8c: {  	[sflag:s19] =	ssyncadd.s32 $0xFFFFFF80  }
0x8d: {  	[tilespmem:s25], [sflag:$0x2] =	stream.indirect.gather [hbm4b:s4+s20], $0x80, s22, s20, $0xb8;
	[tilespmem:$0x1C200] =	vst v63  }
0x8e: {  	_ =	swait.ge [sflag:s26], $0x4000  }
0x8f: {  	[sflag:s26] =	ssyncset.done $0x0  }
0x90: {  	[sflag:s26] =	ssyncadd.s32 $0xFFFFC000  }
0x91: {  	[spmem:s2] =	stream.indirect.scatter.add.f32 [tilespmem:s21], [sflag:$0x3], $0x80, s20, s20, $0xb8;
	[tilespmem:$0x1C200] =	vst v63  }
0x92: {  	_ =	swait.ge [sflag:s19], $0x4000  }
0x93: {  	[sflag:s19] =	ssyncset.done $0x0  }
0x94: {  	[sflag:s19] =	ssyncadd.s32 $0xFFFFC000  }
0x95: {  	[tilespmem:s3], [sflag:$0x3] =	stream.linear.gather [hbm4b:s5+s3], $0x80, $0x38;
	[tilespmem:$0x1C200] =	vst v63  }
0x96: {  	_ =	swait.ge [sflag:s19], $0x80  }
0x97: {  	[sflag:s19] =	ssyncset.done $0x0  }
0x98: {  	[sflag:s19] =	ssyncadd.s32 $0xFFFFFF80  }
0x99: {  	[tilespmem:s20], [sflag:$0x3] =	stream.linear.gather [hbm4b:s6+s3], $0x80, $0x38;
	[tilespmem:$0x1C200] =	vst v63  }
0x9a: {  	_ =	swait.ge [sflag:s19], $0x80  }
0x9b: {  	[sflag:s19] =	ssyncset.done $0x0  }
0x9c: {  	[sflag:s19] =	ssyncadd.s32 $0xFFFFFF80  }
0x9d: {  	[tilespmem:s21], [sflag:$0x1] =	stream.indirect.gather [hbm4b:s4+s20], $0x80, s3, s20, $0xb8;
	[tilespmem:$0x1C200] =	vst v63  }
0x9e: {  	_ =	swait.ge [sflag:s28], $0x4000  }
0x9f: {  	[sflag:s28] =	ssyncset.done $0x0  }
0xa0: {  	[sflag:s28] =	ssyncadd.s32 $0xFFFFC000  }
0xa1: {  	[spmem:s2] =	stream.indirect.scatter.add.f32 [tilespmem:s25], [sflag:$0x3], $0x80, s23, s20, $0xb8;
	[tilespmem:$0x1C200] =	vst v63  }
0xa2: {  	_ =	swait.ge [sflag:s19], $0x4000  }
0xa3: {  	[sflag:s19] =	ssyncset.done $0x0  }
0xa4: {  	[sflag:s19] =	ssyncadd.s32 $0xFFFFC000  }
0xa5: {  	[tilespmem:s22], [sflag:$0x3] =	stream.linear.gather [hbm4b:s7+s3], $0x80, $0x38;
	[tilespmem:$0x1C200] =	vst v63  }
0xa6: {  	_ =	swait.ge [sflag:s19], $0x80  }
0xa7: {  	[sflag:s19] =	ssyncset.done $0x0  }
0xa8: {  	[sflag:s19] =	ssyncadd.s32 $0xFFFFFF80  }
0xa9: {  	[tilespmem:s23], [sflag:$0x3] =	stream.linear.gather [hbm4b:s9+s3], $0x80, $0x38;
	[tilespmem:$0x1C200] =	vst v63  }
0xaa: {  	_ =	swait.ge [sflag:s19], $0x80  }
0xab: {  	[sflag:s19] =	ssyncset.done $0x0  }
0xac: {  	[sflag:s19] =	ssyncadd.s32 $0xFFFFFF80  }
0xad: {  	[tilespmem:s25], [sflag:$0x2] =	stream.indirect.gather [hbm4b:s4+s20], $0x80, s22, s20, $0xb8;
	[tilespmem:$0x1C200] =	vst v63  }
0xae: {  	_ =	swait.ge [sflag:s26], $0x4000  }
0xaf: {  	[sflag:s26] =	ssyncset.done $0x0  }
0xb0: {  	[sflag:s26] =	ssyncadd.s32 $0xFFFFC000  }
0xb1: {  	_ =	swait.ge [sflag:s28], $0x4000  }
0xb2: {  	s0 =	sshll.u32 s1, $0x6;
	s29 =	sadd.s32 $0x1, s29;
	[sflag:s28] =	ssyncset.done $0x0  }
0xb3: {  	s30 =	sshrl.u32 s8, $0x3;
	p0 =	sne.s32 s29, s14;
	[sflag:s28] =	ssyncadd.s32 $0xFFFFC000  }
.Ltmp2:
0xb4: {  	s0 =	sor.u32 $0x1C03, s0;
	[bflag:$0x0] =	sbarrier.arrive $0xFFFF;
	(pc) =	sbr.rel @p0 .LBB2_1-.Ltmp2, $4  }
0xb5: {  	[hbm:s24], [sflag:s0] =	dma.local [spmem:s30], $0x2800  }
0xb6: {  	_ =	swait.ge [sflag:s19], $0x2800  }
0xb7: {  	[sflag:s19] =	ssyncset.done $0x0  }
0xb8: {  	[sflag:s19] =	ssyncadd.s32 $0xFFFFD800  }
0xb9: {  	_ =	sfence.sel $0x180000  }
0xba: {  	[bflag:$0x0] =	sbarrier.arrive $0xFFFF  }
0xbb: {  	_ =	strace $0x9000004D  }
0xbc: {  	[bflag:$0x2] =	sbarrier.arrive $0xFFFF  }
0xbd: {  	p0 =	sne.s32 s1, $0x0;
	s0 =	rddreg [dreg:$0x2]  }
0xbe: {  	s0 =	sadd.s32 @!p0 $0x100000, s0  }
0xbf: {  	[sflag:s0] =	ssyncadd.tile.s32 @!p0 $0x1;
	_ =	shalt  }
.Lfunc_end2:
_tile_overlayer_lowered:
.L_overlay_start_2:
0xc0: {  	(tag) =	ssettag $0x2  }
0xc1: {  	s0 =	rddreg [dreg:$0x0];
	s2 =	stileid.u32  }
0xc2: {  	s1 =	rddreg [dreg:$0x1];
	p0 =	sne.s32 s2, $0x0  }
0xc3: {  	s3 =	rddreg [dreg:$0x2];
	[bflag:$0x3] =	sbarrier.arrive $0xFFFF;
	s2 =	simm.s32 @!p0 $0x1C03  }
0xc4: {  	[timem:s3], [sflag:s2] =	dma.local @!p0 [hbm:s0], s1  }
0xc5: {  	s0 =	simm.s32 @!p0 $0x3  }
0xc6: {  	_ =	swait.ge @!p0 [sflag:s0], s1  }
0xc7: {  	s1 =	ssub.s32 @!p0 $0x0, s1;
	[sflag:s0] =	ssyncset.done @!p0 $0x0  }
0xc8: {  	[sflag:s0] =	ssyncadd.s32 @!p0 s1  }
0xc9: {  	[bflag:$0x3] =	sbarrier.arrive $0xFFFF  }
0xca: {  	_ =	shalt  }

</sc_bundles>
